<compile_context>
chip_gen: v7x
topology: tpu7x:2x2x1
jax: 0.10.2.dev20260603
libtpu: 0.0.44.dev20260713+nightly
codegen_flags: <defaults>
</compile_context>

<pallas_src>
import functools

import jax
import jax.numpy as jnp
from jax import lax
from jax.experimental import pallas as pl
from jax.experimental.pallas import tpu as pltpu
from jax.experimental.pallas import tpu_sc as plsc

_NC = 2
_NS = 16
_NW = _NC * _NS

_PADD = 128
_KB = 8
_NBUF = 2


def _pad8(n):
    return (n + 7) // 8 * 8


@functools.lru_cache(maxsize=None)
def _make_gather(batch, hist, d_model):
    assert batch % (_NW * _KB * _NBUF) == 0
    b_per_w = batch // _NW
    n_super = b_per_w // (_KB * _NBUF)
    hist_p = _pad8(hist)

    mesh = plsc.VectorSubcoreMesh(core_axis_name="c", subcore_axis_name="s")

    @functools.partial(
        pl.kernel,
        mesh=mesh,
        out_type=jax.ShapeDtypeStruct((batch * hist_p, _PADD), jnp.float32),
        compiler_params=pltpu.CompilerParams(use_tc_tiling_on_sc=False),
        scratch_types=[
            pltpu.VMEM((_NBUF, _KB, hist), jnp.int32),
            pltpu.VMEM((_NBUF, _KB * hist, d_model), jnp.float32),
            pltpu.SemaphoreType.DMA,
            pltpu.SemaphoreType.DMA,
            pltpu.SemaphoreType.DMA,
            pltpu.SemaphoreType.DMA,
        ],
    )
    def gather_kernel(x_hbm, table_hbm, out_hbm, idx_v, rows_v, g0, g1, o0, o1):
        gsem = [g0, g1]
        osem = [o0, o1]
        wid = lax.axis_index("s") * _NC + lax.axis_index("c")
        b_base = wid * b_per_w

        def out_src_dst(b, b0):
            for j in range(_KB):
                yield (
                    rows_v.at[b].at[pl.ds(j * hist, hist)],
                    out_hbm.at[pl.ds((b0 + j) * hist_p, hist), pl.ds(0, d_model)],
                )

        def super_iter(t, carry):
            for b in range(_NBUF):
                b0 = b_base + (t * _NBUF + b) * _KB

                @pl.when(t > 0)
                def _():
                    for src, dst in out_src_dst(b, b0):
                        pltpu.make_async_copy(src, dst, osem[b]).wait()

                pltpu.sync_copy(x_hbm.at[pl.ds(b0, _KB)], idx_v.at[b])
                for j in range(_KB):
                    pltpu.async_copy(
                        table_hbm.at[idx_v.at[b].at[j]],
                        rows_v.at[b].at[pl.ds(j * hist, hist)],
                        gsem[b],
                    )

            for b in range(_NBUF):
                b0 = b_base + (t * _NBUF + b) * _KB
                for j in range(_KB):
                    pltpu.make_async_copy(
                        table_hbm.at[idx_v.at[b].at[j]],
                        rows_v.at[b].at[pl.ds(j * hist, hist)],
                        gsem[b],
                    ).wait()
                for src, dst in out_src_dst(b, b0):
                    pltpu.async_copy(src, dst, osem[b])
            return carry

        lax.fori_loop(0, n_super, super_iter, 0)

        for b in range(_NBUF):
            b0 = b_base + ((n_super - 1) * _NBUF + b) * _KB
            for src, dst in out_src_dst(b, b0):
                pltpu.make_async_copy(src, dst, osem[b]).wait()

    return gather_kernel


def kernel(x, table):
    batch, hist = x.shape
    d_model = table.shape[1]
    hist_p = _pad8(hist)
    out_p = _make_gather(batch, hist, d_model)(x.astype(jnp.int32), table)
    return out_p.reshape(batch, hist_p, _PADD)[:, :hist, :d_model]

# --- scband reference (transcript-rebuilt; emitter-appended) ---
"""Pipeline reference for scband-learned-number-embedding-29721173688597 (READ-ONLY COPY).

The authoritative reference and input builder live on the scoring server;
editing this copy changes nothing except your own understanding.
"""

import jax, jax.numpy as jnp
import numpy as np

MAX_NUM = 999999
D_MODEL = 64
BATCH = 16384
HIST = 50

def setup_inputs(seed: int = 0) -> dict:
    key = jax.random.key(seed)
    k_idx, k_tab = jax.random.split(key)
    x = jax.random.randint(k_idx, (BATCH, HIST), 0, 1000000, dtype=jnp.int64 if jax.config.jax_enable_x64 else jnp.int32)
    table = jax.random.normal(k_tab, (MAX_NUM + 1, D_MODEL), dtype=jnp.float32)
    return {"x": x, "table": table}

def reference(x, table):
    # nn.Embedding forward: gather rows of the table by index
    return jnp.take(table, x, axis=0)

if __name__ == "__main__":
    import jax
    _d = setup_inputs()
    print(jax.jit(kernel)(*tuple(_d.values())))

</pallas_src>

<mosaic_0001>
#map = affine_map<(d0, d1) -> (0, 0)>
module attributes {stable_mosaic.version = 14 : i64} {
  func.func @gather_kernel(%arg0: i32, %arg1: i32, %arg2: memref<16384x50xi32, #tpu.memory_space<hbm>>, %arg3: memref<1000000x64xf32, #tpu.memory_space<hbm>>, %arg4: memref<917504x128xf32, #tpu.memory_space<hbm>>, %arg5: memref<2x8x50xi32, #tpu.memory_space<vmem>>, %arg6: memref<2x400x64xf32, #tpu.memory_space<vmem>>, %arg7: memref<!tpu.dma_semaphore, #tpu.memory_space<semaphore_mem>>, %arg8: memref<!tpu.dma_semaphore, #tpu.memory_space<semaphore_mem>>, %arg9: memref<!tpu.dma_semaphore, #tpu.memory_space<semaphore_mem>>, %arg10: memref<!tpu.dma_semaphore, #tpu.memory_space<semaphore_mem>>) attributes {dimension_semantics = [#tpu.dimension_semantics<core_parallel>, #tpu.dimension_semantics<subcore_parallel>], iteration_bounds = array<i64: 2, 16>, scalar_prefetch = 0 : i64, scratch_operands = 6 : i64, tpu.core_type = #tpu.core_type<sc_vector_subcore>, window_params = [{transform_indices = #map}, {transform_indices = #map}, {transform_indices = #map}]} {
    %mul3A = arith.constant 2 : i32
    %mul3A_0 = arith.muli %arg1, %mul3A : i32
    %add3A = arith.addi %mul3A_0, %arg0 : i32
    %mul3A_1 = arith.constant 512 : i32
    %mul3A_2 = arith.muli %add3A, %mul3A_1 : i32
    %scan3A = arith.constant 0 : i32
    %scan3A_3 = arith.constant 0 : i32
    %scan3A_4 = arith.constant 32 : i32
    %scan3A_5 = arith.addi %scan3A_3, %scan3A_4 : i32
    %scan3A_6 = arith.constant 1 : i32
    scf.for %scan3A_379 = %scan3A_3 to %scan3A_5 step %scan3A_6  : i32 {
      %mul3A_380 = arith.constant 2 : i32
      %mul3A_381 = arith.muli %scan3A_379, %mul3A_380 : i32
      %add3A_382 = arith.constant 0 : i32
      %add3A_383 = arith.addi %mul3A_381, %add3A_382 : i32
      %mul3A_384 = arith.constant 8 : i32
      %mul3A_385 = arith.muli %add3A_383, %mul3A_384 : i32
      %add3A_386 = arith.addi %mul3A_2, %mul3A_385 : i32
      %gt3A = arith.constant 0 : i32
      %gt3A_387 = arith.cmpi sgt, %scan3A_379, %gt3A : i32
      %convert_element_type3A = arith.extui %gt3A_387 : i1 to i32
      %cond3A = arith.constant 0 : i32
      %cond3A_388 = arith.cmpi ne, %convert_element_type3A, %cond3A : i32
      scf.if %cond3A_388 {
        %add3A_1423 = arith.constant 0 : i32
        %add3A_1424 = arith.addi %add3A_386, %add3A_1423 : i32
        %mul3A_1425 = arith.constant 56 : i32
        %mul3A_1426 = arith.muli %add3A_1424, %mul3A_1425 : i32
        %dma_wait3A_1427 = arith.constant 0 : i32
        %dma_wait3A_1428 = arith.constant 0 : i32
        %dma_wait3A_1429 = arith.constant 0 : i32
        %dma_wait3A_1430 = tpu.memref_slice %arg6[%dma_wait3A_1427, %dma_wait3A_1428, %dma_wait3A_1429] : memref<2x400x64xf32, #tpu.memory_space<vmem>> -> memref<1x400x64xf32, #tpu.memory_space<vmem>>
        %dma_wait3A_1431 = tpu.memref_squeeze %dma_wait3A_1430 : memref<1x400x64xf32, #tpu.memory_space<vmem>> -> memref<400x64xf32, #tpu.memory_space<vmem>>
        %dma_wait3A_1432 = arith.constant 0 : i32
        %dma_wait3A_1433 = arith.constant 0 : i32
        %dma_wait3A_1434 = tpu.memref_slice %dma_wait3A_1431[%dma_wait3A_1432, %dma_wait3A_1433] : memref<400x64xf32, #tpu.memory_space<vmem>> -> memref<50x64xf32, #tpu.memory_space<vmem>>
        %dma_wait3A_1435 = arith.constant 0 : i32
        %dma_wait3A_1436 = tpu.memref_slice %arg4[%mul3A_1426, %dma_wait3A_1435] : memref<917504x128xf32, #tpu.memory_space<hbm>> -> memref<50x64xf32, #tpu.memory_space<hbm>>
        %dma_wait3A_1437 = arith.constant 0 : i32
        %dma_wait3A_1438 = tpu.memref_slice %arg4[%mul3A_1426, %dma_wait3A_1437] : memref<917504x128xf32, #tpu.memory_space<hbm>> -> memref<50x64xf32, #tpu.memory_space<hbm>>
        %dma_wait3A_1439 = arith.constant 0 : i32
        %dma_wait3A_1440 = arith.constant 0 : i32
        %dma_wait3A_1441 = tpu.memref_slice %arg6[%dma_wait3A_1427, %dma_wait3A_1439, %dma_wait3A_1440] : memref<2x400x64xf32, #tpu.memory_space<vmem>> -> memref<1x400x64xf32, #tpu.memory_space<vmem>>
        %dma_wait3A_1442 = tpu.memref_squeeze %dma_wait3A_1441 : memref<1x400x64xf32, #tpu.memory_space<vmem>> -> memref<400x64xf32, #tpu.memory_space<vmem>>
        %dma_wait3A_1443 = arith.constant 0 : i32
        %dma_wait3A_1444 = arith.constant 0 : i32
        %dma_wait3A_1445 = tpu.memref_slice %dma_wait3A_1442[%dma_wait3A_1443, %dma_wait3A_1444] : memref<400x64xf32, #tpu.memory_space<vmem>> -> memref<50x64xf32, #tpu.memory_space<vmem>>
        tpu.wait_dma2 semaphore(%arg9 : memref<!tpu.dma_semaphore, #tpu.memory_space<semaphore_mem>>) src(%dma_wait3A_1445 : memref<50x64xf32, #tpu.memory_space<vmem>>) dst(%dma_wait3A_1438 : memref<50x64xf32, #tpu.memory_space<hbm>>)
        %add3A_1446 = arith.constant 1 : i32
        %add3A_1447 = arith.addi %add3A_386, %add3A_1446 : i32
        %mul3A_1448 = arith.constant 56 : i32
        %mul3A_1449 = arith.muli %add3A_1447, %mul3A_1448 : i32
        %dma_wait3A_1450 = arith.constant 0 : i32
        %dma_wait3A_1451 = arith.constant 0 : i32
        %dma_wait3A_1452 = arith.constant 0 : i32
        %dma_wait3A_1453 = tpu.memref_slice %arg6[%dma_wait3A_1450, %dma_wait3A_1451, %dma_wait3A_1452] : memref<2x400x64xf32, #tpu.memory_space<vmem>> -> memref<1x400x64xf32, #tpu.memory_space<vmem>>
        %dma_wait3A_1454 = tpu.memref_squeeze %dma_wait3A_1453 : memref<1x400x64xf32, #tpu.memory_space<vmem>> -> memref<400x64xf32, #tpu.memory_space<vmem>>
        %dma_wait3A_1455 = arith.constant 50 : i32
        %dma_wait3A_1456 = arith.constant 0 : i32
        %dma_wait3A_1457 = tpu.memref_slice %dma_wait3A_1454[%dma_wait3A_1455, %dma_wait3A_1456] : memref<400x64xf32, #tpu.memory_space<vmem>> -> memref<50x64xf32, #tpu.memory_space<vmem>>
        %dma_wait3A_1458 = arith.constant 0 : i32
        %dma_wait3A_1459 = tpu.memref_slice %arg4[%mul3A_1449, %dma_wait3A_1458] : memref<917504x128xf32, #tpu.memory_space<hbm>> -> memref<50x64xf32, #tpu.memory_space<hbm>>
        %dma_wait3A_1460 = arith.constant 0 : i32
        %dma_wait3A_1461 = tpu.memref_slice %arg4[%mul3A_1449, %dma_wait3A_1460] : memref<917504x128xf32, #tpu.memory_space<hbm>> -> memref<50x64xf32, #tpu.memory_space<hbm>>
        %dma_wait3A_1462 = arith.constant 0 : i32
        %dma_wait3A_1463 = arith.constant 0 : i32
        %dma_wait3A_1464 = tpu.memref_slice %arg6[%dma_wait3A_1450, %dma_wait3A_1462, %dma_wait3A_1463] : memref<2x400x64xf32, #tpu.memory_space<vmem>> -> memref<1x400x64xf32, #tpu.memory_space<vmem>>
        %dma_wait3A_1465 = tpu.memref_squeeze %dma_wait3A_1464 : memref<1x400x64xf32, #tpu.memory_space<vmem>> -> memref<400x64xf32, #tpu.memory_space<vmem>>
        %dma_wait3A_1466 = arith.constant 50 : i32
        %dma_wait3A_1467 = arith.constant 0 : i32
        %dma_wait3A_1468 = tpu.memref_slice %dma_wait3A_1465[%dma_wait3A_1466, %dma_wait3A_1467] : memref<400x64xf32, #tpu.memory_space<vmem>> -> memref<50x64xf32, #tpu.memory_space<vmem>>
        tpu.wait_dma2 semaphore(%arg9 : memref<!tpu.dma_semaphore, #tpu.memory_space<semaphore_mem>>) src(%dma_wait3A_1468 : memref<50x64xf32, #tpu.memory_space<vmem>>) dst(%dma_wait3A_1461 : memref<50x64xf32, #tpu.memory_space<hbm>>)
        %add3A_1469 = arith.constant 2 : i32
        %add3A_1470 = arith.addi %add3A_386, %add3A_1469 : i32
        %mul3A_1471 = arith.constant 56 : i32
        %mul3A_1472 = arith.muli %add3A_1470, %mul3A_1471 : i32
        %dma_wait3A_1473 = arith.constant 0 : i32
        %dma_wait3A_1474 = arith.constant 0 : i32
        %dma_wait3A_1475 = arith.constant 0 : i32
        %dma_wait3A_1476 = tpu.memref_slice %arg6[%dma_wait3A_1473, %dma_wait3A_1474, %dma_wait3A_1475] : memref<2x400x64xf32, #tpu.memory_space<vmem>> -> memref<1x400x64xf32, #tpu.memory_space<vmem>>
        %dma_wait3A_1477 = tpu.memref_squeeze %dma_wait3A_1476 : memref<1x400x64xf32, #tpu.memory_space<vmem>> -> memref<400x64xf32, #tpu.memory_space<vmem>>
        %dma_wait3A_1478 = arith.constant 100 : i32
        %dma_wait3A_1479 = arith.constant 0 : i32
        %dma_wait3A_1480 = tpu.memref_slice %dma_wait3A_1477[%dma_wait3A_1478, %dma_wait3A_1479] : memref<400x64xf32, #tpu.memory_space<vmem>> -> memref<50x64xf32, #tpu.memory_space<vmem>>
        %dma_wait3A_1481 = arith.constant 0 : i32
        %dma_wait3A_1482 = tpu.memref_slice %arg4[%mul3A_1472, %dma_wait3A_1481] : memref<917504x128xf32, #tpu.memory_space<hbm>> -> memref<50x64xf32, #tpu.memory_space<hbm>>
        %dma_wait3A_1483 = arith.constant 0 : i32
        %dma_wait3A_1484 = tpu.memref_slice %arg4[%mul3A_1472, %dma_wait3A_1483] : memref<917504x128xf32, #tpu.memory_space<hbm>> -> memref<50x64xf32, #tpu.memory_space<hbm>>
        %dma_wait3A_1485 = arith.constant 0 : i32
        %dma_wait3A_1486 = arith.constant 0 : i32
        %dma_wait3A_1487 = tpu.memref_slice %arg6[%dma_wait3A_1473, %dma_wait3A_1485, %dma_wait3A_1486] : memref<2x400x64xf32, #tpu.memory_space<vmem>> -> memref<1x400x64xf32, #tpu.memory_space<vmem>>
        %dma_wait3A_1488 = tpu.memref_squeeze %dma_wait3A_1487 : memref<1x400x64xf32, #tpu.memory_space<vmem>> -> memref<400x64xf32, #tpu.memory_space<vmem>>
        %dma_wait3A_1489 = arith.constant 100 : i32
        %dma_wait3A_1490 = arith.constant 0 : i32
        %dma_wait3A_1491 = tpu.memref_slice %dma_wait3A_1488[%dma_wait3A_1489, %dma_wait3A_1490] : memref<400x64xf32, #tpu.memory_space<vmem>> -> memref<50x64xf32, #tpu.memory_space<vmem>>
        tpu.wait_dma2 semaphore(%arg9 : memref<!tpu.dma_semaphore, #tpu.memory_space<semaphore_mem>>) src(%dma_wait3A_1491 : memref<50x64xf32, #tpu.memory_space<vmem>>) dst(%dma_wait3A_1484 : memref<50x64xf32, #tpu.memory_space<hbm>>)
        %add3A_1492 = arith.constant 3 : i32
        %add3A_1493 = arith.addi %add3A_386, %add3A_1492 : i32
        %mul3A_1494 = arith.constant 56 : i32
        %mul3A_1495 = arith.muli %add3A_1493, %mul3A_1494 : i32
        %dma_wait3A_1496 = arith.constant 0 : i32
        %dma_wait3A_1497 = arith.constant 0 : i32
        %dma_wait3A_1498 = arith.constant 0 : i32
        %dma_wait3A_1499 = tpu.memref_slice %arg6[%dma_wait3A_1496, %dma_wait3A_1497, %dma_wait3A_1498] : memref<2x400x64xf32, #tpu.memory_space<vmem>> -> memref<1x400x64xf32, #tpu.memory_space<vmem>>
        %dma_wait3A_1500 = tpu.memref_squeeze %dma_wait3A_1499 : memref<1x400x64xf32, #tpu.memory_space<vmem>> -> memref<400x64xf32, #tpu.memory_space<vmem>>
        %dma_wait3A_1501 = arith.constant 150 : i32
        %dma_wait3A_1502 = arith.constant 0 : i32
        %dma_wait3A_1503 = tpu.memref_slice %dma_wait3A_1500[%dma_wait3A_1501, %dma_wait3A_1502] : memref<400x64xf32, #tpu.memory_space<vmem>> -> memref<50x64xf32, #tpu.memory_space<vmem>>
        %dma_wait3A_1504 = arith.constant 0 : i32
        %dma_wait3A_1505 = tpu.memref_slice %arg4[%mul3A_1495, %dma_wait3A_1504] : memref<917504x128xf32, #tpu.memory_space<hbm>> -> memref<50x64xf32, #tpu.memory_space<hbm>>
        %dma_wait3A_1506 = arith.constant 0 : i32
        %dma_wait3A_1507 = tpu.memref_slice %arg4[%mul3A_1495, %dma_wait3A_1506] : memref<917504x128xf32, #tpu.memory_space<hbm>> -> memref<50x64xf32, #tpu.memory_space<hbm>>
        %dma_wait3A_1508 = arith.constant 0 : i32
        %dma_wait3A_1509 = arith.constant 0 : i32
        %dma_wait3A_1510 = tpu.memref_slice %arg6[%dma_wait3A_1496, %dma_wait3A_1508, %dma_wait3A_1509] : memref<2x400x64xf32, #tpu.memory_space<vmem>> -> memref<1x400x64xf32, #tpu.memory_space<vmem>>
        %dma_wait3A_1511 = tpu.memref_squeeze %dma_wait3A_1510 : memref<1x400x64xf32, #tpu.memory_space<vmem>> -> memref<400x64xf32, #tpu.memory_space<vmem>>
        %dma_wait3A_1512 = arith.constant 150 : i32
        %dma_wait3A_1513 = arith.constant 0 : i32
        %dma_wait3A_1514 = tpu.memref_slice %dma_wait3A_1511[%dma_wait3A_1512, %dma_wait3A_1513] : memref<400x64xf32, #tpu.memory_space<vmem>> -> memref<50x64xf32, #tpu.memory_space<vmem>>
        tpu.wait_dma2 semaphore(%arg9 : memref<!tpu.dma_semaphore, #tpu.memory_space<semaphore_mem>>) src(%dma_wait3A_1514 : memref<50x64xf32, #tpu.memory_space<vmem>>) dst(%dma_wait3A_1507 : memref<50x64xf32, #tpu.memory_space<hbm>>)
        %add3A_1515 = arith.constant 4 : i32
        %add3A_1516 = arith.addi %add3A_386, %add3A_1515 : i32
        %mul3A_1517 = arith.constant 56 : i32
        %mul3A_1518 = arith.muli %add3A_1516, %mul3A_1517 : i32
        %dma_wait3A_1519 = arith.constant 0 : i32
        %dma_wait3A_1520 = arith.constant 0 : i32
        %dma_wait3A_1521 = arith.constant 0 : i32
        %dma_wait3A_1522 = tpu.memref_slice %arg6[%dma_wait3A_1519, %dma_wait3A_1520, %dma_wait3A_1521] : memref<2x400x64xf32, #tpu.memory_space<vmem>> -> memref<1x400x64xf32, #tpu.memory_space<vmem>>
        %dma_wait3A_1523 = tpu.memref_squeeze %dma_wait3A_1522 : memref<1x400x64xf32, #tpu.memory_space<vmem>> -> memref<400x64xf32, #tpu.memory_space<vmem>>
        %dma_wait3A_1524 = arith.constant 200 : i32
        %dma_wait3A_1525 = arith.constant 0 : i32
        %dma_wait3A_1526 = tpu.memref_slice %dma_wait3A_1523[%dma_wait3A_1524, %dma_wait3A_1525] : memref<400x64xf32, #tpu.memory_space<vmem>> -> memref<50x64xf32, #tpu.memory_space<vmem>>
        %dma_wait3A_1527 = arith.constant 0 : i32
        %dma_wait3A_1528 = tpu.memref_slice %arg4[%mul3A_1518, %dma_wait3A_1527] : memref<917504x128xf32, #tpu.memory_space<hbm>> -> memref<50x64xf32, #tpu.memory_space<hbm>>
        %dma_wait3A_1529 = arith.constant 0 : i32
        %dma_wait3A_1530 = tpu.memref_slice %arg4[%mul3A_1518, %dma_wait3A_1529] : memref<917504x128xf32, #tpu.memory_space<hbm>> -> memref<50x64xf32, #tpu.memory_space<hbm>>
        %dma_wait3A_1531 = arith.constant 0 : i32
        %dma_wait3A_1532 = arith.constant 0 : i32
        %dma_wait3A_1533 = tpu.memref_slice %arg6[%dma_wait3A_1519, %dma_wait3A_1531, %dma_wait3A_1532] : memref<2x400x64xf32, #tpu.memory_space<vmem>> -> memref<1x400x64xf32, #tpu.memory_space<vmem>>
        %dma_wait3A_1534 = tpu.memref_squeeze %dma_wait3A_1533 : memref<1x400x64xf32, #tpu.memory_space<vmem>> -> memref<400x64xf32, #tpu.memory_space<vmem>>
        %dma_wait3A_1535 = arith.constant 200 : i32
        %dma_wait3A_1536 = arith.constant 0 : i32
        %dma_wait3A_1537 = tpu.memref_slice %dma_wait3A_1534[%dma_wait3A_1535, %dma_wait3A_1536] : memref<400x64xf32, #tpu.memory_space<vmem>> -> memref<50x64xf32, #tpu.memory_space<vmem>>
        tpu.wait_dma2 semaphore(%arg9 : memref<!tpu.dma_semaphore, #tpu.memory_space<semaphore_mem>>) src(%dma_wait3A_1537 : memref<50x64xf32, #tpu.memory_space<vmem>>) dst(%dma_wait3A_1530 : memref<50x64xf32, #tpu.memory_space<hbm>>)
        %add3A_1538 = arith.constant 5 : i32
        %add3A_1539 = arith.addi %add3A_386, %add3A_1538 : i32
        %mul3A_1540 = arith.constant 56 : i32
        %mul3A_1541 = arith.muli %add3A_1539, %mul3A_1540 : i32
        %dma_wait3A_1542 = arith.constant 0 : i32
        %dma_wait3A_1543 = arith.constant 0 : i32
        %dma_wait3A_1544 = arith.constant 0 : i32
        %dma_wait3A_1545 = tpu.memref_slice %arg6[%dma_wait3A_1542, %dma_wait3A_1543, %dma_wait3A_1544] : memref<2x400x64xf32, #tpu.memory_space<vmem>> -> memref<1x400x64xf32, #tpu.memory_space<vmem>>
        %dma_wait3A_1546 = tpu.memref_squeeze %dma_wait3A_1545 : memref<1x400x64xf32, #tpu.memory_space<vmem>> -> memref<400x64xf32, #tpu.memory_space<vmem>>
        %dma_wait3A_1547 = arith.constant 250 : i32
        %dma_wait3A_1548 = arith.constant 0 : i32
        %dma_wait3A_1549 = tpu.memref_slice %dma_wait3A_1546[%dma_wait3A_1547, %dma_wait3A_1548] : memref<400x64xf32, #tpu.memory_space<vmem>> -> memref<50x64xf32, #tpu.memory_space<vmem>>
        %dma_wait3A_1550 = arith.constant 0 : i32
        %dma_wait3A_1551 = tpu.memref_slice %arg4[%mul3A_1541, %dma_wait3A_1550] : memref<917504x128xf32, #tpu.memory_space<hbm>> -> memref<50x64xf32, #tpu.memory_space<hbm>>
        %dma_wait3A_1552 = arith.constant 0 : i32
        %dma_wait3A_1553 = tpu.memref_slice %arg4[%mul3A_1541, %dma_wait3A_1552] : memref<917504x128xf32, #tpu.memory_space<hbm>> -> memref<50x64xf32, #tpu.memory_space<hbm>>
        %dma_wait3A_1554 = arith.constant 0 : i32
        %dma_wait3A_1555 = arith.constant 0 : i32
        %dma_wait3A_1556 = tpu.memref_slice %arg6[%dma_wait3A_1542, %dma_wait3A_1554, %dma_wait3A_1555] : memref<2x400x64xf32, #tpu.memory_space<vmem>> -> memref<1x400x64xf32, #tpu.memory_space<vmem>>
        %dma_wait3A_1557 = tpu.memref_squeeze %dma_wait3A_1556 : memref<1x400x64xf32, #tpu.memory_space<vmem>> -> memref<400x64xf32, #tpu.memory_space<vmem>>
        %dma_wait3A_1558 = arith.constant 250 : i32
        %dma_wait3A_1559 = arith.constant 0 : i32
        %dma_wait3A_1560 = tpu.memref_slice %dma_wait3A_1557[%dma_wait3A_1558, %dma_wait3A_1559] : memref<400x64xf32, #tpu.memory_space<vmem>> -> memref<50x64xf32, #tpu.memory_space<vmem>>
        tpu.wait_dma2 semaphore(%arg9 : memref<!tpu.dma_semaphore, #tpu.memory_space<semaphore_mem>>) src(%dma_wait3A_1560 : memref<50x64xf32, #tpu.memory_space<vmem>>) dst(%dma_wait3A_1553 : memref<50x64xf32, #tpu.memory_space<hbm>>)
        %add3A_1561 = arith.constant 6 : i32
        %add3A_1562 = arith.addi %add3A_386, %add3A_1561 : i32
        %mul3A_1563 = arith.constant 56 : i32
        %mul3A_1564 = arith.muli %add3A_1562, %mul3A_1563 : i32
        %dma_wait3A_1565 = arith.constant 0 : i32
        %dma_wait3A_1566 = arith.constant 0 : i32
        %dma_wait3A_1567 = arith.constant 0 : i32
        %dma_wait3A_1568 = tpu.memref_slice %arg6[%dma_wait3A_1565, %dma_wait3A_1566, %dma_wait3A_1567] : memref<2x400x64xf32, #tpu.memory_space<vmem>> -> memref<1x400x64xf32, #tpu.memory_space<vmem>>
        %dma_wait3A_1569 = tpu.memref_squeeze %dma_wait3A_1568 : memref<1x400x64xf32, #tpu.memory_space<vmem>> -> memref<400x64xf32, #tpu.memory_space<vmem>>
        %dma_wait3A_1570 = arith.constant 300 : i32
        %dma_wait3A_1571 = arith.constant 0 : i32
        %dma_wait3A_1572 = tpu.memref_slice %dma_wait3A_1569[%dma_wait3A_1570, %dma_wait3A_1571] : memref<400x64xf32, #tpu.memory_space<vmem>> -> memref<50x64xf32, #tpu.memory_space<vmem>>
        %dma_wait3A_1573 = arith.constant 0 : i32
        %dma_wait3A_1574 = tpu.memref_slice %arg4[%mul3A_1564, %dma_wait3A_1573] : memref<917504x128xf32, #tpu.memory_space<hbm>> -> memref<50x64xf32, #tpu.memory_space<hbm>>
        %dma_wait3A_1575 = arith.constant 0 : i32
        %dma_wait3A_1576 = tpu.memref_slice %arg4[%mul3A_1564, %dma_wait3A_1575] : memref<917504x128xf32, #tpu.memory_space<hbm>> -> memref<50x64xf32, #tpu.memory_space<hbm>>
        %dma_wait3A_1577 = arith.constant 0 : i32
        %dma_wait3A_1578 = arith.constant 0 : i32
        %dma_wait3A_1579 = tpu.memref_slice %arg6[%dma_wait3A_1565, %dma_wait3A_1577, %dma_wait3A_1578] : memref<2x400x64xf32, #tpu.memory_space<vmem>> -> memref<1x400x64xf32, #tpu.memory_space<vmem>>
        %dma_wait3A_1580 = tpu.memref_squeeze %dma_wait3A_1579 : memref<1x400x64xf32, #tpu.memory_space<vmem>> -> memref<400x64xf32, #tpu.memory_space<vmem>>
        %dma_wait3A_1581 = arith.constant 300 : i32
        %dma_wait3A_1582 = arith.constant 0 : i32
        %dma_wait3A_1583 = tpu.memref_slice %dma_wait3A_1580[%dma_wait3A_1581, %dma_wait3A_1582] : memref<400x64xf32, #tpu.memory_space<vmem>> -> memref<50x64xf32, #tpu.memory_space<vmem>>
        tpu.wait_dma2 semaphore(%arg9 : memref<!tpu.dma_semaphore, #tpu.memory_space<semaphore_mem>>) src(%dma_wait3A_1583 : memref<50x64xf32, #tpu.memory_space<vmem>>) dst(%dma_wait3A_1576 : memref<50x64xf32, #tpu.memory_space<hbm>>)
        %add3A_1584 = arith.constant 7 : i32
        %add3A_1585 = arith.addi %add3A_386, %add3A_1584 : i32
        %mul3A_1586 = arith.constant 56 : i32
        %mul3A_1587 = arith.muli %add3A_1585, %mul3A_1586 : i32
        %dma_wait3A_1588 = arith.constant 0 : i32
        %dma_wait3A_1589 = arith.constant 0 : i32
        %dma_wait3A_1590 = arith.constant 0 : i32
        %dma_wait3A_1591 = tpu.memref_slice %arg6[%dma_wait3A_1588, %dma_wait3A_1589, %dma_wait3A_1590] : memref<2x400x64xf32, #tpu.memory_space<vmem>> -> memref<1x400x64xf32, #tpu.memory_space<vmem>>
        %dma_wait3A_1592 = tpu.memref_squeeze %dma_wait3A_1591 : memref<1x400x64xf32, #tpu.memory_space<vmem>> -> memref<400x64xf32, #tpu.memory_space<vmem>>
        %dma_wait3A_1593 = arith.constant 350 : i32
        %dma_wait3A_1594 = arith.constant 0 : i32
        %dma_wait3A_1595 = tpu.memref_slice %dma_wait3A_1592[%dma_wait3A_1593, %dma_wait3A_1594] : memref<400x64xf32, #tpu.memory_space<vmem>> -> memref<50x64xf32, #tpu.memory_space<vmem>>
        %dma_wait3A_1596 = arith.constant 0 : i32
        %dma_wait3A_1597 = tpu.memref_slice %arg4[%mul3A_1587, %dma_wait3A_1596] : memref<917504x128xf32, #tpu.memory_space<hbm>> -> memref<50x64xf32, #tpu.memory_space<hbm>>
        %dma_wait3A_1598 = arith.constant 0 : i32
        %dma_wait3A_1599 = tpu.memref_slice %arg4[%mul3A_1587, %dma_wait3A_1598] : memref<917504x128xf32, #tpu.memory_space<hbm>> -> memref<50x64xf32, #tpu.memory_space<hbm>>
        %dma_wait3A_1600 = arith.constant 0 : i32
        %dma_wait3A_1601 = arith.constant 0 : i32
        %dma_wait3A_1602 = tpu.memref_slice %arg6[%dma_wait3A_1588, %dma_wait3A_1600, %dma_wait3A_1601] : memref<2x400x64xf32, #tpu.memory_space<vmem>> -> memref<1x400x64xf32, #tpu.memory_space<vmem>>
        %dma_wait3A_1603 = tpu.memref_squeeze %dma_wait3A_1602 : memref<1x400x64xf32, #tpu.memory_space<vmem>> -> memref<400x64xf32, #tpu.memory_space<vmem>>
        %dma_wait3A_1604 = arith.constant 350 : i32
        %dma_wait3A_1605 = arith.constant 0 : i32
        %dma_wait3A_1606 = tpu.memref_slice %dma_wait3A_1603[%dma_wait3A_1604, %dma_wait3A_1605] : memref<400x64xf32, #tpu.memory_space<vmem>> -> memref<50x64xf32, #tpu.memory_space<vmem>>
        tpu.wait_dma2 semaphore(%arg9 : memref<!tpu.dma_semaphore, #tpu.memory_space<semaphore_mem>>) src(%dma_wait3A_1606 : memref<50x64xf32, #tpu.memory_space<vmem>>) dst(%dma_wait3A_1599 : memref<50x64xf32, #tpu.memory_space<hbm>>)
      } else {
      }
      %run_scoped3A = arith.constant 0 : i32
      "tpu.region"() ({
        %run_scoped3A_1423 = tpu.sem_alloc : memref<!tpu.dma_semaphore, #tpu.memory_space<semaphore_mem>>
        %dma_start3A_1424 = arith.constant 0 : i32
        %dma_start3A_1425 = arith.constant 0 : i32
        %dma_start3A_1426 = tpu.memref_slice %arg5[%run_scoped3A, %dma_start3A_1424, %dma_start3A_1425] : memref<2x8x50xi32, #tpu.memory_space<vmem>> -> memref<1x8x50xi32, #tpu.memory_space<vmem>>
        %dma_start3A_1427 = tpu.memref_squeeze %dma_start3A_1426 : memref<1x8x50xi32, #tpu.memory_space<vmem>> -> memref<8x50xi32, #tpu.memory_space<vmem>>
        %dma_start3A_1428 = arith.constant 0 : i32
        %dma_start3A_1429 = tpu.memref_slice %arg2[%add3A_386, %dma_start3A_1428] : memref<16384x50xi32, #tpu.memory_space<hbm>> -> memref<8x50xi32, #tpu.memory_space<hbm>>
        %dma_start3A_1430 = arith.constant 0 : i32
        %dma_start3A_1431 = arith.constant 0 : i32
        %dma_start3A_1432 = tpu.memref_slice %arg5[%run_scoped3A, %dma_start3A_1430, %dma_start3A_1431] : memref<2x8x50xi32, #tpu.memory_space<vmem>> -> memref<1x8x50xi32, #tpu.memory_space<vmem>>
        %dma_start3A_1433 = tpu.memref_squeeze %dma_start3A_1432 : memref<1x8x50xi32, #tpu.memory_space<vmem>> -> memref<8x50xi32, #tpu.memory_space<vmem>>
        %dma_start3A_1434 = arith.constant 0 : i32
        %dma_start3A_1435 = tpu.memref_slice %arg2[%add3A_386, %dma_start3A_1434] : memref<16384x50xi32, #tpu.memory_space<hbm>> -> memref<8x50xi32, #tpu.memory_space<hbm>>
        tpu.enqueue_dma source(%dma_start3A_1435 : memref<8x50xi32, #tpu.memory_space<hbm>>) target(%dma_start3A_1433 : memref<8x50xi32, #tpu.memory_space<vmem>>) target_semaphore(%run_scoped3A_1423 : memref<!tpu.dma_semaphore, #tpu.memory_space<semaphore_mem>>)
        %dma_wait3A_1436 = arith.constant 0 : i32
        %dma_wait3A_1437 = arith.constant 0 : i32
        %dma_wait3A_1438 = tpu.memref_slice %arg5[%run_scoped3A, %dma_wait3A_1436, %dma_wait3A_1437] : memref<2x8x50xi32, #tpu.memory_space<vmem>> -> memref<1x8x50xi32, #tpu.memory_space<vmem>>
        %dma_wait3A_1439 = tpu.memref_squeeze %dma_wait3A_1438 : memref<1x8x50xi32, #tpu.memory_space<vmem>> -> memref<8x50xi32, #tpu.memory_space<vmem>>
        %dma_wait3A_1440 = arith.constant 0 : i32
        %dma_wait3A_1441 = tpu.memref_slice %arg2[%add3A_386, %dma_wait3A_1440] : memref<16384x50xi32, #tpu.memory_space<hbm>> -> memref<8x50xi32, #tpu.memory_space<hbm>>
        %dma_wait3A_1442 = arith.constant 0 : i32
        %dma_wait3A_1443 = arith.constant 0 : i32
        %dma_wait3A_1444 = tpu.memref_slice %arg5[%run_scoped3A, %dma_wait3A_1442, %dma_wait3A_1443] : memref<2x8x50xi32, #tpu.memory_space<vmem>> -> memref<1x8x50xi32, #tpu.memory_space<vmem>>
        %dma_wait3A_1445 = tpu.memref_squeeze %dma_wait3A_1444 : memref<1x8x50xi32, #tpu.memory_space<vmem>> -> memref<8x50xi32, #tpu.memory_space<vmem>>
        %dma_wait3A_1446 = arith.constant 0 : i32
        %dma_wait3A_1447 = tpu.memref_slice %arg2[%add3A_386, %dma_wait3A_1446] : memref<16384x50xi32, #tpu.memory_space<hbm>> -> memref<8x50xi32, #tpu.memory_space<hbm>>
        tpu.wait_dma2 semaphore(%run_scoped3A_1423 : memref<!tpu.dma_semaphore, #tpu.memory_space<semaphore_mem>>) src(%dma_wait3A_1447 : memref<8x50xi32, #tpu.memory_space<hbm>>) dst(%dma_wait3A_1445 : memref<8x50xi32, #tpu.memory_space<vmem>>)
        tpu.yield
      }) : () -> ()
      %dma_start3A = arith.constant 0 : i32
      %dma_start3A_389 = arith.constant 0 : i32
      %dma_start3A_390 = arith.constant 0 : i32
      %dma_start3A_391 = arith.constant 0 : i32
      %dma_start3A_392 = arith.constant 0 : i32
      %dma_start3A_393 = tpu.memref_slice %arg6[%dma_start3A_390, %dma_start3A_391, %dma_start3A_392] : memref<2x400x64xf32, #tpu.memory_space<vmem>> -> memref<1x400x64xf32, #tpu.memory_space<vmem>>
      %dma_start3A_394 = tpu.memref_squeeze %dma_start3A_393 : memref<1x400x64xf32, #tpu.memory_space<vmem>> -> memref<400x64xf32, #tpu.memory_space<vmem>>
      %dma_start3A_395 = arith.constant 0 : i32
      %dma_start3A_396 = arith.constant 0 : i32
      %dma_start3A_397 = tpu.memref_slice %dma_start3A_394[%dma_start3A_395, %dma_start3A_396] : memref<400x64xf32, #tpu.memory_space<vmem>> -> memref<50x64xf32, #tpu.memory_space<vmem>>
      %dma_start3A_398 = arith.constant 0 : i32
      %dma_start3A_399 = arith.constant 0 : i32
      %dma_start3A_400 = tpu.memref_slice %arg5[%dma_start3A, %dma_start3A_398, %dma_start3A_399] : memref<2x8x50xi32, #tpu.memory_space<vmem>> -> memref<1x8x50xi32, #tpu.memory_space<vmem>>
      %dma_start3A_401 = tpu.memref_squeeze %dma_start3A_400 : memref<1x8x50xi32, #tpu.memory_space<vmem>> -> memref<8x50xi32, #tpu.memory_space<vmem>>
      %dma_start3A_402 = arith.constant 0 : i32
      %dma_start3A_403 = tpu.memref_slice %dma_start3A_401[%dma_start3A_389, %dma_start3A_402] : memref<8x50xi32, #tpu.memory_space<vmem>> -> memref<1x50xi32, #tpu.memory_space<vmem>>
      %dma_start3A_404 = tpu.memref_squeeze %dma_start3A_403 : memref<1x50xi32, #tpu.memory_space<vmem>> -> memref<50xi32, #tpu.memory_space<vmem>>
      %dma_start3A_405 = arith.constant 0 : i32
      %dma_start3A_406 = arith.constant 0 : i32
      %dma_start3A_407 = tpu.memref_slice %arg3[%dma_start3A_405, %dma_start3A_406] : memref<1000000x64xf32, #tpu.memory_space<hbm>> -> memref<1000000x64xf32, #tpu.memory_space<hbm>>
      tpu.enqueue_indirect_dma source(%dma_start3A_407 : memref<1000000x64xf32, #tpu.memory_space<hbm>>) target(%dma_start3A_397 : memref<50x64xf32, #tpu.memory_space<vmem>>) offsets(%dma_start3A_404 : memref<50xi32, #tpu.memory_space<vmem>>) semaphore(%arg7 : memref<!tpu.dma_semaphore, #tpu.memory_space<semaphore_mem>>)
      %dma_start3A_408 = arith.constant 0 : i32
      %dma_start3A_409 = arith.constant 1 : i32
      %dma_start3A_410 = arith.constant 0 : i32
      %dma_start3A_411 = arith.constant 0 : i32
      %dma_start3A_412 = arith.constant 0 : i32
      %dma_start3A_413 = tpu.memref_slice %arg6[%dma_start3A_410, %dma_start3A_411, %dma_start3A_412] : memref<2x400x64xf32, #tpu.memory_space<vmem>> -> memref<1x400x64xf32, #tpu.memory_space<vmem>>
      %dma_start3A_414 = tpu.memref_squeeze %dma_start3A_413 : memref<1x400x64xf32, #tpu.memory_space<vmem>> -> memref<400x64xf32, #tpu.memory_space<vmem>>
      %dma_start3A_415 = arith.constant 50 : i32
      %dma_start3A_416 = arith.constant 0 : i32
      %dma_start3A_417 = tpu.memref_slice %dma_start3A_414[%dma_start3A_415, %dma_start3A_416] : memref<400x64xf32, #tpu.memory_space<vmem>> -> memref<50x64xf32, #tpu.memory_space<vmem>>
      %dma_start3A_418 = arith.constant 0 : i32
      %dma_start3A_419 = arith.constant 0 : i32
      %dma_start3A_420 = tpu.memref_slice %arg5[%dma_start3A_408, %dma_start3A_418, %dma_start3A_419] : memref<2x8x50xi32, #tpu.memory_space<vmem>> -> memref<1x8x50xi32, #tpu.memory_space<vmem>>
      %dma_start3A_421 = tpu.memref_squeeze %dma_start3A_420 : memref<1x8x50xi32, #tpu.memory_space<vmem>> -> memref<8x50xi32, #tpu.memory_space<vmem>>
      %dma_start3A_422 = arith.constant 0 : i32
      %dma_start3A_423 = tpu.memref_slice %dma_start3A_421[%dma_start3A_409, %dma_start3A_422] : memref<8x50xi32, #tpu.memory_space<vmem>> -> memref<1x50xi32, #tpu.memory_space<vmem>>
      %dma_start3A_424 = tpu.memref_squeeze %dma_start3A_423 : memref<1x50xi32, #tpu.memory_space<vmem>> -> memref<50xi32, #tpu.memory_space<vmem>>
      %dma_start3A_425 = arith.constant 0 : i32
      %dma_start3A_426 = arith.constant 0 : i32
      %dma_start3A_427 = tpu.memref_slice %arg3[%dma_start3A_425, %dma_start3A_426] : memref<1000000x64xf32, #tpu.memory_space<hbm>> -> memref<1000000x64xf32, #tpu.memory_space<hbm>>
      tpu.enqueue_indirect_dma source(%dma_start3A_427 : memref<1000000x64xf32, #tpu.memory_space<hbm>>) target(%dma_start3A_417 : memref<50x64xf32, #tpu.memory_space<vmem>>) offsets(%dma_start3A_424 : memref<50xi32, #tpu.memory_space<vmem>>) semaphore(%arg7 : memref<!tpu.dma_semaphore, #tpu.memory_space<semaphore_mem>>)
      %dma_start3A_428 = arith.constant 0 : i32
      %dma_start3A_429 = arith.constant 2 : i32
      %dma_start3A_430 = arith.constant 0 : i32
      %dma_start3A_431 = arith.constant 0 : i32
      %dma_start3A_432 = arith.constant 0 : i32
      %dma_start3A_433 = tpu.memref_slice %arg6[%dma_start3A_430, %dma_start3A_431, %dma_start3A_432] : memref<2x400x64xf32, #tpu.memory_space<vmem>> -> memref<1x400x64xf32, #tpu.memory_space<vmem>>
      %dma_start3A_434 = tpu.memref_squeeze %dma_start3A_433 : memref<1x400x64xf32, #tpu.memory_space<vmem>> -> memref<400x64xf32, #tpu.memory_space<vmem>>
      %dma_start3A_435 = arith.constant 100 : i32
      %dma_start3A_436 = arith.constant 0 : i32
      %dma_start3A_437 = tpu.memref_slice %dma_start3A_434[%dma_start3A_435, %dma_start3A_436] : memref<400x64xf32, #tpu.memory_space<vmem>> -> memref<50x64xf32, #tpu.memory_space<vmem>>
      %dma_start3A_438 = arith.constant 0 : i32
      %dma_start3A_439 = arith.constant 0 : i32
      %dma_start3A_440 = tpu.memref_slice %arg5[%dma_start3A_428, %dma_start3A_438, %dma_start3A_439] : memref<2x8x50xi32, #tpu.memory_space<vmem>> -> memref<1x8x50xi32, #tpu.memory_space<vmem>>
      %dma_start3A_441 = tpu.memref_squeeze %dma_start3A_440 : memref<1x8x50xi32, #tpu.memory_space<vmem>> -> memref<8x50xi32, #tpu.memory_space<vmem>>
      %dma_start3A_442 = arith.constant 0 : i32
      %dma_start3A_443 = tpu.memref_slice %dma_start3A_441[%dma_start3A_429, %dma_start3A_442] : memref<8x50xi32, #tpu.memory_space<vmem>> -> memref<1x50xi32, #tpu.memory_space<vmem>>
      %dma_start3A_444 = tpu.memref_squeeze %dma_start3A_443 : memref<1x50xi32, #tpu.memory_space<vmem>> -> memref<50xi32, #tpu.memory_space<vmem>>
      %dma_start3A_445 = arith.constant 0 : i32
      %dma_start3A_446 = arith.constant 0 : i32
      %dma_start3A_447 = tpu.memref_slice %arg3[%dma_start3A_445, %dma_start3A_446] : memref<1000000x64xf32, #tpu.memory_space<hbm>> -> memref<1000000x64xf32, #tpu.memory_space<hbm>>
      tpu.enqueue_indirect_dma source(%dma_start3A_447 : memref<1000000x64xf32, #tpu.memory_space<hbm>>) target(%dma_start3A_437 : memref<50x64xf32, #tpu.memory_space<vmem>>) offsets(%dma_start3A_444 : memref<50xi32, #tpu.memory_space<vmem>>) semaphore(%arg7 : memref<!tpu.dma_semaphore, #tpu.memory_space<semaphore_mem>>)
      %dma_start3A_448 = arith.constant 0 : i32
      %dma_start3A_449 = arith.constant 3 : i32
      %dma_start3A_450 = arith.constant 0 : i32
      %dma_start3A_451 = arith.constant 0 : i32
      %dma_start3A_452 = arith.constant 0 : i32
      %dma_start3A_453 = tpu.memref_slice %arg6[%dma_start3A_450, %dma_start3A_451, %dma_start3A_452] : memref<2x400x64xf32, #tpu.memory_space<vmem>> -> memref<1x400x64xf32, #tpu.memory_space<vmem>>
      %dma_start3A_454 = tpu.memref_squeeze %dma_start3A_453 : memref<1x400x64xf32, #tpu.memory_space<vmem>> -> memref<400x64xf32, #tpu.memory_space<vmem>>
      %dma_start3A_455 = arith.constant 150 : i32
      %dma_start3A_456 = arith.constant 0 : i32
      %dma_start3A_457 = tpu.memref_slice %dma_start3A_454[%dma_start3A_455, %dma_start3A_456] : memref<400x64xf32, #tpu.memory_space<vmem>> -> memref<50x64xf32, #tpu.memory_space<vmem>>
      %dma_start3A_458 = arith.constant 0 : i32
      %dma_start3A_459 = arith.constant 0 : i32
      %dma_start3A_460 = tpu.memref_slice %arg5[%dma_start3A_448, %dma_start3A_458, %dma_start3A_459] : memref<2x8x50xi32, #tpu.memory_space<vmem>> -> memref<1x8x50xi32, #tpu.memory_space<vmem>>
      %dma_start3A_461 = tpu.memref_squeeze %dma_start3A_460 : memref<1x8x50xi32, #tpu.memory_space<vmem>> -> memref<8x50xi32, #tpu.memory_space<vmem>>
      %dma_start3A_462 = arith.constant 0 : i32
      %dma_start3A_463 = tpu.memref_slice %dma_start3A_461[%dma_start3A_449, %dma_start3A_462] : memref<8x50xi32, #tpu.memory_space<vmem>> -> memref<1x50xi32, #tpu.memory_space<vmem>>
      %dma_start3A_464 = tpu.memref_squeeze %dma_start3A_463 : memref<1x50xi32, #tpu.memory_space<vmem>> -> memref<50xi32, #tpu.memory_space<vmem>>
      %dma_start3A_465 = arith.constant 0 : i32
      %dma_start3A_466 = arith.constant 0 : i32
      %dma_start3A_467 = tpu.memref_slice %arg3[%dma_start3A_465, %dma_start3A_466] : memref<1000000x64xf32, #tpu.memory_space<hbm>> -> memref<1000000x64xf32, #tpu.memory_space<hbm>>
      tpu.enqueue_indirect_dma source(%dma_start3A_467 : memref<1000000x64xf32, #tpu.memory_space<hbm>>) target(%dma_start3A_457 : memref<50x64xf32, #tpu.memory_space<vmem>>) offsets(%dma_start3A_464 : memref<50xi32, #tpu.memory_space<vmem>>) semaphore(%arg7 : memref<!tpu.dma_semaphore, #tpu.memory_space<semaphore_mem>>)
      %dma_start3A_468 = arith.constant 0 : i32
      %dma_start3A_469 = arith.constant 4 : i32
      %dma_start3A_470 = arith.constant 0 : i32
      %dma_start3A_471 = arith.constant 0 : i32
      %dma_start3A_472 = arith.constant 0 : i32
      %dma_start3A_473 = tpu.memref_slice %arg6[%dma_start3A_470, %dma_start3A_471, %dma_start3A_472] : memref<2x400x64xf32, #tpu.memory_space<vmem>> -> memref<1x400x64xf32, #tpu.memory_space<vmem>>
      %dma_start3A_474 = tpu.memref_squeeze %dma_start3A_473 : memref<1x400x64xf32, #tpu.memory_space<vmem>> -> memref<400x64xf32, #tpu.memory_space<vmem>>
      %dma_start3A_475 = arith.constant 200 : i32
      %dma_start3A_476 = arith.constant 0 : i32
      %dma_start3A_477 = tpu.memref_slice %dma_start3A_474[%dma_start3A_475, %dma_start3A_476] : memref<400x64xf32, #tpu.memory_space<vmem>> -> memref<50x64xf32, #tpu.memory_space<vmem>>
      %dma_start3A_478 = arith.constant 0 : i32
      %dma_start3A_479 = arith.constant 0 : i32
      %dma_start3A_480 = tpu.memref_slice %arg5[%dma_start3A_468, %dma_start3A_478, %dma_start3A_479] : memref<2x8x50xi32, #tpu.memory_space<vmem>> -> memref<1x8x50xi32, #tpu.memory_space<vmem>>
      %dma_start3A_481 = tpu.memref_squeeze %dma_start3A_480 : memref<1x8x50xi32, #tpu.memory_space<vmem>> -> memref<8x50xi32, #tpu.memory_space<vmem>>
      %dma_start3A_482 = arith.constant 0 : i32
      %dma_start3A_483 = tpu.memref_slice %dma_start3A_481[%dma_start3A_469, %dma_start3A_482] : memref<8x50xi32, #tpu.memory_space<vmem>> -> memref<1x50xi32, #tpu.memory_space<vmem>>
      %dma_start3A_484 = tpu.memref_squeeze %dma_start3A_483 : memref<1x50xi32, #tpu.memory_space<vmem>> -> memref<50xi32, #tpu.memory_space<vmem>>
      %dma_start3A_485 = arith.constant 0 : i32
      %dma_start3A_486 = arith.constant 0 : i32
      %dma_start3A_487 = tpu.memref_slice %arg3[%dma_start3A_485, %dma_start3A_486] : memref<1000000x64xf32, #tpu.memory_space<hbm>> -> memref<1000000x64xf32, #tpu.memory_space<hbm>>
      tpu.enqueue_indirect_dma source(%dma_start3A_487 : memref<1000000x64xf32, #tpu.memory_space<hbm>>) target(%dma_start3A_477 : memref<50x64xf32, #tpu.memory_space<vmem>>) offsets(%dma_start3A_484 : memref<50xi32, #tpu.memory_space<vmem>>) semaphore(%arg7 : memref<!tpu.dma_semaphore, #tpu.memory_space<semaphore_mem>>)
      %dma_start3A_488 = arith.constant 0 : i32
      %dma_start3A_489 = arith.constant 5 : i32
      %dma_start3A_490 = arith.constant 0 : i32
      %dma_start3A_491 = arith.constant 0 : i32
      %dma_start3A_492 = arith.constant 0 : i32
      %dma_start3A_493 = tpu.memref_slice %arg6[%dma_start3A_490, %dma_start3A_491, %dma_start3A_492] : memref<2x400x64xf32, #tpu.memory_space<vmem>> -> memref<1x400x64xf32, #tpu.memory_space<vmem>>
      %dma_start3A_494 = tpu.memref_squeeze %dma_start3A_493 : memref<1x400x64xf32, #tpu.memory_space<vmem>> -> memref<400x64xf32, #tpu.memory_space<vmem>>
      %dma_start3A_495 = arith.constant 250 : i32
      %dma_start3A_496 = arith.constant 0 : i32
      %dma_start3A_497 = tpu.memref_slice %dma_start3A_494[%dma_start3A_495, %dma_start3A_496] : memref<400x64xf32, #tpu.memory_space<vmem>> -> memref<50x64xf32, #tpu.memory_space<vmem>>
      %dma_start3A_498 = arith.constant 0 : i32
      %dma_start3A_499 = arith.constant 0 : i32
      %dma_start3A_500 = tpu.memref_slice %arg5[%dma_start3A_488, %dma_start3A_498, %dma_start3A_499] : memref<2x8x50xi32, #tpu.memory_space<vmem>> -> memref<1x8x50xi32, #tpu.memory_space<vmem>>
      %dma_start3A_501 = tpu.memref_squeeze %dma_start3A_500 : memref<1x8x50xi32, #tpu.memory_space<vmem>> -> memref<8x50xi32, #tpu.memory_space<vmem>>
      %dma_start3A_502 = arith.constant 0 : i32
      %dma_start3A_503 = tpu.memref_slice %dma_start3A_501[%dma_start3A_489, %dma_start3A_502] : memref<8x50xi32, #tpu.memory_space<vmem>> -> memref<1x50xi32, #tpu.memory_space<vmem>>
      %dma_start3A_504 = tpu.memref_squeeze %dma_start3A_503 : memref<1x50xi32, #tpu.memory_space<vmem>> -> memref<50xi32, #tpu.memory_space<vmem>>
      %dma_start3A_505 = arith.constant 0 : i32
      %dma_start3A_506 = arith.constant 0 : i32
      %dma_start3A_507 = tpu.memref_slice %arg3[%dma_start3A_505, %dma_start3A_506] : memref<1000000x64xf32, #tpu.memory_space<hbm>> -> memref<1000000x64xf32, #tpu.memory_space<hbm>>
      tpu.enqueue_indirect_dma source(%dma_start3A_507 : memref<1000000x64xf32, #tpu.memory_space<hbm>>) target(%dma_start3A_497 : memref<50x64xf32, #tpu.memory_space<vmem>>) offsets(%dma_start3A_504 : memref<50xi32, #tpu.memory_space<vmem>>) semaphore(%arg7 : memref<!tpu.dma_semaphore, #tpu.memory_space<semaphore_mem>>)
      %dma_start3A_508 = arith.constant 0 : i32
      %dma_start3A_509 = arith.constant 6 : i32
      %dma_start3A_510 = arith.constant 0 : i32
      %dma_start3A_511 = arith.constant 0 : i32
      %dma_start3A_512 = arith.constant 0 : i32
      %dma_start3A_513 = tpu.memref_slice %arg6[%dma_start3A_510, %dma_start3A_511, %dma_start3A_512] : memref<2x400x64xf32, #tpu.memory_space<vmem>> -> memref<1x400x64xf32, #tpu.memory_space<vmem>>
      %dma_start3A_514 = tpu.memref_squeeze %dma_start3A_513 : memref<1x400x64xf32, #tpu.memory_space<vmem>> -> memref<400x64xf32, #tpu.memory_space<vmem>>
      %dma_start3A_515 = arith.constant 300 : i32
      %dma_start3A_516 = arith.constant 0 : i32
      %dma_start3A_517 = tpu.memref_slice %dma_start3A_514[%dma_start3A_515, %dma_start3A_516] : memref<400x64xf32, #tpu.memory_space<vmem>> -> memref<50x64xf32, #tpu.memory_space<vmem>>
      %dma_start3A_518 = arith.constant 0 : i32
      %dma_start3A_519 = arith.constant 0 : i32
      %dma_start3A_520 = tpu.memref_slice %arg5[%dma_start3A_508, %dma_start3A_518, %dma_start3A_519] : memref<2x8x50xi32, #tpu.memory_space<vmem>> -> memref<1x8x50xi32, #tpu.memory_space<vmem>>
      %dma_start3A_521 = tpu.memref_squeeze %dma_start3A_520 : memref<1x8x50xi32, #tpu.memory_space<vmem>> -> memref<8x50xi32, #tpu.memory_space<vmem>>
      %dma_start3A_522 = arith.constant 0 : i32
      %dma_start3A_523 = tpu.memref_slice %dma_start3A_521[%dma_start3A_509, %dma_start3A_522] : memref<8x50xi32, #tpu.memory_space<vmem>> -> memref<1x50xi32, #tpu.memory_space<vmem>>
      %dma_start3A_524 = tpu.memref_squeeze %dma_start3A_523 : memref<1x50xi32, #tpu.memory_space<vmem>> -> memref<50xi32, #tpu.memory_space<vmem>>
      %dma_start3A_525 = arith.constant 0 : i32
      %dma_start3A_526 = arith.constant 0 : i32
      %dma_start3A_527 = tpu.memref_slice %arg3[%dma_start3A_525, %dma_start3A_526] : memref<1000000x64xf32, #tpu.memory_space<hbm>> -> memref<1000000x64xf32, #tpu.memory_space<hbm>>
      tpu.enqueue_indirect_dma source(%dma_start3A_527 : memref<1000000x64xf32, #tpu.memory_space<hbm>>) target(%dma_start3A_517 : memref<50x64xf32, #tpu.memory_space<vmem>>) offsets(%dma_start3A_524 : memref<50xi32, #tpu.memory_space<vmem>>) semaphore(%arg7 : memref<!tpu.dma_semaphore, #tpu.memory_space<semaphore_mem>>)
      %dma_start3A_528 = arith.constant 0 : i32
      %dma_start3A_529 = arith.constant 7 : i32
      %dma_start3A_530 = arith.constant 0 : i32
      %dma_start3A_531 = arith.constant 0 : i32
      %dma_start3A_532 = arith.constant 0 : i32
      %dma_start3A_533 = tpu.memref_slice %arg6[%dma_start3A_530, %dma_start3A_531, %dma_start3A_532] : memref<2x400x64xf32, #tpu.memory_space<vmem>> -> memref<1x400x64xf32, #tpu.memory_space<vmem>>
      %dma_start3A_534 = tpu.memref_squeeze %dma_start3A_533 : memref<1x400x64xf32, #tpu.memory_space<vmem>> -> memref<400x64xf32, #tpu.memory_space<vmem>>
      %dma_start3A_535 = arith.constant 350 : i32
      %dma_start3A_536 = arith.constant 0 : i32
      %dma_start3A_537 = tpu.memref_slice %dma_start3A_534[%dma_start3A_535, %dma_start3A_536] : memref<400x64xf32, #tpu.memory_space<vmem>> -> memref<50x64xf32, #tpu.memory_space<vmem>>
      %dma_start3A_538 = arith.constant 0 : i32
      %dma_start3A_539 = arith.constant 0 : i32
      %dma_start3A_540 = tpu.memref_slice %arg5[%dma_start3A_528, %dma_start3A_538, %dma_start3A_539] : memref<2x8x50xi32, #tpu.memory_space<vmem>> -> memref<1x8x50xi32, #tpu.memory_space<vmem>>
      %dma_start3A_541 = tpu.memref_squeeze %dma_start3A_540 : memref<1x8x50xi32, #tpu.memory_space<vmem>> -> memref<8x50xi32, #tpu.memory_space<vmem>>
      %dma_start3A_542 = arith.constant 0 : i32
      %dma_start3A_543 = tpu.memref_slice %dma_start3A_541[%dma_start3A_529, %dma_start3A_542] : memref<8x50xi32, #tpu.memory_space<vmem>> -> memref<1x50xi32, #tpu.memory_space<vmem>>
      %dma_start3A_544 = tpu.memref_squeeze %dma_start3A_543 : memref<1x50xi32, #tpu.memory_space<vmem>> -> memref<50xi32, #tpu.memory_space<vmem>>
      %dma_start3A_545 = arith.constant 0 : i32
      %dma_start3A_546 = arith.constant 0 : i32
      %dma_start3A_547 = tpu.memref_slice %arg3[%dma_start3A_545, %dma_start3A_546] : memref<1000000x64xf32, #tpu.memory_space<hbm>> -> memref<1000000x64xf32, #tpu.memory_space<hbm>>
      tpu.enqueue_indirect_dma source(%dma_start3A_547 : memref<1000000x64xf32, #tpu.memory_space<hbm>>) target(%dma_start3A_537 : memref<50x64xf32, #tpu.memory_space<vmem>>) offsets(%dma_start3A_544 : memref<50xi32, #tpu.memory_space<vmem>>) semaphore(%arg7 : memref<!tpu.dma_semaphore, #tpu.memory_space<semaphore_mem>>)
      %mul3A_548 = arith.constant 2 : i32
      %mul3A_549 = arith.muli %scan3A_379, %mul3A_548 : i32
      %add3A_550 = arith.constant 1 : i32
      %add3A_551 = arith.addi %mul3A_549, %add3A_550 : i32
      %mul3A_552 = arith.constant 8 : i32
      %mul3A_553 = arith.muli %add3A_551, %mul3A_552 : i32
      %add3A_554 = arith.addi %mul3A_2, %mul3A_553 : i32
      %gt3A_555 = arith.constant 0 : i32
      %gt3A_556 = arith.cmpi sgt, %scan3A_379, %gt3A_555 : i32
      %convert_element_type3A_557 = arith.extui %gt3A_556 : i1 to i32
      %cond3A_558 = arith.constant 0 : i32
      %cond3A_559 = arith.cmpi ne, %convert_element_type3A_557, %cond3A_558 : i32
      scf.if %cond3A_559 {
        %add3A_1423 = arith.constant 0 : i32
        %add3A_1424 = arith.addi %add3A_554, %add3A_1423 : i32
        %mul3A_1425 = arith.constant 56 : i32
        %mul3A_1426 = arith.muli %add3A_1424, %mul3A_1425 : i32
        %dma_wait3A_1427 = arith.constant 1 : i32
        %dma_wait3A_1428 = arith.constant 0 : i32
        %dma_wait3A_1429 = arith.constant 0 : i32
        %dma_wait3A_1430 = tpu.memref_slice %arg6[%dma_wait3A_1427, %dma_wait3A_1428, %dma_wait3A_1429] : memref<2x400x64xf32, #tpu.memory_space<vmem>> -> memref<1x400x64xf32, #tpu.memory_space<vmem>>
        %dma_wait3A_1431 = tpu.memref_squeeze %dma_wait3A_1430 : memref<1x400x64xf32, #tpu.memory_space<vmem>> -> memref<400x64xf32, #tpu.memory_space<vmem>>
        %dma_wait3A_1432 = arith.constant 0 : i32
        %dma_wait3A_1433 = arith.constant 0 : i32
        %dma_wait3A_1434 = tpu.memref_slice %dma_wait3A_1431[%dma_wait3A_1432, %dma_wait3A_1433] : memref<400x64xf32, #tpu.memory_space<vmem>> -> memref<50x64xf32, #tpu.memory_space<vmem>>
        %dma_wait3A_1435 = arith.constant 0 : i32
        %dma_wait3A_1436 = tpu.memref_slice %arg4[%mul3A_1426, %dma_wait3A_1435] : memref<917504x128xf32, #tpu.memory_space<hbm>> -> memref<50x64xf32, #tpu.memory_space<hbm>>
        %dma_wait3A_1437 = arith.constant 0 : i32
        %dma_wait3A_1438 = tpu.memref_slice %arg4[%mul3A_1426, %dma_wait3A_1437] : memref<917504x128xf32, #tpu.memory_space<hbm>> -> memref<50x64xf32, #tpu.memory_space<hbm>>
        %dma_wait3A_1439 = arith.constant 0 : i32
        %dma_wait3A_1440 = arith.constant 0 : i32
        %dma_wait3A_1441 = tpu.memref_slice %arg6[%dma_wait3A_1427, %dma_wait3A_1439, %dma_wait3A_1440] : memref<2x400x64xf32, #tpu.memory_space<vmem>> -> memref<1x400x64xf32, #tpu.memory_space<vmem>>
        %dma_wait3A_1442 = tpu.memref_squeeze %dma_wait3A_1441 : memref<1x400x64xf32, #tpu.memory_space<vmem>> -> memref<400x64xf32, #tpu.memory_space<vmem>>
        %dma_wait3A_1443 = arith.constant 0 : i32
        %dma_wait3A_1444 = arith.constant 0 : i32
        %dma_wait3A_1445 = tpu.memref_slice %dma_wait3A_1442[%dma_wait3A_1443, %dma_wait3A_1444] : memref<400x64xf32, #tpu.memory_space<vmem>> -> memref<50x64xf32, #tpu.memory_space<vmem>>
        tpu.wait_dma2 semaphore(%arg10 : memref<!tpu.dma_semaphore, #tpu.memory_space<semaphore_mem>>) src(%dma_wait3A_1445 : memref<50x64xf32, #tpu.memory_space<vmem>>) dst(%dma_wait3A_1438 : memref<50x64xf32, #tpu.memory_space<hbm>>)
        %add3A_1446 = arith.constant 1 : i32
        %add3A_1447 = arith.addi %add3A_554, %add3A_1446 : i32
        %mul3A_1448 = arith.constant 56 : i32
        %mul3A_1449 = arith.muli %add3A_1447, %mul3A_1448 : i32
        %dma_wait3A_1450 = arith.constant 1 : i32
        %dma_wait3A_1451 = arith.constant 0 : i32
        %dma_wait3A_1452 = arith.constant 0 : i32
        %dma_wait3A_1453 = tpu.memref_slice %arg6[%dma_wait3A_1450, %dma_wait3A_1451, %dma_wait3A_1452] : memref<2x400x64xf32, #tpu.memory_space<vmem>> -> memref<1x400x64xf32, #tpu.memory_space<vmem>>
        %dma_wait3A_1454 = tpu.memref_squeeze %dma_wait3A_1453 : memref<1x400x64xf32, #tpu.memory_space<vmem>> -> memref<400x64xf32, #tpu.memory_space<vmem>>
        %dma_wait3A_1455 = arith.constant 50 : i32
        %dma_wait3A_1456 = arith.constant 0 : i32
        %dma_wait3A_1457 = tpu.memref_slice %dma_wait3A_1454[%dma_wait3A_1455, %dma_wait3A_1456] : memref<400x64xf32, #tpu.memory_space<vmem>> -> memref<50x64xf32, #tpu.memory_space<vmem>>
        %dma_wait3A_1458 = arith.constant 0 : i32
        %dma_wait3A_1459 = tpu.memref_slice %arg4[%mul3A_1449, %dma_wait3A_1458] : memref<917504x128xf32, #tpu.memory_space<hbm>> -> memref<50x64xf32, #tpu.memory_space<hbm>>
        %dma_wait3A_1460 = arith.constant 0 : i32
        %dma_wait3A_1461 = tpu.memref_slice %arg4[%mul3A_1449, %dma_wait3A_1460] : memref<917504x128xf32, #tpu.memory_space<hbm>> -> memref<50x64xf32, #tpu.memory_space<hbm>>
        %dma_wait3A_1462 = arith.constant 0 : i32
        %dma_wait3A_1463 = arith.constant 0 : i32
        %dma_wait3A_1464 = tpu.memref_slice %arg6[%dma_wait3A_1450, %dma_wait3A_1462, %dma_wait3A_1463] : memref<2x400x64xf32, #tpu.memory_space<vmem>> -> memref<1x400x64xf32, #tpu.memory_space<vmem>>
        %dma_wait3A_1465 = tpu.memref_squeeze %dma_wait3A_1464 : memref<1x400x64xf32, #tpu.memory_space<vmem>> -> memref<400x64xf32, #tpu.memory_space<vmem>>
        %dma_wait3A_1466 = arith.constant 50 : i32
        %dma_wait3A_1467 = arith.constant 0 : i32
        %dma_wait3A_1468 = tpu.memref_slice %dma_wait3A_1465[%dma_wait3A_1466, %dma_wait3A_1467] : memref<400x64xf32, #tpu.memory_space<vmem>> -> memref<50x64xf32, #tpu.memory_space<vmem>>
        tpu.wait_dma2 semaphore(%arg10 : memref<!tpu.dma_semaphore, #tpu.memory_space<semaphore_mem>>) src(%dma_wait3A_1468 : memref<50x64xf32, #tpu.memory_space<vmem>>) dst(%dma_wait3A_1461 : memref<50x64xf32, #tpu.memory_space<hbm>>)
        %add3A_1469 = arith.constant 2 : i32
        %add3A_1470 = arith.addi %add3A_554, %add3A_1469 : i32
        %mul3A_1471 = arith.constant 56 : i32
        %mul3A_1472 = arith.muli %add3A_1470, %mul3A_1471 : i32
        %dma_wait3A_1473 = arith.constant 1 : i32
        %dma_wait3A_1474 = arith.constant 0 : i32
        %dma_wait3A_1475 = arith.constant 0 : i32
        %dma_wait3A_1476 = tpu.memref_slice %arg6[%dma_wait3A_1473, %dma_wait3A_1474, %dma_wait3A_1475] : memref<2x400x64xf32, #tpu.memory_space<vmem>> -> memref<1x400x64xf32, #tpu.memory_space<vmem>>
        %dma_wait3A_1477 = tpu.memref_squeeze %dma_wait3A_1476 : memref<1x400x64xf32, #tpu.memory_space<vmem>> -> memref<400x64xf32, #tpu.memory_space<vmem>>
        %dma_wait3A_1478 = arith.constant 100 : i32
        %dma_wait3A_1479 = arith.constant 0 : i32
        %dma_wait3A_1480 = tpu.memref_slice %dma_wait3A_1477[%dma_wait3A_1478, %dma_wait3A_1479] : memref<400x64xf32, #tpu.memory_space<vmem>> -> memref<50x64xf32, #tpu.memory_space<vmem>>
        %dma_wait3A_1481 = arith.constant 0 : i32
        %dma_wait3A_1482 = tpu.memref_slice %arg4[%mul3A_1472, %dma_wait3A_1481] : memref<917504x128xf32, #tpu.memory_space<hbm>> -> memref<50x64xf32, #tpu.memory_space<hbm>>
        %dma_wait3A_1483 = arith.constant 0 : i32
        %dma_wait3A_1484 = tpu.memref_slice %arg4[%mul3A_1472, %dma_wait3A_1483] : memref<917504x128xf32, #tpu.memory_space<hbm>> -> memref<50x64xf32, #tpu.memory_space<hbm>>
        %dma_wait3A_1485 = arith.constant 0 : i32
        %dma_wait3A_1486 = arith.constant 0 : i32
        %dma_wait3A_1487 = tpu.memref_slice %arg6[%dma_wait3A_1473, %dma_wait3A_1485, %dma_wait3A_1486] : memref<2x400x64xf32, #tpu.memory_space<vmem>> -> memref<1x400x64xf32, #tpu.memory_space<vmem>>
        %dma_wait3A_1488 = tpu.memref_squeeze %dma_wait3A_1487 : memref<1x400x64xf32, #tpu.memory_space<vmem>> -> memref<400x64xf32, #tpu.memory_space<vmem>>
        %dma_wait3A_1489 = arith.constant 100 : i32
        %dma_wait3A_1490 = arith.constant 0 : i32
        %dma_wait3A_1491 = tpu.memref_slice %dma_wait3A_1488[%dma_wait3A_1489, %dma_wait3A_1490] : memref<400x64xf32, #tpu.memory_space<vmem>> -> memref<50x64xf32, #tpu.memory_space<vmem>>
        tpu.wait_dma2 semaphore(%arg10 : memref<!tpu.dma_semaphore, #tpu.memory_space<semaphore_mem>>) src(%dma_wait3A_1491 : memref<50x64xf32, #tpu.memory_space<vmem>>) dst(%dma_wait3A_1484 : memref<50x64xf32, #tpu.memory_space<hbm>>)
        %add3A_1492 = arith.constant 3 : i32
        %add3A_1493 = arith.addi %add3A_554, %add3A_1492 : i32
        %mul3A_1494 = arith.constant 56 : i32
        %mul3A_1495 = arith.muli %add3A_1493, %mul3A_1494 : i32
        %dma_wait3A_1496 = arith.constant 1 : i32
        %dma_wait3A_1497 = arith.constant 0 : i32
        %dma_wait3A_1498 = arith.constant 0 : i32
        %dma_wait3A_1499 = tpu.memref_slice %arg6[%dma_wait3A_1496, %dma_wait3A_1497, %dma_wait3A_1498] : memref<2x400x64xf32, #tpu.memory_space<vmem>> -> memref<1x400x64xf32, #tpu.memory_space<vmem>>
        %dma_wait3A_1500 = tpu.memref_squeeze %dma_wait3A_1499 : memref<1x400x64xf32, #tpu.memory_space<vmem>> -> memref<400x64xf32, #tpu.memory_space<vmem>>
        %dma_wait3A_1501 = arith.constant 150 : i32
        %dma_wait3A_1502 = arith.constant 0 : i32
        %dma_wait3A_1503 = tpu.memref_slice %dma_wait3A_1500[%dma_wait3A_1501, %dma_wait3A_1502] : memref<400x64xf32, #tpu.memory_space<vmem>> -> memref<50x64xf32, #tpu.memory_space<vmem>>
        %dma_wait3A_1504 = arith.constant 0 : i32
        %dma_wait3A_1505 = tpu.memref_slice %arg4[%mul3A_1495, %dma_wait3A_1504] : memref<917504x128xf32, #tpu.memory_space<hbm>> -> memref<50x64xf32, #tpu.memory_space<hbm>>
        %dma_wait3A_1506 = arith.constant 0 : i32
        %dma_wait3A_1507 = tpu.memref_slice %arg4[%mul3A_1495, %dma_wait3A_1506] : memref<917504x128xf32, #tpu.memory_space<hbm>> -> memref<50x64xf32, #tpu.memory_space<hbm>>
        %dma_wait3A_1508 = arith.constant 0 : i32
        %dma_wait3A_1509 = arith.constant 0 : i32
        %dma_wait3A_1510 = tpu.memref_slice %arg6[%dma_wait3A_1496, %dma_wait3A_1508, %dma_wait3A_1509] : memref<2x400x64xf32, #tpu.memory_space<vmem>> -> memref<1x400x64xf32, #tpu.memory_space<vmem>>
        %dma_wait3A_1511 = tpu.memref_squeeze %dma_wait3A_1510 : memref<1x400x64xf32, #tpu.memory_space<vmem>> -> memref<400x64xf32, #tpu.memory_space<vmem>>
        %dma_wait3A_1512 = arith.constant 150 : i32
        %dma_wait3A_1513 = arith.constant 0 : i32
        %dma_wait3A_1514 = tpu.memref_slice %dma_wait3A_1511[%dma_wait3A_1512, %dma_wait3A_1513] : memref<400x64xf32, #tpu.memory_space<vmem>> -> memref<50x64xf32, #tpu.memory_space<vmem>>
        tpu.wait_dma2 semaphore(%arg10 : memref<!tpu.dma_semaphore, #tpu.memory_space<semaphore_mem>>) src(%dma_wait3A_1514 : memref<50x64xf32, #tpu.memory_space<vmem>>) dst(%dma_wait3A_1507 : memref<50x64xf32, #tpu.memory_space<hbm>>)
        %add3A_1515 = arith.constant 4 : i32
        %add3A_1516 = arith.addi %add3A_554, %add3A_1515 : i32
        %mul3A_1517 = arith.constant 56 : i32
        %mul3A_1518 = arith.muli %add3A_1516, %mul3A_1517 : i32
        %dma_wait3A_1519 = arith.constant 1 : i32
        %dma_wait3A_1520 = arith.constant 0 : i32
        %dma_wait3A_1521 = arith.constant 0 : i32
        %dma_wait3A_1522 = tpu.memref_slice %arg6[%dma_wait3A_1519, %dma_wait3A_1520, %dma_wait3A_1521] : memref<2x400x64xf32, #tpu.memory_space<vmem>> -> memref<1x400x64xf32, #tpu.memory_space<vmem>>
        %dma_wait3A_1523 = tpu.memref_squeeze %dma_wait3A_1522 : memref<1x400x64xf32, #tpu.memory_space<vmem>> -> memref<400x64xf32, #tpu.memory_space<vmem>>
        %dma_wait3A_1524 = arith.constant 200 : i32
        %dma_wait3A_1525 = arith.constant 0 : i32
        %dma_wait3A_1526 = tpu.memref_slice %dma_wait3A_1523[%dma_wait3A_1524, %dma_wait3A_1525] : memref<400x64xf32, #tpu.memory_space<vmem>> -> memref<50x64xf32, #tpu.memory_space<vmem>>
        %dma_wait3A_1527 = arith.constant 0 : i32
        %dma_wait3A_1528 = tpu.memref_slice %arg4[%mul3A_1518, %dma_wait3A_1527] : memref<917504x128xf32, #tpu.memory_space<hbm>> -> memref<50x64xf32, #tpu.memory_space<hbm>>
        %dma_wait3A_1529 = arith.constant 0 : i32
        %dma_wait3A_1530 = tpu.memref_slice %arg4[%mul3A_1518, %dma_wait3A_1529] : memref<917504x128xf32, #tpu.memory_space<hbm>> -> memref<50x64xf32, #tpu.memory_space<hbm>>
        %dma_wait3A_1531 = arith.constant 0 : i32
        %dma_wait3A_1532 = arith.constant 0 : i32
        %dma_wait3A_1533 = tpu.memref_slice %arg6[%dma_wait3A_1519, %dma_wait3A_1531, %dma_wait3A_1532] : memref<2x400x64xf32, #tpu.memory_space<vmem>> -> memref<1x400x64xf32, #tpu.memory_space<vmem>>
        %dma_wait3A_1534 = tpu.memref_squeeze %dma_wait3A_1533 : memref<1x400x64xf32, #tpu.memory_space<vmem>> -> memref<400x64xf32, #tpu.memory_space<vmem>>
        %dma_wait3A_1535 = arith.constant 200 : i32
        %dma_wait3A_1536 = arith.constant 0 : i32
        %dma_wait3A_1537 = tpu.memref_slice %dma_wait3A_1534[%dma_wait3A_1535, %dma_wait3A_1536] : memref<400x64xf32, #tpu.memory_space<vmem>> -> memref<50x64xf32, #tpu.memory_space<vmem>>
        tpu.wait_dma2 semaphore(%arg10 : memref<!tpu.dma_semaphore, #tpu.memory_space<semaphore_mem>>) src(%dma_wait3A_1537 : memref<50x64xf32, #tpu.memory_space<vmem>>) dst(%dma_wait3A_1530 : memref<50x64xf32, #tpu.memory_space<hbm>>)
        %add3A_1538 = arith.constant 5 : i32
        %add3A_1539 = arith.addi %add3A_554, %add3A_1538 : i32
        %mul3A_1540 = arith.constant 56 : i32
        %mul3A_1541 = arith.muli %add3A_1539, %mul3A_1540 : i32
        %dma_wait3A_1542 = arith.constant 1 : i32
        %dma_wait3A_1543 = arith.constant 0 : i32
        %dma_wait3A_1544 = arith.constant 0 : i32
        %dma_wait3A_1545 = tpu.memref_slice %arg6[%dma_wait3A_1542, %dma_wait3A_1543, %dma_wait3A_1544] : memref<2x400x64xf32, #tpu.memory_space<vmem>> -> memref<1x400x64xf32, #tpu.memory_space<vmem>>
        %dma_wait3A_1546 = tpu.memref_squeeze %dma_wait3A_1545 : memref<1x400x64xf32, #tpu.memory_space<vmem>> -> memref<400x64xf32, #tpu.memory_space<vmem>>
        %dma_wait3A_1547 = arith.constant 250 : i32
        %dma_wait3A_1548 = arith.constant 0 : i32
        %dma_wait3A_1549 = tpu.memref_slice %dma_wait3A_1546[%dma_wait3A_1547, %dma_wait3A_1548] : memref<400x64xf32, #tpu.memory_space<vmem>> -> memref<50x64xf32, #tpu.memory_space<vmem>>
        %dma_wait3A_1550 = arith.constant 0 : i32
        %dma_wait3A_1551 = tpu.memref_slice %arg4[%mul3A_1541, %dma_wait3A_1550] : memref<917504x128xf32, #tpu.memory_space<hbm>> -> memref<50x64xf32, #tpu.memory_space<hbm>>
        %dma_wait3A_1552 = arith.constant 0 : i32
        %dma_wait3A_1553 = tpu.memref_slice %arg4[%mul3A_1541, %dma_wait3A_1552] : memref<917504x128xf32, #tpu.memory_space<hbm>> -> memref<50x64xf32, #tpu.memory_space<hbm>>
        %dma_wait3A_1554 = arith.constant 0 : i32
        %dma_wait3A_1555 = arith.constant 0 : i32
        %dma_wait3A_1556 = tpu.memref_slice %arg6[%dma_wait3A_1542, %dma_wait3A_1554, %dma_wait3A_1555] : memref<2x400x64xf32, #tpu.memory_space<vmem>> -> memref<1x400x64xf32, #tpu.memory_space<vmem>>
        %dma_wait3A_1557 = tpu.memref_squeeze %dma_wait3A_1556 : memref<1x400x64xf32, #tpu.memory_space<vmem>> -> memref<400x64xf32, #tpu.memory_space<vmem>>
        %dma_wait3A_1558 = arith.constant 250 : i32
        %dma_wait3A_1559 = arith.constant 0 : i32
        %dma_wait3A_1560 = tpu.memref_slice %dma_wait3A_1557[%dma_wait3A_1558, %dma_wait3A_1559] : memref<400x64xf32, #tpu.memory_space<vmem>> -> memref<50x64xf32, #tpu.memory_space<vmem>>
        tpu.wait_dma2 semaphore(%arg10 : memref<!tpu.dma_semaphore, #tpu.memory_space<semaphore_mem>>) src(%dma_wait3A_1560 : memref<50x64xf32, #tpu.memory_space<vmem>>) dst(%dma_wait3A_1553 : memref<50x64xf32, #tpu.memory_space<hbm>>)
        %add3A_1561 = arith.constant 6 : i32
        %add3A_1562 = arith.addi %add3A_554, %add3A_1561 : i32
        %mul3A_1563 = arith.constant 56 : i32
        %mul3A_1564 = arith.muli %add3A_1562, %mul3A_1563 : i32
        %dma_wait3A_1565 = arith.constant 1 : i32
        %dma_wait3A_1566 = arith.constant 0 : i32
        %dma_wait3A_1567 = arith.constant 0 : i32
        %dma_wait3A_1568 = tpu.memref_slice %arg6[%dma_wait3A_1565, %dma_wait3A_1566, %dma_wait3A_1567] : memref<2x400x64xf32, #tpu.memory_space<vmem>> -> memref<1x400x64xf32, #tpu.memory_space<vmem>>
        %dma_wait3A_1569 = tpu.memref_squeeze %dma_wait3A_1568 : memref<1x400x64xf32, #tpu.memory_space<vmem>> -> memref<400x64xf32, #tpu.memory_space<vmem>>
        %dma_wait3A_1570 = arith.constant 300 : i32
        %dma_wait3A_1571 = arith.constant 0 : i32
        %dma_wait3A_1572 = tpu.memref_slice %dma_wait3A_1569[%dma_wait3A_1570, %dma_wait3A_1571] : memref<400x64xf32, #tpu.memory_space<vmem>> -> memref<50x64xf32, #tpu.memory_space<vmem>>
        %dma_wait3A_1573 = arith.constant 0 : i32
        %dma_wait3A_1574 = tpu.memref_slice %arg4[%mul3A_1564, %dma_wait3A_1573] : memref<917504x128xf32, #tpu.memory_space<hbm>> -> memref<50x64xf32, #tpu.memory_space<hbm>>
        %dma_wait3A_1575 = arith.constant 0 : i32
        %dma_wait3A_1576 = tpu.memref_slice %arg4[%mul3A_1564, %dma_wait3A_1575] : memref<917504x128xf32, #tpu.memory_space<hbm>> -> memref<50x64xf32, #tpu.memory_space<hbm>>
        %dma_wait3A_1577 = arith.constant 0 : i32
        %dma_wait3A_1578 = arith.constant 0 : i32
        %dma_wait3A_1579 = tpu.memref_slice %arg6[%dma_wait3A_1565, %dma_wait3A_1577, %dma_wait3A_1578] : memref<2x400x64xf32, #tpu.memory_space<vmem>> -> memref<1x400x64xf32, #tpu.memory_space<vmem>>
        %dma_wait3A_1580 = tpu.memref_squeeze %dma_wait3A_1579 : memref<1x400x64xf32, #tpu.memory_space<vmem>> -> memref<400x64xf32, #tpu.memory_space<vmem>>
        %dma_wait3A_1581 = arith.constant 300 : i32
        %dma_wait3A_1582 = arith.constant 0 : i32
        %dma_wait3A_1583 = tpu.memref_slice %dma_wait3A_1580[%dma_wait3A_1581, %dma_wait3A_1582] : memref<400x64xf32, #tpu.memory_space<vmem>> -> memref<50x64xf32, #tpu.memory_space<vmem>>
        tpu.wait_dma2 semaphore(%arg10 : memref<!tpu.dma_semaphore, #tpu.memory_space<semaphore_mem>>) src(%dma_wait3A_1583 : memref<50x64xf32, #tpu.memory_space<vmem>>) dst(%dma_wait3A_1576 : memref<50x64xf32, #tpu.memory_space<hbm>>)
        %add3A_1584 = arith.constant 7 : i32
        %add3A_1585 = arith.addi %add3A_554, %add3A_1584 : i32
        %mul3A_1586 = arith.constant 56 : i32
        %mul3A_1587 = arith.muli %add3A_1585, %mul3A_1586 : i32
        %dma_wait3A_1588 = arith.constant 1 : i32
        %dma_wait3A_1589 = arith.constant 0 : i32
        %dma_wait3A_1590 = arith.constant 0 : i32
        %dma_wait3A_1591 = tpu.memref_slice %arg6[%dma_wait3A_1588, %dma_wait3A_1589, %dma_wait3A_1590] : memref<2x400x64xf32, #tpu.memory_space<vmem>> -> memref<1x400x64xf32, #tpu.memory_space<vmem>>
        %dma_wait3A_1592 = tpu.memref_squeeze %dma_wait3A_1591 : memref<1x400x64xf32, #tpu.memory_space<vmem>> -> memref<400x64xf32, #tpu.memory_space<vmem>>
        %dma_wait3A_1593 = arith.constant 350 : i32
        %dma_wait3A_1594 = arith.constant 0 : i32
        %dma_wait3A_1595 = tpu.memref_slice %dma_wait3A_1592[%dma_wait3A_1593, %dma_wait3A_1594] : memref<400x64xf32, #tpu.memory_space<vmem>> -> memref<50x64xf32, #tpu.memory_space<vmem>>
        %dma_wait3A_1596 = arith.constant 0 : i32
        %dma_wait3A_1597 = tpu.memref_slice %arg4[%mul3A_1587, %dma_wait3A_1596] : memref<917504x128xf32, #tpu.memory_space<hbm>> -> memref<50x64xf32, #tpu.memory_space<hbm>>
        %dma_wait3A_1598 = arith.constant 0 : i32
        %dma_wait3A_1599 = tpu.memref_slice %arg4[%mul3A_1587, %dma_wait3A_1598] : memref<917504x128xf32, #tpu.memory_space<hbm>> -> memref<50x64xf32, #tpu.memory_space<hbm>>
        %dma_wait3A_1600 = arith.constant 0 : i32
        %dma_wait3A_1601 = arith.constant 0 : i32
        %dma_wait3A_1602 = tpu.memref_slice %arg6[%dma_wait3A_1588, %dma_wait3A_1600, %dma_wait3A_1601] : memref<2x400x64xf32, #tpu.memory_space<vmem>> -> memref<1x400x64xf32, #tpu.memory_space<vmem>>
        %dma_wait3A_1603 = tpu.memref_squeeze %dma_wait3A_1602 : memref<1x400x64xf32, #tpu.memory_space<vmem>> -> memref<400x64xf32, #tpu.memory_space<vmem>>
        %dma_wait3A_1604 = arith.constant 350 : i32
        %dma_wait3A_1605 = arith.constant 0 : i32
        %dma_wait3A_1606 = tpu.memref_slice %dma_wait3A_1603[%dma_wait3A_1604, %dma_wait3A_1605] : memref<400x64xf32, #tpu.memory_space<vmem>> -> memref<50x64xf32, #tpu.memory_space<vmem>>
        tpu.wait_dma2 semaphore(%arg10 : memref<!tpu.dma_semaphore, #tpu.memory_space<semaphore_mem>>) src(%dma_wait3A_1606 : memref<50x64xf32, #tpu.memory_space<vmem>>) dst(%dma_wait3A_1599 : memref<50x64xf32, #tpu.memory_space<hbm>>)
      } else {
      }
      %run_scoped3A_560 = arith.constant 1 : i32
      "tpu.region"() ({
        %run_scoped3A_1423 = tpu.sem_alloc : memref<!tpu.dma_semaphore, #tpu.memory_space<semaphore_mem>>
        %dma_start3A_1424 = arith.constant 0 : i32
        %dma_start3A_1425 = arith.constant 0 : i32
        %dma_start3A_1426 = tpu.memref_slice %arg5[%run_scoped3A_560, %dma_start3A_1424, %dma_start3A_1425] : memref<2x8x50xi32, #tpu.memory_space<vmem>> -> memref<1x8x50xi32, #tpu.memory_space<vmem>>
        %dma_start3A_1427 = tpu.memref_squeeze %dma_start3A_1426 : memref<1x8x50xi32, #tpu.memory_space<vmem>> -> memref<8x50xi32, #tpu.memory_space<vmem>>
        %dma_start3A_1428 = arith.constant 0 : i32
        %dma_start3A_1429 = tpu.memref_slice %arg2[%add3A_554, %dma_start3A_1428] : memref<16384x50xi32, #tpu.memory_space<hbm>> -> memref<8x50xi32, #tpu.memory_space<hbm>>
        %dma_start3A_1430 = arith.constant 0 : i32
        %dma_start3A_1431 = arith.constant 0 : i32
        %dma_start3A_1432 = tpu.memref_slice %arg5[%run_scoped3A_560, %dma_start3A_1430, %dma_start3A_1431] : memref<2x8x50xi32, #tpu.memory_space<vmem>> -> memref<1x8x50xi32, #tpu.memory_space<vmem>>
        %dma_start3A_1433 = tpu.memref_squeeze %dma_start3A_1432 : memref<1x8x50xi32, #tpu.memory_space<vmem>> -> memref<8x50xi32, #tpu.memory_space<vmem>>
        %dma_start3A_1434 = arith.constant 0 : i32
        %dma_start3A_1435 = tpu.memref_slice %arg2[%add3A_554, %dma_start3A_1434] : memref<16384x50xi32, #tpu.memory_space<hbm>> -> memref<8x50xi32, #tpu.memory_space<hbm>>
        tpu.enqueue_dma source(%dma_start3A_1435 : memref<8x50xi32, #tpu.memory_space<hbm>>) target(%dma_start3A_1433 : memref<8x50xi32, #tpu.memory_space<vmem>>) target_semaphore(%run_scoped3A_1423 : memref<!tpu.dma_semaphore, #tpu.memory_space<semaphore_mem>>)
        %dma_wait3A_1436 = arith.constant 0 : i32
        %dma_wait3A_1437 = arith.constant 0 : i32
        %dma_wait3A_1438 = tpu.memref_slice %arg5[%run_scoped3A_560, %dma_wait3A_1436, %dma_wait3A_1437] : memref<2x8x50xi32, #tpu.memory_space<vmem>> -> memref<1x8x50xi32, #tpu.memory_space<vmem>>
        %dma_wait3A_1439 = tpu.memref_squeeze %dma_wait3A_1438 : memref<1x8x50xi32, #tpu.memory_space<vmem>> -> memref<8x50xi32, #tpu.memory_space<vmem>>
        %dma_wait3A_1440 = arith.constant 0 : i32
        %dma_wait3A_1441 = tpu.memref_slice %arg2[%add3A_554, %dma_wait3A_1440] : memref<16384x50xi32, #tpu.memory_space<hbm>> -> memref<8x50xi32, #tpu.memory_space<hbm>>
        %dma_wait3A_1442 = arith.constant 0 : i32
        %dma_wait3A_1443 = arith.constant 0 : i32
        %dma_wait3A_1444 = tpu.memref_slice %arg5[%run_scoped3A_560, %dma_wait3A_1442, %dma_wait3A_1443] : memref<2x8x50xi32, #tpu.memory_space<vmem>> -> memref<1x8x50xi32, #tpu.memory_space<vmem>>
        %dma_wait3A_1445 = tpu.memref_squeeze %dma_wait3A_1444 : memref<1x8x50xi32, #tpu.memory_space<vmem>> -> memref<8x50xi32, #tpu.memory_space<vmem>>
        %dma_wait3A_1446 = arith.constant 0 : i32
        %dma_wait3A_1447 = tpu.memref_slice %arg2[%add3A_554, %dma_wait3A_1446] : memref<16384x50xi32, #tpu.memory_space<hbm>> -> memref<8x50xi32, #tpu.memory_space<hbm>>
        tpu.wait_dma2 semaphore(%run_scoped3A_1423 : memref<!tpu.dma_semaphore, #tpu.memory_space<semaphore_mem>>) src(%dma_wait3A_1447 : memref<8x50xi32, #tpu.memory_space<hbm>>) dst(%dma_wait3A_1445 : memref<8x50xi32, #tpu.memory_space<vmem>>)
        tpu.yield
      }) : () -> ()
      %dma_start3A_561 = arith.constant 1 : i32
      %dma_start3A_562 = arith.constant 0 : i32
      %dma_start3A_563 = arith.constant 1 : i32
      %dma_start3A_564 = arith.constant 0 : i32
      %dma_start3A_565 = arith.constant 0 : i32
      %dma_start3A_566 = tpu.memref_slice %arg6[%dma_start3A_563, %dma_start3A_564, %dma_start3A_565] : memref<2x400x64xf32, #tpu.memory_space<vmem>> -> memref<1x400x64xf32, #tpu.memory_space<vmem>>
      %dma_start3A_567 = tpu.memref_squeeze %dma_start3A_566 : memref<1x400x64xf32, #tpu.memory_space<vmem>> -> memref<400x64xf32, #tpu.memory_space<vmem>>
      %dma_start3A_568 = arith.constant 0 : i32
      %dma_start3A_569 = arith.constant 0 : i32
      %dma_start3A_570 = tpu.memref_slice %dma_start3A_567[%dma_start3A_568, %dma_start3A_569] : memref<400x64xf32, #tpu.memory_space<vmem>> -> memref<50x64xf32, #tpu.memory_space<vmem>>
      %dma_start3A_571 = arith.constant 0 : i32
      %dma_start3A_572 = arith.constant 0 : i32
      %dma_start3A_573 = tpu.memref_slice %arg5[%dma_start3A_561, %dma_start3A_571, %dma_start3A_572] : memref<2x8x50xi32, #tpu.memory_space<vmem>> -> memref<1x8x50xi32, #tpu.memory_space<vmem>>
      %dma_start3A_574 = tpu.memref_squeeze %dma_start3A_573 : memref<1x8x50xi32, #tpu.memory_space<vmem>> -> memref<8x50xi32, #tpu.memory_space<vmem>>
      %dma_start3A_575 = arith.constant 0 : i32
      %dma_start3A_576 = tpu.memref_slice %dma_start3A_574[%dma_start3A_562, %dma_start3A_575] : memref<8x50xi32, #tpu.memory_space<vmem>> -> memref<1x50xi32, #tpu.memory_space<vmem>>
      %dma_start3A_577 = tpu.memref_squeeze %dma_start3A_576 : memref<1x50xi32, #tpu.memory_space<vmem>> -> memref<50xi32, #tpu.memory_space<vmem>>
      %dma_start3A_578 = arith.constant 0 : i32
      %dma_start3A_579 = arith.constant 0 : i32
      %dma_start3A_580 = tpu.memref_slice %arg3[%dma_start3A_578, %dma_start3A_579] : memref<1000000x64xf32, #tpu.memory_space<hbm>> -> memref<1000000x64xf32, #tpu.memory_space<hbm>>
      tpu.enqueue_indirect_dma source(%dma_start3A_580 : memref<1000000x64xf32, #tpu.memory_space<hbm>>) target(%dma_start3A_570 : memref<50x64xf32, #tpu.memory_space<vmem>>) offsets(%dma_start3A_577 : memref<50xi32, #tpu.memory_space<vmem>>) semaphore(%arg8 : memref<!tpu.dma_semaphore, #tpu.memory_space<semaphore_mem>>)
      %dma_start3A_581 = arith.constant 1 : i32
      %dma_start3A_582 = arith.constant 1 : i32
      %dma_start3A_583 = arith.constant 1 : i32
      %dma_start3A_584 = arith.constant 0 : i32
      %dma_start3A_585 = arith.constant 0 : i32
      %dma_start3A_586 = tpu.memref_slice %arg6[%dma_start3A_583, %dma_start3A_584, %dma_start3A_585] : memref<2x400x64xf32, #tpu.memory_space<vmem>> -> memref<1x400x64xf32, #tpu.memory_space<vmem>>
      %dma_start3A_587 = tpu.memref_squeeze %dma_start3A_586 : memref<1x400x64xf32, #tpu.memory_space<vmem>> -> memref<400x64xf32, #tpu.memory_space<vmem>>
      %dma_start3A_588 = arith.constant 50 : i32
      %dma_start3A_589 = arith.constant 0 : i32
      %dma_start3A_590 = tpu.memref_slice %dma_start3A_587[%dma_start3A_588, %dma_start3A_589] : memref<400x64xf32, #tpu.memory_space<vmem>> -> memref<50x64xf32, #tpu.memory_space<vmem>>
      %dma_start3A_591 = arith.constant 0 : i32
      %dma_start3A_592 = arith.constant 0 : i32
      %dma_start3A_593 = tpu.memref_slice %arg5[%dma_start3A_581, %dma_start3A_591, %dma_start3A_592] : memref<2x8x50xi32, #tpu.memory_space<vmem>> -> memref<1x8x50xi32, #tpu.memory_space<vmem>>
      %dma_start3A_594 = tpu.memref_squeeze %dma_start3A_593 : memref<1x8x50xi32, #tpu.memory_space<vmem>> -> memref<8x50xi32, #tpu.memory_space<vmem>>
      %dma_start3A_595 = arith.constant 0 : i32
      %dma_start3A_596 = tpu.memref_slice %dma_start3A_594[%dma_start3A_582, %dma_start3A_595] : memref<8x50xi32, #tpu.memory_space<vmem>> -> memref<1x50xi32, #tpu.memory_space<vmem>>
      %dma_start3A_597 = tpu.memref_squeeze %dma_start3A_596 : memref<1x50xi32, #tpu.memory_space<vmem>> -> memref<50xi32, #tpu.memory_space<vmem>>
      %dma_start3A_598 = arith.constant 0 : i32
      %dma_start3A_599 = arith.constant 0 : i32
      %dma_start3A_600 = tpu.memref_slice %arg3[%dma_start3A_598, %dma_start3A_599] : memref<1000000x64xf32, #tpu.memory_space<hbm>> -> memref<1000000x64xf32, #tpu.memory_space<hbm>>
      tpu.enqueue_indirect_dma source(%dma_start3A_600 : memref<1000000x64xf32, #tpu.memory_space<hbm>>) target(%dma_start3A_590 : memref<50x64xf32, #tpu.memory_space<vmem>>) offsets(%dma_start3A_597 : memref<50xi32, #tpu.memory_space<vmem>>) semaphore(%arg8 : memref<!tpu.dma_semaphore, #tpu.memory_space<semaphore_mem>>)
      %dma_start3A_601 = arith.constant 1 : i32
      %dma_start3A_602 = arith.constant 2 : i32
      %dma_start3A_603 = arith.constant 1 : i32
      %dma_start3A_604 = arith.constant 0 : i32
      %dma_start3A_605 = arith.constant 0 : i32
      %dma_start3A_606 = tpu.memref_slice %arg6[%dma_start3A_603, %dma_start3A_604, %dma_start3A_605] : memref<2x400x64xf32, #tpu.memory_space<vmem>> -> memref<1x400x64xf32, #tpu.memory_space<vmem>>
      %dma_start3A_607 = tpu.memref_squeeze %dma_start3A_606 : memref<1x400x64xf32, #tpu.memory_space<vmem>> -> memref<400x64xf32, #tpu.memory_space<vmem>>
      %dma_start3A_608 = arith.constant 100 : i32
      %dma_start3A_609 = arith.constant 0 : i32
      %dma_start3A_610 = tpu.memref_slice %dma_start3A_607[%dma_start3A_608, %dma_start3A_609] : memref<400x64xf32, #tpu.memory_space<vmem>> -> memref<50x64xf32, #tpu.memory_space<vmem>>
      %dma_start3A_611 = arith.constant 0 : i32
      %dma_start3A_612 = arith.constant 0 : i32
      %dma_start3A_613 = tpu.memref_slice %arg5[%dma_start3A_601, %dma_start3A_611, %dma_start3A_612] : memref<2x8x50xi32, #tpu.memory_space<vmem>> -> memref<1x8x50xi32, #tpu.memory_space<vmem>>
      %dma_start3A_614 = tpu.memref_squeeze %dma_start3A_613 : memref<1x8x50xi32, #tpu.memory_space<vmem>> -> memref<8x50xi32, #tpu.memory_space<vmem>>
      %dma_start3A_615 = arith.constant 0 : i32
      %dma_start3A_616 = tpu.memref_slice %dma_start3A_614[%dma_start3A_602, %dma_start3A_615] : memref<8x50xi32, #tpu.memory_space<vmem>> -> memref<1x50xi32, #tpu.memory_space<vmem>>
      %dma_start3A_617 = tpu.memref_squeeze %dma_start3A_616 : memref<1x50xi32, #tpu.memory_space<vmem>> -> memref<50xi32, #tpu.memory_space<vmem>>
      %dma_start3A_618 = arith.constant 0 : i32
      %dma_start3A_619 = arith.constant 0 : i32
      %dma_start3A_620 = tpu.memref_slice %arg3[%dma_start3A_618, %dma_start3A_619] : memref<1000000x64xf32, #tpu.memory_space<hbm>> -> memref<1000000x64xf32, #tpu.memory_space<hbm>>
      tpu.enqueue_indirect_dma source(%dma_start3A_620 : memref<1000000x64xf32, #tpu.memory_space<hbm>>) target(%dma_start3A_610 : memref<50x64xf32, #tpu.memory_space<vmem>>) offsets(%dma_start3A_617 : memref<50xi32, #tpu.memory_space<vmem>>) semaphore(%arg8 : memref<!tpu.dma_semaphore, #tpu.memory_space<semaphore_mem>>)
      %dma_start3A_621 = arith.constant 1 : i32
      %dma_start3A_622 = arith.constant 3 : i32
      %dma_start3A_623 = arith.constant 1 : i32
      %dma_start3A_624 = arith.constant 0 : i32
      %dma_start3A_625 = arith.constant 0 : i32
      %dma_start3A_626 = tpu.memref_slice %arg6[%dma_start3A_623, %dma_start3A_624, %dma_start3A_625] : memref<2x400x64xf32, #tpu.memory_space<vmem>> -> memref<1x400x64xf32, #tpu.memory_space<vmem>>
      %dma_start3A_627 = tpu.memref_squeeze %dma_start3A_626 : memref<1x400x64xf32, #tpu.memory_space<vmem>> -> memref<400x64xf32, #tpu.memory_space<vmem>>
      %dma_start3A_628 = arith.constant 150 : i32
      %dma_start3A_629 = arith.constant 0 : i32
      %dma_start3A_630 = tpu.memref_slice %dma_start3A_627[%dma_start3A_628, %dma_start3A_629] : memref<400x64xf32, #tpu.memory_space<vmem>> -> memref<50x64xf32, #tpu.memory_space<vmem>>
      %dma_start3A_631 = arith.constant 0 : i32
      %dma_start3A_632 = arith.constant 0 : i32
      %dma_start3A_633 = tpu.memref_slice %arg5[%dma_start3A_621, %dma_start3A_631, %dma_start3A_632] : memref<2x8x50xi32, #tpu.memory_space<vmem>> -> memref<1x8x50xi32, #tpu.memory_space<vmem>>
      %dma_start3A_634 = tpu.memref_squeeze %dma_start3A_633 : memref<1x8x50xi32, #tpu.memory_space<vmem>> -> memref<8x50xi32, #tpu.memory_space<vmem>>
      %dma_start3A_635 = arith.constant 0 : i32
      %dma_start3A_636 = tpu.memref_slice %dma_start3A_634[%dma_start3A_622, %dma_start3A_635] : memref<8x50xi32, #tpu.memory_space<vmem>> -> memref<1x50xi32, #tpu.memory_space<vmem>>
      %dma_start3A_637 = tpu.memref_squeeze %dma_start3A_636 : memref<1x50xi32, #tpu.memory_space<vmem>> -> memref<50xi32, #tpu.memory_space<vmem>>
      %dma_start3A_638 = arith.constant 0 : i32
      %dma_start3A_639 = arith.constant 0 : i32
      %dma_start3A_640 = tpu.memref_slice %arg3[%dma_start3A_638, %dma_start3A_639] : memref<1000000x64xf32, #tpu.memory_space<hbm>> -> memref<1000000x64xf32, #tpu.memory_space<hbm>>
      tpu.enqueue_indirect_dma source(%dma_start3A_640 : memref<1000000x64xf32, #tpu.memory_space<hbm>>) target(%dma_start3A_630 : memref<50x64xf32, #tpu.memory_space<vmem>>) offsets(%dma_start3A_637 : memref<50xi32, #tpu.memory_space<vmem>>) semaphore(%arg8 : memref<!tpu.dma_semaphore, #tpu.memory_space<semaphore_mem>>)
      %dma_start3A_641 = arith.constant 1 : i32
      %dma_start3A_642 = arith.constant 4 : i32
      %dma_start3A_643 = arith.constant 1 : i32
      %dma_start3A_644 = arith.constant 0 : i32
      %dma_start3A_645 = arith.constant 0 : i32
      %dma_start3A_646 = tpu.memref_slice %arg6[%dma_start3A_643, %dma_start3A_644, %dma_start3A_645] : memref<2x400x64xf32, #tpu.memory_space<vmem>> -> memref<1x400x64xf32, #tpu.memory_space<vmem>>
      %dma_start3A_647 = tpu.memref_squeeze %dma_start3A_646 : memref<1x400x64xf32, #tpu.memory_space<vmem>> -> memref<400x64xf32, #tpu.memory_space<vmem>>
      %dma_start3A_648 = arith.constant 200 : i32
      %dma_start3A_649 = arith.constant 0 : i32
      %dma_start3A_650 = tpu.memref_slice %dma_start3A_647[%dma_start3A_648, %dma_start3A_649] : memref<400x64xf32, #tpu.memory_space<vmem>> -> memref<50x64xf32, #tpu.memory_space<vmem>>
      %dma_start3A_651 = arith.constant 0 : i32
      %dma_start3A_652 = arith.constant 0 : i32
      %dma_start3A_653 = tpu.memref_slice %arg5[%dma_start3A_641, %dma_start3A_651, %dma_start3A_652] : memref<2x8x50xi32, #tpu.memory_space<vmem>> -> memref<1x8x50xi32, #tpu.memory_space<vmem>>
      %dma_start3A_654 = tpu.memref_squeeze %dma_start3A_653 : memref<1x8x50xi32, #tpu.memory_space<vmem>> -> memref<8x50xi32, #tpu.memory_space<vmem>>
      %dma_start3A_655 = arith.constant 0 : i32
      %dma_start3A_656 = tpu.memref_slice %dma_start3A_654[%dma_start3A_642, %dma_start3A_655] : memref<8x50xi32, #tpu.memory_space<vmem>> -> memref<1x50xi32, #tpu.memory_space<vmem>>
      %dma_start3A_657 = tpu.memref_squeeze %dma_start3A_656 : memref<1x50xi32, #tpu.memory_space<vmem>> -> memref<50xi32, #tpu.memory_space<vmem>>
      %dma_start3A_658 = arith.constant 0 : i32
      %dma_start3A_659 = arith.constant 0 : i32
      %dma_start3A_660 = tpu.memref_slice %arg3[%dma_start3A_658, %dma_start3A_659] : memref<1000000x64xf32, #tpu.memory_space<hbm>> -> memref<1000000x64xf32, #tpu.memory_space<hbm>>
      tpu.enqueue_indirect_dma source(%dma_start3A_660 : memref<1000000x64xf32, #tpu.memory_space<hbm>>) target(%dma_start3A_650 : memref<50x64xf32, #tpu.memory_space<vmem>>) offsets(%dma_start3A_657 : memref<50xi32, #tpu.memory_space<vmem>>) semaphore(%arg8 : memref<!tpu.dma_semaphore, #tpu.memory_space<semaphore_mem>>)
      %dma_start3A_661 = arith.constant 1 : i32
      %dma_start3A_662 = arith.constant 5 : i32
      %dma_start3A_663 = arith.constant 1 : i32
      %dma_start3A_664 = arith.constant 0 : i32
      %dma_start3A_665 = arith.constant 0 : i32
      %dma_start3A_666 = tpu.memref_slice %arg6[%dma_start3A_663, %dma_start3A_664, %dma_start3A_665] : memref<2x400x64xf32, #tpu.memory_space<vmem>> -> memref<1x400x64xf32, #tpu.memory_space<vmem>>
      %dma_start3A_667 = tpu.memref_squeeze %dma_start3A_666 : memref<1x400x64xf32, #tpu.memory_space<vmem>> -> memref<400x64xf32, #tpu.memory_space<vmem>>
      %dma_start3A_668 = arith.constant 250 : i32
      %dma_start3A_669 = arith.constant 0 : i32
      %dma_start3A_670 = tpu.memref_slice %dma_start3A_667[%dma_start3A_668, %dma_start3A_669] : memref<400x64xf32, #tpu.memory_space<vmem>> -> memref<50x64xf32, #tpu.memory_space<vmem>>
      %dma_start3A_671 = arith.constant 0 : i32
      %dma_start3A_672 = arith.constant 0 : i32
      %dma_start3A_673 = tpu.memref_slice %arg5[%dma_start3A_661, %dma_start3A_671, %dma_start3A_672] : memref<2x8x50xi32, #tpu.memory_space<vmem>> -> memref<1x8x50xi32, #tpu.memory_space<vmem>>
      %dma_start3A_674 = tpu.memref_squeeze %dma_start3A_673 : memref<1x8x50xi32, #tpu.memory_space<vmem>> -> memref<8x50xi32, #tpu.memory_space<vmem>>
      %dma_start3A_675 = arith.constant 0 : i32
      %dma_start3A_676 = tpu.memref_slice %dma_start3A_674[%dma_start3A_662, %dma_start3A_675] : memref<8x50xi32, #tpu.memory_space<vmem>> -> memref<1x50xi32, #tpu.memory_space<vmem>>
      %dma_start3A_677 = tpu.memref_squeeze %dma_start3A_676 : memref<1x50xi32, #tpu.memory_space<vmem>> -> memref<50xi32, #tpu.memory_space<vmem>>
      %dma_start3A_678 = arith.constant 0 : i32
      %dma_start3A_679 = arith.constant 0 : i32
      %dma_start3A_680 = tpu.memref_slice %arg3[%dma_start3A_678, %dma_start3A_679] : memref<1000000x64xf32, #tpu.memory_space<hbm>> -> memref<1000000x64xf32, #tpu.memory_space<hbm>>
      tpu.enqueue_indirect_dma source(%dma_start3A_680 : memref<1000000x64xf32, #tpu.memory_space<hbm>>) target(%dma_start3A_670 : memref<50x64xf32, #tpu.memory_space<vmem>>) offsets(%dma_start3A_677 : memref<50xi32, #tpu.memory_space<vmem>>) semaphore(%arg8 : memref<!tpu.dma_semaphore, #tpu.memory_space<semaphore_mem>>)
      %dma_start3A_681 = arith.constant 1 : i32
      %dma_start3A_682 = arith.constant 6 : i32
      %dma_start3A_683 = arith.constant 1 : i32
      %dma_start3A_684 = arith.constant 0 : i32
      %dma_start3A_685 = arith.constant 0 : i32
      %dma_start3A_686 = tpu.memref_slice %arg6[%dma_start3A_683, %dma_start3A_684, %dma_start3A_685] : memref<2x400x64xf32, #tpu.memory_space<vmem>> -> memref<1x400x64xf32, #tpu.memory_space<vmem>>
      %dma_start3A_687 = tpu.memref_squeeze %dma_start3A_686 : memref<1x400x64xf32, #tpu.memory_space<vmem>> -> memref<400x64xf32, #tpu.memory_space<vmem>>
      %dma_start3A_688 = arith.constant 300 : i32
      %dma_start3A_689 = arith.constant 0 : i32
      %dma_start3A_690 = tpu.memref_slice %dma_start3A_687[%dma_start3A_688, %dma_start3A_689] : memref<400x64xf32, #tpu.memory_space<vmem>> -> memref<50x64xf32, #tpu.memory_space<vmem>>
      %dma_start3A_691 = arith.constant 0 : i32
      %dma_start3A_692 = arith.constant 0 : i32
      %dma_start3A_693 = tpu.memref_slice %arg5[%dma_start3A_681, %dma_start3A_691, %dma_start3A_692] : memref<2x8x50xi32, #tpu.memory_space<vmem>> -> memref<1x8x50xi32, #tpu.memory_space<vmem>>
      %dma_start3A_694 = tpu.memref_squeeze %dma_start3A_693 : memref<1x8x50xi32, #tpu.memory_space<vmem>> -> memref<8x50xi32, #tpu.memory_space<vmem>>
      %dma_start3A_695 = arith.constant 0 : i32
      %dma_start3A_696 = tpu.memref_slice %dma_start3A_694[%dma_start3A_682, %dma_start3A_695] : memref<8x50xi32, #tpu.memory_space<vmem>> -> memref<1x50xi32, #tpu.memory_space<vmem>>
      %dma_start3A_697 = tpu.memref_squeeze %dma_start3A_696 : memref<1x50xi32, #tpu.memory_space<vmem>> -> memref<50xi32, #tpu.memory_space<vmem>>
      %dma_start3A_698 = arith.constant 0 : i32
      %dma_start3A_699 = arith.constant 0 : i32
      %dma_start3A_700 = tpu.memref_slice %arg3[%dma_start3A_698, %dma_start3A_699] : memref<1000000x64xf32, #tpu.memory_space<hbm>> -> memref<1000000x64xf32, #tpu.memory_space<hbm>>
      tpu.enqueue_indirect_dma source(%dma_start3A_700 : memref<1000000x64xf32, #tpu.memory_space<hbm>>) target(%dma_start3A_690 : memref<50x64xf32, #tpu.memory_space<vmem>>) offsets(%dma_start3A_697 : memref<50xi32, #tpu.memory_space<vmem>>) semaphore(%arg8 : memref<!tpu.dma_semaphore, #tpu.memory_space<semaphore_mem>>)
      %dma_start3A_701 = arith.constant 1 : i32
      %dma_start3A_702 = arith.constant 7 : i32
      %dma_start3A_703 = arith.constant 1 : i32
      %dma_start3A_704 = arith.constant 0 : i32
      %dma_start3A_705 = arith.constant 0 : i32
      %dma_start3A_706 = tpu.memref_slice %arg6[%dma_start3A_703, %dma_start3A_704, %dma_start3A_705] : memref<2x400x64xf32, #tpu.memory_space<vmem>> -> memref<1x400x64xf32, #tpu.memory_space<vmem>>
      %dma_start3A_707 = tpu.memref_squeeze %dma_start3A_706 : memref<1x400x64xf32, #tpu.memory_space<vmem>> -> memref<400x64xf32, #tpu.memory_space<vmem>>
      %dma_start3A_708 = arith.constant 350 : i32
      %dma_start3A_709 = arith.constant 0 : i32
      %dma_start3A_710 = tpu.memref_slice %dma_start3A_707[%dma_start3A_708, %dma_start3A_709] : memref<400x64xf32, #tpu.memory_space<vmem>> -> memref<50x64xf32, #tpu.memory_space<vmem>>
      %dma_start3A_711 = arith.constant 0 : i32
      %dma_start3A_712 = arith.constant 0 : i32
      %dma_start3A_713 = tpu.memref_slice %arg5[%dma_start3A_701, %dma_start3A_711, %dma_start3A_712] : memref<2x8x50xi32, #tpu.memory_space<vmem>> -> memref<1x8x50xi32, #tpu.memory_space<vmem>>
      %dma_start3A_714 = tpu.memref_squeeze %dma_start3A_713 : memref<1x8x50xi32, #tpu.memory_space<vmem>> -> memref<8x50xi32, #tpu.memory_space<vmem>>
      %dma_start3A_715 = arith.constant 0 : i32
      %dma_start3A_716 = tpu.memref_slice %dma_start3A_714[%dma_start3A_702, %dma_start3A_715] : memref<8x50xi32, #tpu.memory_space<vmem>> -> memref<1x50xi32, #tpu.memory_space<vmem>>
      %dma_start3A_717 = tpu.memref_squeeze %dma_start3A_716 : memref<1x50xi32, #tpu.memory_space<vmem>> -> memref<50xi32, #tpu.memory_space<vmem>>
      %dma_start3A_718 = arith.constant 0 : i32
      %dma_start3A_719 = arith.constant 0 : i32
      %dma_start3A_720 = tpu.memref_slice %arg3[%dma_start3A_718, %dma_start3A_719] : memref<1000000x64xf32, #tpu.memory_space<hbm>> -> memref<1000000x64xf32, #tpu.memory_space<hbm>>
      tpu.enqueue_indirect_dma source(%dma_start3A_720 : memref<1000000x64xf32, #tpu.memory_space<hbm>>) target(%dma_start3A_710 : memref<50x64xf32, #tpu.memory_space<vmem>>) offsets(%dma_start3A_717 : memref<50xi32, #tpu.memory_space<vmem>>) semaphore(%arg8 : memref<!tpu.dma_semaphore, #tpu.memory_space<semaphore_mem>>)
      %mul3A_721 = arith.constant 2 : i32
      %mul3A_722 = arith.muli %scan3A_379, %mul3A_721 : i32
      %add3A_723 = arith.constant 0 : i32
      %add3A_724 = arith.addi %mul3A_722, %add3A_723 : i32
      %mul3A_725 = arith.constant 8 : i32
      %mul3A_726 = arith.muli %add3A_724, %mul3A_725 : i32
      %add3A_727 = arith.addi %mul3A_2, %mul3A_726 : i32
      %dma_wait3A_728 = arith.constant 0 : i32
      %dma_wait3A_729 = arith.constant 0 : i32
      %dma_wait3A_730 = arith.constant 0 : i32
      %dma_wait3A_731 = arith.constant 0 : i32
      %dma_wait3A_732 = arith.constant 0 : i32
      %dma_wait3A_733 = tpu.memref_slice %arg6[%dma_wait3A_730, %dma_wait3A_731, %dma_wait3A_732] : memref<2x400x64xf32, #tpu.memory_space<vmem>> -> memref<1x400x64xf32, #tpu.memory_space<vmem>>
      %dma_wait3A_734 = tpu.memref_squeeze %dma_wait3A_733 : memref<1x400x64xf32, #tpu.memory_space<vmem>> -> memref<400x64xf32, #tpu.memory_space<vmem>>
      %dma_wait3A_735 = arith.constant 0 : i32
      %dma_wait3A_736 = arith.constant 0 : i32
      %dma_wait3A_737 = tpu.memref_slice %dma_wait3A_734[%dma_wait3A_735, %dma_wait3A_736] : memref<400x64xf32, #tpu.memory_space<vmem>> -> memref<50x64xf32, #tpu.memory_space<vmem>>
      %dma_wait3A_738 = arith.constant 0 : i32
      %dma_wait3A_739 = arith.constant 0 : i32
      %dma_wait3A_740 = tpu.memref_slice %arg5[%dma_wait3A_728, %dma_wait3A_738, %dma_wait3A_739] : memref<2x8x50xi32, #tpu.memory_space<vmem>> -> memref<1x8x50xi32, #tpu.memory_space<vmem>>
      %dma_wait3A_741 = tpu.memref_squeeze %dma_wait3A_740 : memref<1x8x50xi32, #tpu.memory_space<vmem>> -> memref<8x50xi32, #tpu.memory_space<vmem>>
      %dma_wait3A_742 = arith.constant 0 : i32
      %dma_wait3A_743 = tpu.memref_slice %dma_wait3A_741[%dma_wait3A_729, %dma_wait3A_742] : memref<8x50xi32, #tpu.memory_space<vmem>> -> memref<1x50xi32, #tpu.memory_space<vmem>>
      %dma_wait3A_744 = tpu.memref_squeeze %dma_wait3A_743 : memref<1x50xi32, #tpu.memory_space<vmem>> -> memref<50xi32, #tpu.memory_space<vmem>>
      %dma_wait3A_745 = arith.constant 0 : i32
      %dma_wait3A_746 = arith.constant 0 : i32
      %dma_wait3A_747 = tpu.memref_slice %arg3[%dma_wait3A_745, %dma_wait3A_746] : memref<1000000x64xf32, #tpu.memory_space<hbm>> -> memref<1000000x64xf32, #tpu.memory_space<hbm>>
      tpu.wait_indirect_dma semaphore(%arg7 : memref<!tpu.dma_semaphore, #tpu.memory_space<semaphore_mem>>) src(%dma_wait3A_747 : memref<1000000x64xf32, #tpu.memory_space<hbm>>) dst(%dma_wait3A_737 : memref<50x64xf32, #tpu.memory_space<vmem>>)
      %dma_wait3A_748 = arith.constant 0 : i32
      %dma_wait3A_749 = arith.constant 1 : i32
      %dma_wait3A_750 = arith.constant 0 : i32
      %dma_wait3A_751 = arith.constant 0 : i32
      %dma_wait3A_752 = arith.constant 0 : i32
      %dma_wait3A_753 = tpu.memref_slice %arg6[%dma_wait3A_750, %dma_wait3A_751, %dma_wait3A_752] : memref<2x400x64xf32, #tpu.memory_space<vmem>> -> memref<1x400x64xf32, #tpu.memory_space<vmem>>
      %dma_wait3A_754 = tpu.memref_squeeze %dma_wait3A_753 : memref<1x400x64xf32, #tpu.memory_space<vmem>> -> memref<400x64xf32, #tpu.memory_space<vmem>>
      %dma_wait3A_755 = arith.constant 50 : i32
      %dma_wait3A_756 = arith.constant 0 : i32
      %dma_wait3A_757 = tpu.memref_slice %dma_wait3A_754[%dma_wait3A_755, %dma_wait3A_756] : memref<400x64xf32, #tpu.memory_space<vmem>> -> memref<50x64xf32, #tpu.memory_space<vmem>>
      %dma_wait3A_758 = arith.constant 0 : i32
      %dma_wait3A_759 = arith.constant 0 : i32
      %dma_wait3A_760 = tpu.memref_slice %arg5[%dma_wait3A_748, %dma_wait3A_758, %dma_wait3A_759] : memref<2x8x50xi32, #tpu.memory_space<vmem>> -> memref<1x8x50xi32, #tpu.memory_space<vmem>>
      %dma_wait3A_761 = tpu.memref_squeeze %dma_wait3A_760 : memref<1x8x50xi32, #tpu.memory_space<vmem>> -> memref<8x50xi32, #tpu.memory_space<vmem>>
      %dma_wait3A_762 = arith.constant 0 : i32
      %dma_wait3A_763 = tpu.memref_slice %dma_wait3A_761[%dma_wait3A_749, %dma_wait3A_762] : memref<8x50xi32, #tpu.memory_space<vmem>> -> memref<1x50xi32, #tpu.memory_space<vmem>>
      %dma_wait3A_764 = tpu.memref_squeeze %dma_wait3A_763 : memref<1x50xi32, #tpu.memory_space<vmem>> -> memref<50xi32, #tpu.memory_space<vmem>>
      %dma_wait3A_765 = arith.constant 0 : i32
      %dma_wait3A_766 = arith.constant 0 : i32
      %dma_wait3A_767 = tpu.memref_slice %arg3[%dma_wait3A_765, %dma_wait3A_766] : memref<1000000x64xf32, #tpu.memory_space<hbm>> -> memref<1000000x64xf32, #tpu.memory_space<hbm>>
      tpu.wait_indirect_dma semaphore(%arg7 : memref<!tpu.dma_semaphore, #tpu.memory_space<semaphore_mem>>) src(%dma_wait3A_767 : memref<1000000x64xf32, #tpu.memory_space<hbm>>) dst(%dma_wait3A_757 : memref<50x64xf32, #tpu.memory_space<vmem>>)
      %dma_wait3A_768 = arith.constant 0 : i32
      %dma_wait3A_769 = arith.constant 2 : i32
      %dma_wait3A_770 = arith.constant 0 : i32
      %dma_wait3A_771 = arith.constant 0 : i32
      %dma_wait3A_772 = arith.constant 0 : i32
      %dma_wait3A_773 = tpu.memref_slice %arg6[%dma_wait3A_770, %dma_wait3A_771, %dma_wait3A_772] : memref<2x400x64xf32, #tpu.memory_space<vmem>> -> memref<1x400x64xf32, #tpu.memory_space<vmem>>
      %dma_wait3A_774 = tpu.memref_squeeze %dma_wait3A_773 : memref<1x400x64xf32, #tpu.memory_space<vmem>> -> memref<400x64xf32, #tpu.memory_space<vmem>>
      %dma_wait3A_775 = arith.constant 100 : i32
      %dma_wait3A_776 = arith.constant 0 : i32
      %dma_wait3A_777 = tpu.memref_slice %dma_wait3A_774[%dma_wait3A_775, %dma_wait3A_776] : memref<400x64xf32, #tpu.memory_space<vmem>> -> memref<50x64xf32, #tpu.memory_space<vmem>>
      %dma_wait3A_778 = arith.constant 0 : i32
      %dma_wait3A_779 = arith.constant 0 : i32
      %dma_wait3A_780 = tpu.memref_slice %arg5[%dma_wait3A_768, %dma_wait3A_778, %dma_wait3A_779] : memref<2x8x50xi32, #tpu.memory_space<vmem>> -> memref<1x8x50xi32, #tpu.memory_space<vmem>>
      %dma_wait3A_781 = tpu.memref_squeeze %dma_wait3A_780 : memref<1x8x50xi32, #tpu.memory_space<vmem>> -> memref<8x50xi32, #tpu.memory_space<vmem>>
      %dma_wait3A_782 = arith.constant 0 : i32
      %dma_wait3A_783 = tpu.memref_slice %dma_wait3A_781[%dma_wait3A_769, %dma_wait3A_782] : memref<8x50xi32, #tpu.memory_space<vmem>> -> memref<1x50xi32, #tpu.memory_space<vmem>>
      %dma_wait3A_784 = tpu.memref_squeeze %dma_wait3A_783 : memref<1x50xi32, #tpu.memory_space<vmem>> -> memref<50xi32, #tpu.memory_space<vmem>>
      %dma_wait3A_785 = arith.constant 0 : i32
      %dma_wait3A_786 = arith.constant 0 : i32
      %dma_wait3A_787 = tpu.memref_slice %arg3[%dma_wait3A_785, %dma_wait3A_786] : memref<1000000x64xf32, #tpu.memory_space<hbm>> -> memref<1000000x64xf32, #tpu.memory_space<hbm>>
      tpu.wait_indirect_dma semaphore(%arg7 : memref<!tpu.dma_semaphore, #tpu.memory_space<semaphore_mem>>) src(%dma_wait3A_787 : memref<1000000x64xf32, #tpu.memory_space<hbm>>) dst(%dma_wait3A_777 : memref<50x64xf32, #tpu.memory_space<vmem>>)
      %dma_wait3A_788 = arith.constant 0 : i32
      %dma_wait3A_789 = arith.constant 3 : i32
      %dma_wait3A_790 = arith.constant 0 : i32
      %dma_wait3A_791 = arith.constant 0 : i32
      %dma_wait3A_792 = arith.constant 0 : i32
      %dma_wait3A_793 = tpu.memref_slice %arg6[%dma_wait3A_790, %dma_wait3A_791, %dma_wait3A_792] : memref<2x400x64xf32, #tpu.memory_space<vmem>> -> memref<1x400x64xf32, #tpu.memory_space<vmem>>
      %dma_wait3A_794 = tpu.memref_squeeze %dma_wait3A_793 : memref<1x400x64xf32, #tpu.memory_space<vmem>> -> memref<400x64xf32, #tpu.memory_space<vmem>>
      %dma_wait3A_795 = arith.constant 150 : i32
      %dma_wait3A_796 = arith.constant 0 : i32
      %dma_wait3A_797 = tpu.memref_slice %dma_wait3A_794[%dma_wait3A_795, %dma_wait3A_796] : memref<400x64xf32, #tpu.memory_space<vmem>> -> memref<50x64xf32, #tpu.memory_space<vmem>>
      %dma_wait3A_798 = arith.constant 0 : i32
      %dma_wait3A_799 = arith.constant 0 : i32
      %dma_wait3A_800 = tpu.memref_slice %arg5[%dma_wait3A_788, %dma_wait3A_798, %dma_wait3A_799] : memref<2x8x50xi32, #tpu.memory_space<vmem>> -> memref<1x8x50xi32, #tpu.memory_space<vmem>>
      %dma_wait3A_801 = tpu.memref_squeeze %dma_wait3A_800 : memref<1x8x50xi32, #tpu.memory_space<vmem>> -> memref<8x50xi32, #tpu.memory_space<vmem>>
      %dma_wait3A_802 = arith.constant 0 : i32
      %dma_wait3A_803 = tpu.memref_slice %dma_wait3A_801[%dma_wait3A_789, %dma_wait3A_802] : memref<8x50xi32, #tpu.memory_space<vmem>> -> memref<1x50xi32, #tpu.memory_space<vmem>>
      %dma_wait3A_804 = tpu.memref_squeeze %dma_wait3A_803 : memref<1x50xi32, #tpu.memory_space<vmem>> -> memref<50xi32, #tpu.memory_space<vmem>>
      %dma_wait3A_805 = arith.constant 0 : i32
      %dma_wait3A_806 = arith.constant 0 : i32
      %dma_wait3A_807 = tpu.memref_slice %arg3[%dma_wait3A_805, %dma_wait3A_806] : memref<1000000x64xf32, #tpu.memory_space<hbm>> -> memref<1000000x64xf32, #tpu.memory_space<hbm>>
      tpu.wait_indirect_dma semaphore(%arg7 : memref<!tpu.dma_semaphore, #tpu.memory_space<semaphore_mem>>) src(%dma_wait3A_807 : memref<1000000x64xf32, #tpu.memory_space<hbm>>) dst(%dma_wait3A_797 : memref<50x64xf32, #tpu.memory_space<vmem>>)
      %dma_wait3A_808 = arith.constant 0 : i32
      %dma_wait3A_809 = arith.constant 4 : i32
      %dma_wait3A_810 = arith.constant 0 : i32
      %dma_wait3A_811 = arith.constant 0 : i32
      %dma_wait3A_812 = arith.constant 0 : i32
      %dma_wait3A_813 = tpu.memref_slice %arg6[%dma_wait3A_810, %dma_wait3A_811, %dma_wait3A_812] : memref<2x400x64xf32, #tpu.memory_space<vmem>> -> memref<1x400x64xf32, #tpu.memory_space<vmem>>
      %dma_wait3A_814 = tpu.memref_squeeze %dma_wait3A_813 : memref<1x400x64xf32, #tpu.memory_space<vmem>> -> memref<400x64xf32, #tpu.memory_space<vmem>>
      %dma_wait3A_815 = arith.constant 200 : i32
      %dma_wait3A_816 = arith.constant 0 : i32
      %dma_wait3A_817 = tpu.memref_slice %dma_wait3A_814[%dma_wait3A_815, %dma_wait3A_816] : memref<400x64xf32, #tpu.memory_space<vmem>> -> memref<50x64xf32, #tpu.memory_space<vmem>>
      %dma_wait3A_818 = arith.constant 0 : i32
      %dma_wait3A_819 = arith.constant 0 : i32
      %dma_wait3A_820 = tpu.memref_slice %arg5[%dma_wait3A_808, %dma_wait3A_818, %dma_wait3A_819] : memref<2x8x50xi32, #tpu.memory_space<vmem>> -> memref<1x8x50xi32, #tpu.memory_space<vmem>>
      %dma_wait3A_821 = tpu.memref_squeeze %dma_wait3A_820 : memref<1x8x50xi32, #tpu.memory_space<vmem>> -> memref<8x50xi32, #tpu.memory_space<vmem>>
      %dma_wait3A_822 = arith.constant 0 : i32
      %dma_wait3A_823 = tpu.memref_slice %dma_wait3A_821[%dma_wait3A_809, %dma_wait3A_822] : memref<8x50xi32, #tpu.memory_space<vmem>> -> memref<1x50xi32, #tpu.memory_space<vmem>>
      %dma_wait3A_824 = tpu.memref_squeeze %dma_wait3A_823 : memref<1x50xi32, #tpu.memory_space<vmem>> -> memref<50xi32, #tpu.memory_space<vmem>>
      %dma_wait3A_825 = arith.constant 0 : i32
      %dma_wait3A_826 = arith.constant 0 : i32
      %dma_wait3A_827 = tpu.memref_slice %arg3[%dma_wait3A_825, %dma_wait3A_826] : memref<1000000x64xf32, #tpu.memory_space<hbm>> -> memref<1000000x64xf32, #tpu.memory_space<hbm>>
      tpu.wait_indirect_dma semaphore(%arg7 : memref<!tpu.dma_semaphore, #tpu.memory_space<semaphore_mem>>) src(%dma_wait3A_827 : memref<1000000x64xf32, #tpu.memory_space<hbm>>) dst(%dma_wait3A_817 : memref<50x64xf32, #tpu.memory_space<vmem>>)
      %dma_wait3A_828 = arith.constant 0 : i32
      %dma_wait3A_829 = arith.constant 5 : i32
      %dma_wait3A_830 = arith.constant 0 : i32
      %dma_wait3A_831 = arith.constant 0 : i32
      %dma_wait3A_832 = arith.constant 0 : i32
      %dma_wait3A_833 = tpu.memref_slice %arg6[%dma_wait3A_830, %dma_wait3A_831, %dma_wait3A_832] : memref<2x400x64xf32, #tpu.memory_space<vmem>> -> memref<1x400x64xf32, #tpu.memory_space<vmem>>
      %dma_wait3A_834 = tpu.memref_squeeze %dma_wait3A_833 : memref<1x400x64xf32, #tpu.memory_space<vmem>> -> memref<400x64xf32, #tpu.memory_space<vmem>>
      %dma_wait3A_835 = arith.constant 250 : i32
      %dma_wait3A_836 = arith.constant 0 : i32
      %dma_wait3A_837 = tpu.memref_slice %dma_wait3A_834[%dma_wait3A_835, %dma_wait3A_836] : memref<400x64xf32, #tpu.memory_space<vmem>> -> memref<50x64xf32, #tpu.memory_space<vmem>>
      %dma_wait3A_838 = arith.constant 0 : i32
      %dma_wait3A_839 = arith.constant 0 : i32
      %dma_wait3A_840 = tpu.memref_slice %arg5[%dma_wait3A_828, %dma_wait3A_838, %dma_wait3A_839] : memref<2x8x50xi32, #tpu.memory_space<vmem>> -> memref<1x8x50xi32, #tpu.memory_space<vmem>>
      %dma_wait3A_841 = tpu.memref_squeeze %dma_wait3A_840 : memref<1x8x50xi32, #tpu.memory_space<vmem>> -> memref<8x50xi32, #tpu.memory_space<vmem>>
      %dma_wait3A_842 = arith.constant 0 : i32
      %dma_wait3A_843 = tpu.memref_slice %dma_wait3A_841[%dma_wait3A_829, %dma_wait3A_842] : memref<8x50xi32, #tpu.memory_space<vmem>> -> memref<1x50xi32, #tpu.memory_space<vmem>>
      %dma_wait3A_844 = tpu.memref_squeeze %dma_wait3A_843 : memref<1x50xi32, #tpu.memory_space<vmem>> -> memref<50xi32, #tpu.memory_space<vmem>>
      %dma_wait3A_845 = arith.constant 0 : i32
      %dma_wait3A_846 = arith.constant 0 : i32
      %dma_wait3A_847 = tpu.memref_slice %arg3[%dma_wait3A_845, %dma_wait3A_846] : memref<1000000x64xf32, #tpu.memory_space<hbm>> -> memref<1000000x64xf32, #tpu.memory_space<hbm>>
      tpu.wait_indirect_dma semaphore(%arg7 : memref<!tpu.dma_semaphore, #tpu.memory_space<semaphore_mem>>) src(%dma_wait3A_847 : memref<1000000x64xf32, #tpu.memory_space<hbm>>) dst(%dma_wait3A_837 : memref<50x64xf32, #tpu.memory_space<vmem>>)
      %dma_wait3A_848 = arith.constant 0 : i32
      %dma_wait3A_849 = arith.constant 6 : i32
      %dma_wait3A_850 = arith.constant 0 : i32
      %dma_wait3A_851 = arith.constant 0 : i32
      %dma_wait3A_852 = arith.constant 0 : i32
      %dma_wait3A_853 = tpu.memref_slice %arg6[%dma_wait3A_850, %dma_wait3A_851, %dma_wait3A_852] : memref<2x400x64xf32, #tpu.memory_space<vmem>> -> memref<1x400x64xf32, #tpu.memory_space<vmem>>
      %dma_wait3A_854 = tpu.memref_squeeze %dma_wait3A_853 : memref<1x400x64xf32, #tpu.memory_space<vmem>> -> memref<400x64xf32, #tpu.memory_space<vmem>>
      %dma_wait3A_855 = arith.constant 300 : i32
      %dma_wait3A_856 = arith.constant 0 : i32
      %dma_wait3A_857 = tpu.memref_slice %dma_wait3A_854[%dma_wait3A_855, %dma_wait3A_856] : memref<400x64xf32, #tpu.memory_space<vmem>> -> memref<50x64xf32, #tpu.memory_space<vmem>>
      %dma_wait3A_858 = arith.constant 0 : i32
      %dma_wait3A_859 = arith.constant 0 : i32
      %dma_wait3A_860 = tpu.memref_slice %arg5[%dma_wait3A_848, %dma_wait3A_858, %dma_wait3A_859] : memref<2x8x50xi32, #tpu.memory_space<vmem>> -> memref<1x8x50xi32, #tpu.memory_space<vmem>>
      %dma_wait3A_861 = tpu.memref_squeeze %dma_wait3A_860 : memref<1x8x50xi32, #tpu.memory_space<vmem>> -> memref<8x50xi32, #tpu.memory_space<vmem>>
      %dma_wait3A_862 = arith.constant 0 : i32
      %dma_wait3A_863 = tpu.memref_slice %dma_wait3A_861[%dma_wait3A_849, %dma_wait3A_862] : memref<8x50xi32, #tpu.memory_space<vmem>> -> memref<1x50xi32, #tpu.memory_space<vmem>>
      %dma_wait3A_864 = tpu.memref_squeeze %dma_wait3A_863 : memref<1x50xi32, #tpu.memory_space<vmem>> -> memref<50xi32, #tpu.memory_space<vmem>>
      %dma_wait3A_865 = arith.constant 0 : i32
      %dma_wait3A_866 = arith.constant 0 : i32
      %dma_wait3A_867 = tpu.memref_slice %arg3[%dma_wait3A_865, %dma_wait3A_866] : memref<1000000x64xf32, #tpu.memory_space<hbm>> -> memref<1000000x64xf32, #tpu.memory_space<hbm>>
      tpu.wait_indirect_dma semaphore(%arg7 : memref<!tpu.dma_semaphore, #tpu.memory_space<semaphore_mem>>) src(%dma_wait3A_867 : memref<1000000x64xf32, #tpu.memory_space<hbm>>) dst(%dma_wait3A_857 : memref<50x64xf32, #tpu.memory_space<vmem>>)
      %dma_wait3A_868 = arith.constant 0 : i32
      %dma_wait3A_869 = arith.constant 7 : i32
      %dma_wait3A_870 = arith.constant 0 : i32
      %dma_wait3A_871 = arith.constant 0 : i32
      %dma_wait3A_872 = arith.constant 0 : i32
      %dma_wait3A_873 = tpu.memref_slice %arg6[%dma_wait3A_870, %dma_wait3A_871, %dma_wait3A_872] : memref<2x400x64xf32, #tpu.memory_space<vmem>> -> memref<1x400x64xf32, #tpu.memory_space<vmem>>
      %dma_wait3A_874 = tpu.memref_squeeze %dma_wait3A_873 : memref<1x400x64xf32, #tpu.memory_space<vmem>> -> memref<400x64xf32, #tpu.memory_space<vmem>>
      %dma_wait3A_875 = arith.constant 350 : i32
      %dma_wait3A_876 = arith.constant 0 : i32
      %dma_wait3A_877 = tpu.memref_slice %dma_wait3A_874[%dma_wait3A_875, %dma_wait3A_876] : memref<400x64xf32, #tpu.memory_space<vmem>> -> memref<50x64xf32, #tpu.memory_space<vmem>>
      %dma_wait3A_878 = arith.constant 0 : i32
      %dma_wait3A_879 = arith.constant 0 : i32
      %dma_wait3A_880 = tpu.memref_slice %arg5[%dma_wait3A_868, %dma_wait3A_878, %dma_wait3A_879] : memref<2x8x50xi32, #tpu.memory_space<vmem>> -> memref<1x8x50xi32, #tpu.memory_space<vmem>>
      %dma_wait3A_881 = tpu.memref_squeeze %dma_wait3A_880 : memref<1x8x50xi32, #tpu.memory_space<vmem>> -> memref<8x50xi32, #tpu.memory_space<vmem>>
      %dma_wait3A_882 = arith.constant 0 : i32
      %dma_wait3A_883 = tpu.memref_slice %dma_wait3A_881[%dma_wait3A_869, %dma_wait3A_882] : memref<8x50xi32, #tpu.memory_space<vmem>> -> memref<1x50xi32, #tpu.memory_space<vmem>>
      %dma_wait3A_884 = tpu.memref_squeeze %dma_wait3A_883 : memref<1x50xi32, #tpu.memory_space<vmem>> -> memref<50xi32, #tpu.memory_space<vmem>>
      %dma_wait3A_885 = arith.constant 0 : i32
      %dma_wait3A_886 = arith.constant 0 : i32
      %dma_wait3A_887 = tpu.memref_slice %arg3[%dma_wait3A_885, %dma_wait3A_886] : memref<1000000x64xf32, #tpu.memory_space<hbm>> -> memref<1000000x64xf32, #tpu.memory_space<hbm>>
      tpu.wait_indirect_dma semaphore(%arg7 : memref<!tpu.dma_semaphore, #tpu.memory_space<semaphore_mem>>) src(%dma_wait3A_887 : memref<1000000x64xf32, #tpu.memory_space<hbm>>) dst(%dma_wait3A_877 : memref<50x64xf32, #tpu.memory_space<vmem>>)
      %add3A_888 = arith.constant 0 : i32
      %add3A_889 = arith.addi %add3A_727, %add3A_888 : i32
      %mul3A_890 = arith.constant 56 : i32
      %mul3A_891 = arith.muli %add3A_889, %mul3A_890 : i32
      %dma_start3A_892 = arith.constant 0 : i32
      %dma_start3A_893 = arith.constant 0 : i32
      %dma_start3A_894 = arith.constant 0 : i32
      %dma_start3A_895 = tpu.memref_slice %arg6[%dma_start3A_892, %dma_start3A_893, %dma_start3A_894] : memref<2x400x64xf32, #tpu.memory_space<vmem>> -> memref<1x400x64xf32, #tpu.memory_space<vmem>>
      %dma_start3A_896 = tpu.memref_squeeze %dma_start3A_895 : memref<1x400x64xf32, #tpu.memory_space<vmem>> -> memref<400x64xf32, #tpu.memory_space<vmem>>
      %dma_start3A_897 = arith.constant 0 : i32
      %dma_start3A_898 = arith.constant 0 : i32
      %dma_start3A_899 = tpu.memref_slice %dma_start3A_896[%dma_start3A_897, %dma_start3A_898] : memref<400x64xf32, #tpu.memory_space<vmem>> -> memref<50x64xf32, #tpu.memory_space<vmem>>
      %dma_start3A_900 = arith.constant 0 : i32
      %dma_start3A_901 = tpu.memref_slice %arg4[%mul3A_891, %dma_start3A_900] : memref<917504x128xf32, #tpu.memory_space<hbm>> -> memref<50x64xf32, #tpu.memory_space<hbm>>
      %dma_start3A_902 = arith.constant 0 : i32
      %dma_start3A_903 = tpu.memref_slice %arg4[%mul3A_891, %dma_start3A_902] : memref<917504x128xf32, #tpu.memory_space<hbm>> -> memref<50x64xf32, #tpu.memory_space<hbm>>
      %dma_start3A_904 = arith.constant 0 : i32
      %dma_start3A_905 = arith.constant 0 : i32
      %dma_start3A_906 = tpu.memref_slice %arg6[%dma_start3A_892, %dma_start3A_904, %dma_start3A_905] : memref<2x400x64xf32, #tpu.memory_space<vmem>> -> memref<1x400x64xf32, #tpu.memory_space<vmem>>
      %dma_start3A_907 = tpu.memref_squeeze %dma_start3A_906 : memref<1x400x64xf32, #tpu.memory_space<vmem>> -> memref<400x64xf32, #tpu.memory_space<vmem>>
      %dma_start3A_908 = arith.constant 0 : i32
      %dma_start3A_909 = arith.constant 0 : i32
      %dma_start3A_910 = tpu.memref_slice %dma_start3A_907[%dma_start3A_908, %dma_start3A_909] : memref<400x64xf32, #tpu.memory_space<vmem>> -> memref<50x64xf32, #tpu.memory_space<vmem>>
      tpu.enqueue_dma source(%dma_start3A_910 : memref<50x64xf32, #tpu.memory_space<vmem>>) target(%dma_start3A_903 : memref<50x64xf32, #tpu.memory_space<hbm>>) target_semaphore(%arg9 : memref<!tpu.dma_semaphore, #tpu.memory_space<semaphore_mem>>)
      %add3A_911 = arith.constant 1 : i32
      %add3A_912 = arith.addi %add3A_727, %add3A_911 : i32
      %mul3A_913 = arith.constant 56 : i32
      %mul3A_914 = arith.muli %add3A_912, %mul3A_913 : i32
      %dma_start3A_915 = arith.constant 0 : i32
      %dma_start3A_916 = arith.constant 0 : i32
      %dma_start3A_917 = arith.constant 0 : i32
      %dma_start3A_918 = tpu.memref_slice %arg6[%dma_start3A_915, %dma_start3A_916, %dma_start3A_917] : memref<2x400x64xf32, #tpu.memory_space<vmem>> -> memref<1x400x64xf32, #tpu.memory_space<vmem>>
      %dma_start3A_919 = tpu.memref_squeeze %dma_start3A_918 : memref<1x400x64xf32, #tpu.memory_space<vmem>> -> memref<400x64xf32, #tpu.memory_space<vmem>>
      %dma_start3A_920 = arith.constant 50 : i32
      %dma_start3A_921 = arith.constant 0 : i32
      %dma_start3A_922 = tpu.memref_slice %dma_start3A_919[%dma_start3A_920, %dma_start3A_921] : memref<400x64xf32, #tpu.memory_space<vmem>> -> memref<50x64xf32, #tpu.memory_space<vmem>>
      %dma_start3A_923 = arith.constant 0 : i32
      %dma_start3A_924 = tpu.memref_slice %arg4[%mul3A_914, %dma_start3A_923] : memref<917504x128xf32, #tpu.memory_space<hbm>> -> memref<50x64xf32, #tpu.memory_space<hbm>>
      %dma_start3A_925 = arith.constant 0 : i32
      %dma_start3A_926 = tpu.memref_slice %arg4[%mul3A_914, %dma_start3A_925] : memref<917504x128xf32, #tpu.memory_space<hbm>> -> memref<50x64xf32, #tpu.memory_space<hbm>>
      %dma_start3A_927 = arith.constant 0 : i32
      %dma_start3A_928 = arith.constant 0 : i32
      %dma_start3A_929 = tpu.memref_slice %arg6[%dma_start3A_915, %dma_start3A_927, %dma_start3A_928] : memref<2x400x64xf32, #tpu.memory_space<vmem>> -> memref<1x400x64xf32, #tpu.memory_space<vmem>>
      %dma_start3A_930 = tpu.memref_squeeze %dma_start3A_929 : memref<1x400x64xf32, #tpu.memory_space<vmem>> -> memref<400x64xf32, #tpu.memory_space<vmem>>
      %dma_start3A_931 = arith.constant 50 : i32
      %dma_start3A_932 = arith.constant 0 : i32
      %dma_start3A_933 = tpu.memref_slice %dma_start3A_930[%dma_start3A_931, %dma_start3A_932] : memref<400x64xf32, #tpu.memory_space<vmem>> -> memref<50x64xf32, #tpu.memory_space<vmem>>
      tpu.enqueue_dma source(%dma_start3A_933 : memref<50x64xf32, #tpu.memory_space<vmem>>) target(%dma_start3A_926 : memref<50x64xf32, #tpu.memory_space<hbm>>) target_semaphore(%arg9 : memref<!tpu.dma_semaphore, #tpu.memory_space<semaphore_mem>>)
      %add3A_934 = arith.constant 2 : i32
      %add3A_935 = arith.addi %add3A_727, %add3A_934 : i32
      %mul3A_936 = arith.constant 56 : i32
      %mul3A_937 = arith.muli %add3A_935, %mul3A_936 : i32
      %dma_start3A_938 = arith.constant 0 : i32
      %dma_start3A_939 = arith.constant 0 : i32
      %dma_start3A_940 = arith.constant 0 : i32
      %dma_start3A_941 = tpu.memref_slice %arg6[%dma_start3A_938, %dma_start3A_939, %dma_start3A_940] : memref<2x400x64xf32, #tpu.memory_space<vmem>> -> memref<1x400x64xf32, #tpu.memory_space<vmem>>
      %dma_start3A_942 = tpu.memref_squeeze %dma_start3A_941 : memref<1x400x64xf32, #tpu.memory_space<vmem>> -> memref<400x64xf32, #tpu.memory_space<vmem>>
      %dma_start3A_943 = arith.constant 100 : i32
      %dma_start3A_944 = arith.constant 0 : i32
      %dma_start3A_945 = tpu.memref_slice %dma_start3A_942[%dma_start3A_943, %dma_start3A_944] : memref<400x64xf32, #tpu.memory_space<vmem>> -> memref<50x64xf32, #tpu.memory_space<vmem>>
      %dma_start3A_946 = arith.constant 0 : i32
      %dma_start3A_947 = tpu.memref_slice %arg4[%mul3A_937, %dma_start3A_946] : memref<917504x128xf32, #tpu.memory_space<hbm>> -> memref<50x64xf32, #tpu.memory_space<hbm>>
      %dma_start3A_948 = arith.constant 0 : i32
      %dma_start3A_949 = tpu.memref_slice %arg4[%mul3A_937, %dma_start3A_948] : memref<917504x128xf32, #tpu.memory_space<hbm>> -> memref<50x64xf32, #tpu.memory_space<hbm>>
      %dma_start3A_950 = arith.constant 0 : i32
      %dma_start3A_951 = arith.constant 0 : i32
      %dma_start3A_952 = tpu.memref_slice %arg6[%dma_start3A_938, %dma_start3A_950, %dma_start3A_951] : memref<2x400x64xf32, #tpu.memory_space<vmem>> -> memref<1x400x64xf32, #tpu.memory_space<vmem>>
      %dma_start3A_953 = tpu.memref_squeeze %dma_start3A_952 : memref<1x400x64xf32, #tpu.memory_space<vmem>> -> memref<400x64xf32, #tpu.memory_space<vmem>>
      %dma_start3A_954 = arith.constant 100 : i32
      %dma_start3A_955 = arith.constant 0 : i32
      %dma_start3A_956 = tpu.memref_slice %dma_start3A_953[%dma_start3A_954, %dma_start3A_955] : memref<400x64xf32, #tpu.memory_space<vmem>> -> memref<50x64xf32, #tpu.memory_space<vmem>>
      tpu.enqueue_dma source(%dma_start3A_956 : memref<50x64xf32, #tpu.memory_space<vmem>>) target(%dma_start3A_949 : memref<50x64xf32, #tpu.memory_space<hbm>>) target_semaphore(%arg9 : memref<!tpu.dma_semaphore, #tpu.memory_space<semaphore_mem>>)
      %add3A_957 = arith.constant 3 : i32
      %add3A_958 = arith.addi %add3A_727, %add3A_957 : i32
      %mul3A_959 = arith.constant 56 : i32
      %mul3A_960 = arith.muli %add3A_958, %mul3A_959 : i32
      %dma_start3A_961 = arith.constant 0 : i32
      %dma_start3A_962 = arith.constant 0 : i32
      %dma_start3A_963 = arith.constant 0 : i32
      %dma_start3A_964 = tpu.memref_slice %arg6[%dma_start3A_961, %dma_start3A_962, %dma_start3A_963] : memref<2x400x64xf32, #tpu.memory_space<vmem>> -> memref<1x400x64xf32, #tpu.memory_space<vmem>>
      %dma_start3A_965 = tpu.memref_squeeze %dma_start3A_964 : memref<1x400x64xf32, #tpu.memory_space<vmem>> -> memref<400x64xf32, #tpu.memory_space<vmem>>
      %dma_start3A_966 = arith.constant 150 : i32
      %dma_start3A_967 = arith.constant 0 : i32
      %dma_start3A_968 = tpu.memref_slice %dma_start3A_965[%dma_start3A_966, %dma_start3A_967] : memref<400x64xf32, #tpu.memory_space<vmem>> -> memref<50x64xf32, #tpu.memory_space<vmem>>
      %dma_start3A_969 = arith.constant 0 : i32
      %dma_start3A_970 = tpu.memref_slice %arg4[%mul3A_960, %dma_start3A_969] : memref<917504x128xf32, #tpu.memory_space<hbm>> -> memref<50x64xf32, #tpu.memory_space<hbm>>
      %dma_start3A_971 = arith.constant 0 : i32
      %dma_start3A_972 = tpu.memref_slice %arg4[%mul3A_960, %dma_start3A_971] : memref<917504x128xf32, #tpu.memory_space<hbm>> -> memref<50x64xf32, #tpu.memory_space<hbm>>
      %dma_start3A_973 = arith.constant 0 : i32
      %dma_start3A_974 = arith.constant 0 : i32
      %dma_start3A_975 = tpu.memref_slice %arg6[%dma_start3A_961, %dma_start3A_973, %dma_start3A_974] : memref<2x400x64xf32, #tpu.memory_space<vmem>> -> memref<1x400x64xf32, #tpu.memory_space<vmem>>
      %dma_start3A_976 = tpu.memref_squeeze %dma_start3A_975 : memref<1x400x64xf32, #tpu.memory_space<vmem>> -> memref<400x64xf32, #tpu.memory_space<vmem>>
      %dma_start3A_977 = arith.constant 150 : i32
      %dma_start3A_978 = arith.constant 0 : i32
      %dma_start3A_979 = tpu.memref_slice %dma_start3A_976[%dma_start3A_977, %dma_start3A_978] : memref<400x64xf32, #tpu.memory_space<vmem>> -> memref<50x64xf32, #tpu.memory_space<vmem>>
      tpu.enqueue_dma source(%dma_start3A_979 : memref<50x64xf32, #tpu.memory_space<vmem>>) target(%dma_start3A_972 : memref<50x64xf32, #tpu.memory_space<hbm>>) target_semaphore(%arg9 : memref<!tpu.dma_semaphore, #tpu.memory_space<semaphore_mem>>)
      %add3A_980 = arith.constant 4 : i32
      %add3A_981 = arith.addi %add3A_727, %add3A_980 : i32
      %mul3A_982 = arith.constant 56 : i32
      %mul3A_983 = arith.muli %add3A_981, %mul3A_982 : i32
      %dma_start3A_984 = arith.constant 0 : i32
      %dma_start3A_985 = arith.constant 0 : i32
      %dma_start3A_986 = arith.constant 0 : i32
      %dma_start3A_987 = tpu.memref_slice %arg6[%dma_start3A_984, %dma_start3A_985, %dma_start3A_986] : memref<2x400x64xf32, #tpu.memory_space<vmem>> -> memref<1x400x64xf32, #tpu.memory_space<vmem>>
      %dma_start3A_988 = tpu.memref_squeeze %dma_start3A_987 : memref<1x400x64xf32, #tpu.memory_space<vmem>> -> memref<400x64xf32, #tpu.memory_space<vmem>>
      %dma_start3A_989 = arith.constant 200 : i32
      %dma_start3A_990 = arith.constant 0 : i32
      %dma_start3A_991 = tpu.memref_slice %dma_start3A_988[%dma_start3A_989, %dma_start3A_990] : memref<400x64xf32, #tpu.memory_space<vmem>> -> memref<50x64xf32, #tpu.memory_space<vmem>>
      %dma_start3A_992 = arith.constant 0 : i32
      %dma_start3A_993 = tpu.memref_slice %arg4[%mul3A_983, %dma_start3A_992] : memref<917504x128xf32, #tpu.memory_space<hbm>> -> memref<50x64xf32, #tpu.memory_space<hbm>>
      %dma_start3A_994 = arith.constant 0 : i32
      %dma_start3A_995 = tpu.memref_slice %arg4[%mul3A_983, %dma_start3A_994] : memref<917504x128xf32, #tpu.memory_space<hbm>> -> memref<50x64xf32, #tpu.memory_space<hbm>>
      %dma_start3A_996 = arith.constant 0 : i32
      %dma_start3A_997 = arith.constant 0 : i32
      %dma_start3A_998 = tpu.memref_slice %arg6[%dma_start3A_984, %dma_start3A_996, %dma_start3A_997] : memref<2x400x64xf32, #tpu.memory_space<vmem>> -> memref<1x400x64xf32, #tpu.memory_space<vmem>>
      %dma_start3A_999 = tpu.memref_squeeze %dma_start3A_998 : memref<1x400x64xf32, #tpu.memory_space<vmem>> -> memref<400x64xf32, #tpu.memory_space<vmem>>
      %dma_start3A_1000 = arith.constant 200 : i32
      %dma_start3A_1001 = arith.constant 0 : i32
      %dma_start3A_1002 = tpu.memref_slice %dma_start3A_999[%dma_start3A_1000, %dma_start3A_1001] : memref<400x64xf32, #tpu.memory_space<vmem>> -> memref<50x64xf32, #tpu.memory_space<vmem>>
      tpu.enqueue_dma source(%dma_start3A_1002 : memref<50x64xf32, #tpu.memory_space<vmem>>) target(%dma_start3A_995 : memref<50x64xf32, #tpu.memory_space<hbm>>) target_semaphore(%arg9 : memref<!tpu.dma_semaphore, #tpu.memory_space<semaphore_mem>>)
      %add3A_1003 = arith.constant 5 : i32
      %add3A_1004 = arith.addi %add3A_727, %add3A_1003 : i32
      %mul3A_1005 = arith.constant 56 : i32
      %mul3A_1006 = arith.muli %add3A_1004, %mul3A_1005 : i32
      %dma_start3A_1007 = arith.constant 0 : i32
      %dma_start3A_1008 = arith.constant 0 : i32
      %dma_start3A_1009 = arith.constant 0 : i32
      %dma_start3A_1010 = tpu.memref_slice %arg6[%dma_start3A_1007, %dma_start3A_1008, %dma_start3A_1009] : memref<2x400x64xf32, #tpu.memory_space<vmem>> -> memref<1x400x64xf32, #tpu.memory_space<vmem>>
      %dma_start3A_1011 = tpu.memref_squeeze %dma_start3A_1010 : memref<1x400x64xf32, #tpu.memory_space<vmem>> -> memref<400x64xf32, #tpu.memory_space<vmem>>
      %dma_start3A_1012 = arith.constant 250 : i32
      %dma_start3A_1013 = arith.constant 0 : i32
      %dma_start3A_1014 = tpu.memref_slice %dma_start3A_1011[%dma_start3A_1012, %dma_start3A_1013] : memref<400x64xf32, #tpu.memory_space<vmem>> -> memref<50x64xf32, #tpu.memory_space<vmem>>
      %dma_start3A_1015 = arith.constant 0 : i32
      %dma_start3A_1016 = tpu.memref_slice %arg4[%mul3A_1006, %dma_start3A_1015] : memref<917504x128xf32, #tpu.memory_space<hbm>> -> memref<50x64xf32, #tpu.memory_space<hbm>>
      %dma_start3A_1017 = arith.constant 0 : i32
      %dma_start3A_1018 = tpu.memref_slice %arg4[%mul3A_1006, %dma_start3A_1017] : memref<917504x128xf32, #tpu.memory_space<hbm>> -> memref<50x64xf32, #tpu.memory_space<hbm>>
      %dma_start3A_1019 = arith.constant 0 : i32
      %dma_start3A_1020 = arith.constant 0 : i32
      %dma_start3A_1021 = tpu.memref_slice %arg6[%dma_start3A_1007, %dma_start3A_1019, %dma_start3A_1020] : memref<2x400x64xf32, #tpu.memory_space<vmem>> -> memref<1x400x64xf32, #tpu.memory_space<vmem>>
      %dma_start3A_1022 = tpu.memref_squeeze %dma_start3A_1021 : memref<1x400x64xf32, #tpu.memory_space<vmem>> -> memref<400x64xf32, #tpu.memory_space<vmem>>
      %dma_start3A_1023 = arith.constant 250 : i32
      %dma_start3A_1024 = arith.constant 0 : i32
      %dma_start3A_1025 = tpu.memref_slice %dma_start3A_1022[%dma_start3A_1023, %dma_start3A_1024] : memref<400x64xf32, #tpu.memory_space<vmem>> -> memref<50x64xf32, #tpu.memory_space<vmem>>
      tpu.enqueue_dma source(%dma_start3A_1025 : memref<50x64xf32, #tpu.memory_space<vmem>>) target(%dma_start3A_1018 : memref<50x64xf32, #tpu.memory_space<hbm>>) target_semaphore(%arg9 : memref<!tpu.dma_semaphore, #tpu.memory_space<semaphore_mem>>)
      %add3A_1026 = arith.constant 6 : i32
      %add3A_1027 = arith.addi %add3A_727, %add3A_1026 : i32
      %mul3A_1028 = arith.constant 56 : i32
      %mul3A_1029 = arith.muli %add3A_1027, %mul3A_1028 : i32
      %dma_start3A_1030 = arith.constant 0 : i32
      %dma_start3A_1031 = arith.constant 0 : i32
      %dma_start3A_1032 = arith.constant 0 : i32
      %dma_start3A_1033 = tpu.memref_slice %arg6[%dma_start3A_1030, %dma_start3A_1031, %dma_start3A_1032] : memref<2x400x64xf32, #tpu.memory_space<vmem>> -> memref<1x400x64xf32, #tpu.memory_space<vmem>>
      %dma_start3A_1034 = tpu.memref_squeeze %dma_start3A_1033 : memref<1x400x64xf32, #tpu.memory_space<vmem>> -> memref<400x64xf32, #tpu.memory_space<vmem>>
      %dma_start3A_1035 = arith.constant 300 : i32
      %dma_start3A_1036 = arith.constant 0 : i32
      %dma_start3A_1037 = tpu.memref_slice %dma_start3A_1034[%dma_start3A_1035, %dma_start3A_1036] : memref<400x64xf32, #tpu.memory_space<vmem>> -> memref<50x64xf32, #tpu.memory_space<vmem>>
      %dma_start3A_1038 = arith.constant 0 : i32
      %dma_start3A_1039 = tpu.memref_slice %arg4[%mul3A_1029, %dma_start3A_1038] : memref<917504x128xf32, #tpu.memory_space<hbm>> -> memref<50x64xf32, #tpu.memory_space<hbm>>
      %dma_start3A_1040 = arith.constant 0 : i32
      %dma_start3A_1041 = tpu.memref_slice %arg4[%mul3A_1029, %dma_start3A_1040] : memref<917504x128xf32, #tpu.memory_space<hbm>> -> memref<50x64xf32, #tpu.memory_space<hbm>>
      %dma_start3A_1042 = arith.constant 0 : i32
      %dma_start3A_1043 = arith.constant 0 : i32
      %dma_start3A_1044 = tpu.memref_slice %arg6[%dma_start3A_1030, %dma_start3A_1042, %dma_start3A_1043] : memref<2x400x64xf32, #tpu.memory_space<vmem>> -> memref<1x400x64xf32, #tpu.memory_space<vmem>>
      %dma_start3A_1045 = tpu.memref_squeeze %dma_start3A_1044 : memref<1x400x64xf32, #tpu.memory_space<vmem>> -> memref<400x64xf32, #tpu.memory_space<vmem>>
      %dma_start3A_1046 = arith.constant 300 : i32
      %dma_start3A_1047 = arith.constant 0 : i32
      %dma_start3A_1048 = tpu.memref_slice %dma_start3A_1045[%dma_start3A_1046, %dma_start3A_1047] : memref<400x64xf32, #tpu.memory_space<vmem>> -> memref<50x64xf32, #tpu.memory_space<vmem>>
      tpu.enqueue_dma source(%dma_start3A_1048 : memref<50x64xf32, #tpu.memory_space<vmem>>) target(%dma_start3A_1041 : memref<50x64xf32, #tpu.memory_space<hbm>>) target_semaphore(%arg9 : memref<!tpu.dma_semaphore, #tpu.memory_space<semaphore_mem>>)
      %add3A_1049 = arith.constant 7 : i32
      %add3A_1050 = arith.addi %add3A_727, %add3A_1049 : i32
      %mul3A_1051 = arith.constant 56 : i32
      %mul3A_1052 = arith.muli %add3A_1050, %mul3A_1051 : i32
      %dma_start3A_1053 = arith.constant 0 : i32
      %dma_start3A_1054 = arith.constant 0 : i32
      %dma_start3A_1055 = arith.constant 0 : i32
      %dma_start3A_1056 = tpu.memref_slice %arg6[%dma_start3A_1053, %dma_start3A_1054, %dma_start3A_1055] : memref<2x400x64xf32, #tpu.memory_space<vmem>> -> memref<1x400x64xf32, #tpu.memory_space<vmem>>
      %dma_start3A_1057 = tpu.memref_squeeze %dma_start3A_1056 : memref<1x400x64xf32, #tpu.memory_space<vmem>> -> memref<400x64xf32, #tpu.memory_space<vmem>>
      %dma_start3A_1058 = arith.constant 350 : i32
      %dma_start3A_1059 = arith.constant 0 : i32
      %dma_start3A_1060 = tpu.memref_slice %dma_start3A_1057[%dma_start3A_1058, %dma_start3A_1059] : memref<400x64xf32, #tpu.memory_space<vmem>> -> memref<50x64xf32, #tpu.memory_space<vmem>>
      %dma_start3A_1061 = arith.constant 0 : i32
      %dma_start3A_1062 = tpu.memref_slice %arg4[%mul3A_1052, %dma_start3A_1061] : memref<917504x128xf32, #tpu.memory_space<hbm>> -> memref<50x64xf32, #tpu.memory_space<hbm>>
      %dma_start3A_1063 = arith.constant 0 : i32
      %dma_start3A_1064 = tpu.memref_slice %arg4[%mul3A_1052, %dma_start3A_1063] : memref<917504x128xf32, #tpu.memory_space<hbm>> -> memref<50x64xf32, #tpu.memory_space<hbm>>
      %dma_start3A_1065 = arith.constant 0 : i32
      %dma_start3A_1066 = arith.constant 0 : i32
      %dma_start3A_1067 = tpu.memref_slice %arg6[%dma_start3A_1053, %dma_start3A_1065, %dma_start3A_1066] : memref<2x400x64xf32, #tpu.memory_space<vmem>> -> memref<1x400x64xf32, #tpu.memory_space<vmem>>
      %dma_start3A_1068 = tpu.memref_squeeze %dma_start3A_1067 : memref<1x400x64xf32, #tpu.memory_space<vmem>> -> memref<400x64xf32, #tpu.memory_space<vmem>>
      %dma_start3A_1069 = arith.constant 350 : i32
      %dma_start3A_1070 = arith.constant 0 : i32
      %dma_start3A_1071 = tpu.memref_slice %dma_start3A_1068[%dma_start3A_1069, %dma_start3A_1070] : memref<400x64xf32, #tpu.memory_space<vmem>> -> memref<50x64xf32, #tpu.memory_space<vmem>>
      tpu.enqueue_dma source(%dma_start3A_1071 : memref<50x64xf32, #tpu.memory_space<vmem>>) target(%dma_start3A_1064 : memref<50x64xf32, #tpu.memory_space<hbm>>) target_semaphore(%arg9 : memref<!tpu.dma_semaphore, #tpu.memory_space<semaphore_mem>>)
      %mul3A_1072 = arith.constant 2 : i32
      %mul3A_1073 = arith.muli %scan3A_379, %mul3A_1072 : i32
      %add3A_1074 = arith.constant 1 : i32
      %add3A_1075 = arith.addi %mul3A_1073, %add3A_1074 : i32
      %mul3A_1076 = arith.constant 8 : i32
      %mul3A_1077 = arith.muli %add3A_1075, %mul3A_1076 : i32
      %add3A_1078 = arith.addi %mul3A_2, %mul3A_1077 : i32
      %dma_wait3A_1079 = arith.constant 1 : i32
      %dma_wait3A_1080 = arith.constant 0 : i32
      %dma_wait3A_1081 = arith.constant 1 : i32
      %dma_wait3A_1082 = arith.constant 0 : i32
      %dma_wait3A_1083 = arith.constant 0 : i32
      %dma_wait3A_1084 = tpu.memref_slice %arg6[%dma_wait3A_1081, %dma_wait3A_1082, %dma_wait3A_1083] : memref<2x400x64xf32, #tpu.memory_space<vmem>> -> memref<1x400x64xf32, #tpu.memory_space<vmem>>
      %dma_wait3A_1085 = tpu.memref_squeeze %dma_wait3A_1084 : memref<1x400x64xf32, #tpu.memory_space<vmem>> -> memref<400x64xf32, #tpu.memory_space<vmem>>
      %dma_wait3A_1086 = arith.constant 0 : i32
      %dma_wait3A_1087 = arith.constant 0 : i32
      %dma_wait3A_1088 = tpu.memref_slice %dma_wait3A_1085[%dma_wait3A_1086, %dma_wait3A_1087] : memref<400x64xf32, #tpu.memory_space<vmem>> -> memref<50x64xf32, #tpu.memory_space<vmem>>
      %dma_wait3A_1089 = arith.constant 0 : i32
      %dma_wait3A_1090 = arith.constant 0 : i32
      %dma_wait3A_1091 = tpu.memref_slice %arg5[%dma_wait3A_1079, %dma_wait3A_1089, %dma_wait3A_1090] : memref<2x8x50xi32, #tpu.memory_space<vmem>> -> memref<1x8x50xi32, #tpu.memory_space<vmem>>
      %dma_wait3A_1092 = tpu.memref_squeeze %dma_wait3A_1091 : memref<1x8x50xi32, #tpu.memory_space<vmem>> -> memref<8x50xi32, #tpu.memory_space<vmem>>
      %dma_wait3A_1093 = arith.constant 0 : i32
      %dma_wait3A_1094 = tpu.memref_slice %dma_wait3A_1092[%dma_wait3A_1080, %dma_wait3A_1093] : memref<8x50xi32, #tpu.memory_space<vmem>> -> memref<1x50xi32, #tpu.memory_space<vmem>>
      %dma_wait3A_1095 = tpu.memref_squeeze %dma_wait3A_1094 : memref<1x50xi32, #tpu.memory_space<vmem>> -> memref<50xi32, #tpu.memory_space<vmem>>
      %dma_wait3A_1096 = arith.constant 0 : i32
      %dma_wait3A_1097 = arith.constant 0 : i32
      %dma_wait3A_1098 = tpu.memref_slice %arg3[%dma_wait3A_1096, %dma_wait3A_1097] : memref<1000000x64xf32, #tpu.memory_space<hbm>> -> memref<1000000x64xf32, #tpu.memory_space<hbm>>
      tpu.wait_indirect_dma semaphore(%arg8 : memref<!tpu.dma_semaphore, #tpu.memory_space<semaphore_mem>>) src(%dma_wait3A_1098 : memref<1000000x64xf32, #tpu.memory_space<hbm>>) dst(%dma_wait3A_1088 : memref<50x64xf32, #tpu.memory_space<vmem>>)
      %dma_wait3A_1099 = arith.constant 1 : i32
      %dma_wait3A_1100 = arith.constant 1 : i32
      %dma_wait3A_1101 = arith.constant 1 : i32
      %dma_wait3A_1102 = arith.constant 0 : i32
      %dma_wait3A_1103 = arith.constant 0 : i32
      %dma_wait3A_1104 = tpu.memref_slice %arg6[%dma_wait3A_1101, %dma_wait3A_1102, %dma_wait3A_1103] : memref<2x400x64xf32, #tpu.memory_space<vmem>> -> memref<1x400x64xf32, #tpu.memory_space<vmem>>
      %dma_wait3A_1105 = tpu.memref_squeeze %dma_wait3A_1104 : memref<1x400x64xf32, #tpu.memory_space<vmem>> -> memref<400x64xf32, #tpu.memory_space<vmem>>
      %dma_wait3A_1106 = arith.constant 50 : i32
      %dma_wait3A_1107 = arith.constant 0 : i32
      %dma_wait3A_1108 = tpu.memref_slice %dma_wait3A_1105[%dma_wait3A_1106, %dma_wait3A_1107] : memref<400x64xf32, #tpu.memory_space<vmem>> -> memref<50x64xf32, #tpu.memory_space<vmem>>
      %dma_wait3A_1109 = arith.constant 0 : i32
      %dma_wait3A_1110 = arith.constant 0 : i32
      %dma_wait3A_1111 = tpu.memref_slice %arg5[%dma_wait3A_1099, %dma_wait3A_1109, %dma_wait3A_1110] : memref<2x8x50xi32, #tpu.memory_space<vmem>> -> memref<1x8x50xi32, #tpu.memory_space<vmem>>
      %dma_wait3A_1112 = tpu.memref_squeeze %dma_wait3A_1111 : memref<1x8x50xi32, #tpu.memory_space<vmem>> -> memref<8x50xi32, #tpu.memory_space<vmem>>
      %dma_wait3A_1113 = arith.constant 0 : i32
      %dma_wait3A_1114 = tpu.memref_slice %dma_wait3A_1112[%dma_wait3A_1100, %dma_wait3A_1113] : memref<8x50xi32, #tpu.memory_space<vmem>> -> memref<1x50xi32, #tpu.memory_space<vmem>>
      %dma_wait3A_1115 = tpu.memref_squeeze %dma_wait3A_1114 : memref<1x50xi32, #tpu.memory_space<vmem>> -> memref<50xi32, #tpu.memory_space<vmem>>
      %dma_wait3A_1116 = arith.constant 0 : i32
      %dma_wait3A_1117 = arith.constant 0 : i32
      %dma_wait3A_1118 = tpu.memref_slice %arg3[%dma_wait3A_1116, %dma_wait3A_1117] : memref<1000000x64xf32, #tpu.memory_space<hbm>> -> memref<1000000x64xf32, #tpu.memory_space<hbm>>
      tpu.wait_indirect_dma semaphore(%arg8 : memref<!tpu.dma_semaphore, #tpu.memory_space<semaphore_mem>>) src(%dma_wait3A_1118 : memref<1000000x64xf32, #tpu.memory_space<hbm>>) dst(%dma_wait3A_1108 : memref<50x64xf32, #tpu.memory_space<vmem>>)
      %dma_wait3A_1119 = arith.constant 1 : i32
      %dma_wait3A_1120 = arith.constant 2 : i32
      %dma_wait3A_1121 = arith.constant 1 : i32
      %dma_wait3A_1122 = arith.constant 0 : i32
      %dma_wait3A_1123 = arith.constant 0 : i32
      %dma_wait3A_1124 = tpu.memref_slice %arg6[%dma_wait3A_1121, %dma_wait3A_1122, %dma_wait3A_1123] : memref<2x400x64xf32, #tpu.memory_space<vmem>> -> memref<1x400x64xf32, #tpu.memory_space<vmem>>
      %dma_wait3A_1125 = tpu.memref_squeeze %dma_wait3A_1124 : memref<1x400x64xf32, #tpu.memory_space<vmem>> -> memref<400x64xf32, #tpu.memory_space<vmem>>
      %dma_wait3A_1126 = arith.constant 100 : i32
      %dma_wait3A_1127 = arith.constant 0 : i32
      %dma_wait3A_1128 = tpu.memref_slice %dma_wait3A_1125[%dma_wait3A_1126, %dma_wait3A_1127] : memref<400x64xf32, #tpu.memory_space<vmem>> -> memref<50x64xf32, #tpu.memory_space<vmem>>
      %dma_wait3A_1129 = arith.constant 0 : i32
      %dma_wait3A_1130 = arith.constant 0 : i32
      %dma_wait3A_1131 = tpu.memref_slice %arg5[%dma_wait3A_1119, %dma_wait3A_1129, %dma_wait3A_1130] : memref<2x8x50xi32, #tpu.memory_space<vmem>> -> memref<1x8x50xi32, #tpu.memory_space<vmem>>
      %dma_wait3A_1132 = tpu.memref_squeeze %dma_wait3A_1131 : memref<1x8x50xi32, #tpu.memory_space<vmem>> -> memref<8x50xi32, #tpu.memory_space<vmem>>
      %dma_wait3A_1133 = arith.constant 0 : i32
      %dma_wait3A_1134 = tpu.memref_slice %dma_wait3A_1132[%dma_wait3A_1120, %dma_wait3A_1133] : memref<8x50xi32, #tpu.memory_space<vmem>> -> memref<1x50xi32, #tpu.memory_space<vmem>>
      %dma_wait3A_1135 = tpu.memref_squeeze %dma_wait3A_1134 : memref<1x50xi32, #tpu.memory_space<vmem>> -> memref<50xi32, #tpu.memory_space<vmem>>
      %dma_wait3A_1136 = arith.constant 0 : i32
      %dma_wait3A_1137 = arith.constant 0 : i32
      %dma_wait3A_1138 = tpu.memref_slice %arg3[%dma_wait3A_1136, %dma_wait3A_1137] : memref<1000000x64xf32, #tpu.memory_space<hbm>> -> memref<1000000x64xf32, #tpu.memory_space<hbm>>
      tpu.wait_indirect_dma semaphore(%arg8 : memref<!tpu.dma_semaphore, #tpu.memory_space<semaphore_mem>>) src(%dma_wait3A_1138 : memref<1000000x64xf32, #tpu.memory_space<hbm>>) dst(%dma_wait3A_1128 : memref<50x64xf32, #tpu.memory_space<vmem>>)
      %dma_wait3A_1139 = arith.constant 1 : i32
      %dma_wait3A_1140 = arith.constant 3 : i32
      %dma_wait3A_1141 = arith.constant 1 : i32
      %dma_wait3A_1142 = arith.constant 0 : i32
      %dma_wait3A_1143 = arith.constant 0 : i32
      %dma_wait3A_1144 = tpu.memref_slice %arg6[%dma_wait3A_1141, %dma_wait3A_1142, %dma_wait3A_1143] : memref<2x400x64xf32, #tpu.memory_space<vmem>> -> memref<1x400x64xf32, #tpu.memory_space<vmem>>
      %dma_wait3A_1145 = tpu.memref_squeeze %dma_wait3A_1144 : memref<1x400x64xf32, #tpu.memory_space<vmem>> -> memref<400x64xf32, #tpu.memory_space<vmem>>
      %dma_wait3A_1146 = arith.constant 150 : i32
      %dma_wait3A_1147 = arith.constant 0 : i32
      %dma_wait3A_1148 = tpu.memref_slice %dma_wait3A_1145[%dma_wait3A_1146, %dma_wait3A_1147] : memref<400x64xf32, #tpu.memory_space<vmem>> -> memref<50x64xf32, #tpu.memory_space<vmem>>
      %dma_wait3A_1149 = arith.constant 0 : i32
      %dma_wait3A_1150 = arith.constant 0 : i32
      %dma_wait3A_1151 = tpu.memref_slice %arg5[%dma_wait3A_1139, %dma_wait3A_1149, %dma_wait3A_1150] : memref<2x8x50xi32, #tpu.memory_space<vmem>> -> memref<1x8x50xi32, #tpu.memory_space<vmem>>
      %dma_wait3A_1152 = tpu.memref_squeeze %dma_wait3A_1151 : memref<1x8x50xi32, #tpu.memory_space<vmem>> -> memref<8x50xi32, #tpu.memory_space<vmem>>
      %dma_wait3A_1153 = arith.constant 0 : i32
      %dma_wait3A_1154 = tpu.memref_slice %dma_wait3A_1152[%dma_wait3A_1140, %dma_wait3A_1153] : memref<8x50xi32, #tpu.memory_space<vmem>> -> memref<1x50xi32, #tpu.memory_space<vmem>>
      %dma_wait3A_1155 = tpu.memref_squeeze %dma_wait3A_1154 : memref<1x50xi32, #tpu.memory_space<vmem>> -> memref<50xi32, #tpu.memory_space<vmem>>
      %dma_wait3A_1156 = arith.constant 0 : i32
      %dma_wait3A_1157 = arith.constant 0 : i32
      %dma_wait3A_1158 = tpu.memref_slice %arg3[%dma_wait3A_1156, %dma_wait3A_1157] : memref<1000000x64xf32, #tpu.memory_space<hbm>> -> memref<1000000x64xf32, #tpu.memory_space<hbm>>
      tpu.wait_indirect_dma semaphore(%arg8 : memref<!tpu.dma_semaphore, #tpu.memory_space<semaphore_mem>>) src(%dma_wait3A_1158 : memref<1000000x64xf32, #tpu.memory_space<hbm>>) dst(%dma_wait3A_1148 : memref<50x64xf32, #tpu.memory_space<vmem>>)
      %dma_wait3A_1159 = arith.constant 1 : i32
      %dma_wait3A_1160 = arith.constant 4 : i32
      %dma_wait3A_1161 = arith.constant 1 : i32
      %dma_wait3A_1162 = arith.constant 0 : i32
      %dma_wait3A_1163 = arith.constant 0 : i32
      %dma_wait3A_1164 = tpu.memref_slice %arg6[%dma_wait3A_1161, %dma_wait3A_1162, %dma_wait3A_1163] : memref<2x400x64xf32, #tpu.memory_space<vmem>> -> memref<1x400x64xf32, #tpu.memory_space<vmem>>
      %dma_wait3A_1165 = tpu.memref_squeeze %dma_wait3A_1164 : memref<1x400x64xf32, #tpu.memory_space<vmem>> -> memref<400x64xf32, #tpu.memory_space<vmem>>
      %dma_wait3A_1166 = arith.constant 200 : i32
      %dma_wait3A_1167 = arith.constant 0 : i32
      %dma_wait3A_1168 = tpu.memref_slice %dma_wait3A_1165[%dma_wait3A_1166, %dma_wait3A_1167] : memref<400x64xf32, #tpu.memory_space<vmem>> -> memref<50x64xf32, #tpu.memory_space<vmem>>
      %dma_wait3A_1169 = arith.constant 0 : i32
      %dma_wait3A_1170 = arith.constant 0 : i32
      %dma_wait3A_1171 = tpu.memref_slice %arg5[%dma_wait3A_1159, %dma_wait3A_1169, %dma_wait3A_1170] : memref<2x8x50xi32, #tpu.memory_space<vmem>> -> memref<1x8x50xi32, #tpu.memory_space<vmem>>
      %dma_wait3A_1172 = tpu.memref_squeeze %dma_wait3A_1171 : memref<1x8x50xi32, #tpu.memory_space<vmem>> -> memref<8x50xi32, #tpu.memory_space<vmem>>
      %dma_wait3A_1173 = arith.constant 0 : i32
      %dma_wait3A_1174 = tpu.memref_slice %dma_wait3A_1172[%dma_wait3A_1160, %dma_wait3A_1173] : memref<8x50xi32, #tpu.memory_space<vmem>> -> memref<1x50xi32, #tpu.memory_space<vmem>>
      %dma_wait3A_1175 = tpu.memref_squeeze %dma_wait3A_1174 : memref<1x50xi32, #tpu.memory_space<vmem>> -> memref<50xi32, #tpu.memory_space<vmem>>
      %dma_wait3A_1176 = arith.constant 0 : i32
      %dma_wait3A_1177 = arith.constant 0 : i32
      %dma_wait3A_1178 = tpu.memref_slice %arg3[%dma_wait3A_1176, %dma_wait3A_1177] : memref<1000000x64xf32, #tpu.memory_space<hbm>> -> memref<1000000x64xf32, #tpu.memory_space<hbm>>
      tpu.wait_indirect_dma semaphore(%arg8 : memref<!tpu.dma_semaphore, #tpu.memory_space<semaphore_mem>>) src(%dma_wait3A_1178 : memref<1000000x64xf32, #tpu.memory_space<hbm>>) dst(%dma_wait3A_1168 : memref<50x64xf32, #tpu.memory_space<vmem>>)
      %dma_wait3A_1179 = arith.constant 1 : i32
      %dma_wait3A_1180 = arith.constant 5 : i32
      %dma_wait3A_1181 = arith.constant 1 : i32
      %dma_wait3A_1182 = arith.constant 0 : i32
      %dma_wait3A_1183 = arith.constant 0 : i32
      %dma_wait3A_1184 = tpu.memref_slice %arg6[%dma_wait3A_1181, %dma_wait3A_1182, %dma_wait3A_1183] : memref<2x400x64xf32, #tpu.memory_space<vmem>> -> memref<1x400x64xf32, #tpu.memory_space<vmem>>
      %dma_wait3A_1185 = tpu.memref_squeeze %dma_wait3A_1184 : memref<1x400x64xf32, #tpu.memory_space<vmem>> -> memref<400x64xf32, #tpu.memory_space<vmem>>
      %dma_wait3A_1186 = arith.constant 250 : i32
      %dma_wait3A_1187 = arith.constant 0 : i32
      %dma_wait3A_1188 = tpu.memref_slice %dma_wait3A_1185[%dma_wait3A_1186, %dma_wait3A_1187] : memref<400x64xf32, #tpu.memory_space<vmem>> -> memref<50x64xf32, #tpu.memory_space<vmem>>
      %dma_wait3A_1189 = arith.constant 0 : i32
      %dma_wait3A_1190 = arith.constant 0 : i32
      %dma_wait3A_1191 = tpu.memref_slice %arg5[%dma_wait3A_1179, %dma_wait3A_1189, %dma_wait3A_1190] : memref<2x8x50xi32, #tpu.memory_space<vmem>> -> memref<1x8x50xi32, #tpu.memory_space<vmem>>
      %dma_wait3A_1192 = tpu.memref_squeeze %dma_wait3A_1191 : memref<1x8x50xi32, #tpu.memory_space<vmem>> -> memref<8x50xi32, #tpu.memory_space<vmem>>
      %dma_wait3A_1193 = arith.constant 0 : i32
      %dma_wait3A_1194 = tpu.memref_slice %dma_wait3A_1192[%dma_wait3A_1180, %dma_wait3A_1193] : memref<8x50xi32, #tpu.memory_space<vmem>> -> memref<1x50xi32, #tpu.memory_space<vmem>>
      %dma_wait3A_1195 = tpu.memref_squeeze %dma_wait3A_1194 : memref<1x50xi32, #tpu.memory_space<vmem>> -> memref<50xi32, #tpu.memory_space<vmem>>
      %dma_wait3A_1196 = arith.constant 0 : i32
      %dma_wait3A_1197 = arith.constant 0 : i32
      %dma_wait3A_1198 = tpu.memref_slice %arg3[%dma_wait3A_1196, %dma_wait3A_1197] : memref<1000000x64xf32, #tpu.memory_space<hbm>> -> memref<1000000x64xf32, #tpu.memory_space<hbm>>
      tpu.wait_indirect_dma semaphore(%arg8 : memref<!tpu.dma_semaphore, #tpu.memory_space<semaphore_mem>>) src(%dma_wait3A_1198 : memref<1000000x64xf32, #tpu.memory_space<hbm>>) dst(%dma_wait3A_1188 : memref<50x64xf32, #tpu.memory_space<vmem>>)
      %dma_wait3A_1199 = arith.constant 1 : i32
      %dma_wait3A_1200 = arith.constant 6 : i32
      %dma_wait3A_1201 = arith.constant 1 : i32
      %dma_wait3A_1202 = arith.constant 0 : i32
      %dma_wait3A_1203 = arith.constant 0 : i32
      %dma_wait3A_1204 = tpu.memref_slice %arg6[%dma_wait3A_1201, %dma_wait3A_1202, %dma_wait3A_1203] : memref<2x400x64xf32, #tpu.memory_space<vmem>> -> memref<1x400x64xf32, #tpu.memory_space<vmem>>
      %dma_wait3A_1205 = tpu.memref_squeeze %dma_wait3A_1204 : memref<1x400x64xf32, #tpu.memory_space<vmem>> -> memref<400x64xf32, #tpu.memory_space<vmem>>
      %dma_wait3A_1206 = arith.constant 300 : i32
      %dma_wait3A_1207 = arith.constant 0 : i32
      %dma_wait3A_1208 = tpu.memref_slice %dma_wait3A_1205[%dma_wait3A_1206, %dma_wait3A_1207] : memref<400x64xf32, #tpu.memory_space<vmem>> -> memref<50x64xf32, #tpu.memory_space<vmem>>
      %dma_wait3A_1209 = arith.constant 0 : i32
      %dma_wait3A_1210 = arith.constant 0 : i32
      %dma_wait3A_1211 = tpu.memref_slice %arg5[%dma_wait3A_1199, %dma_wait3A_1209, %dma_wait3A_1210] : memref<2x8x50xi32, #tpu.memory_space<vmem>> -> memref<1x8x50xi32, #tpu.memory_space<vmem>>
      %dma_wait3A_1212 = tpu.memref_squeeze %dma_wait3A_1211 : memref<1x8x50xi32, #tpu.memory_space<vmem>> -> memref<8x50xi32, #tpu.memory_space<vmem>>
      %dma_wait3A_1213 = arith.constant 0 : i32
      %dma_wait3A_1214 = tpu.memref_slice %dma_wait3A_1212[%dma_wait3A_1200, %dma_wait3A_1213] : memref<8x50xi32, #tpu.memory_space<vmem>> -> memref<1x50xi32, #tpu.memory_space<vmem>>
      %dma_wait3A_1215 = tpu.memref_squeeze %dma_wait3A_1214 : memref<1x50xi32, #tpu.memory_space<vmem>> -> memref<50xi32, #tpu.memory_space<vmem>>
      %dma_wait3A_1216 = arith.constant 0 : i32
      %dma_wait3A_1217 = arith.constant 0 : i32
      %dma_wait3A_1218 = tpu.memref_slice %arg3[%dma_wait3A_1216, %dma_wait3A_1217] : memref<1000000x64xf32, #tpu.memory_space<hbm>> -> memref<1000000x64xf32, #tpu.memory_space<hbm>>
      tpu.wait_indirect_dma semaphore(%arg8 : memref<!tpu.dma_semaphore, #tpu.memory_space<semaphore_mem>>) src(%dma_wait3A_1218 : memref<1000000x64xf32, #tpu.memory_space<hbm>>) dst(%dma_wait3A_1208 : memref<50x64xf32, #tpu.memory_space<vmem>>)
      %dma_wait3A_1219 = arith.constant 1 : i32
      %dma_wait3A_1220 = arith.constant 7 : i32
      %dma_wait3A_1221 = arith.constant 1 : i32
      %dma_wait3A_1222 = arith.constant 0 : i32
      %dma_wait3A_1223 = arith.constant 0 : i32
      %dma_wait3A_1224 = tpu.memref_slice %arg6[%dma_wait3A_1221, %dma_wait3A_1222, %dma_wait3A_1223] : memref<2x400x64xf32, #tpu.memory_space<vmem>> -> memref<1x400x64xf32, #tpu.memory_space<vmem>>
      %dma_wait3A_1225 = tpu.memref_squeeze %dma_wait3A_1224 : memref<1x400x64xf32, #tpu.memory_space<vmem>> -> memref<400x64xf32, #tpu.memory_space<vmem>>
      %dma_wait3A_1226 = arith.constant 350 : i32
      %dma_wait3A_1227 = arith.constant 0 : i32
      %dma_wait3A_1228 = tpu.memref_slice %dma_wait3A_1225[%dma_wait3A_1226, %dma_wait3A_1227] : memref<400x64xf32, #tpu.memory_space<vmem>> -> memref<50x64xf32, #tpu.memory_space<vmem>>
      %dma_wait3A_1229 = arith.constant 0 : i32
      %dma_wait3A_1230 = arith.constant 0 : i32
      %dma_wait3A_1231 = tpu.memref_slice %arg5[%dma_wait3A_1219, %dma_wait3A_1229, %dma_wait3A_1230] : memref<2x8x50xi32, #tpu.memory_space<vmem>> -> memref<1x8x50xi32, #tpu.memory_space<vmem>>
      %dma_wait3A_1232 = tpu.memref_squeeze %dma_wait3A_1231 : memref<1x8x50xi32, #tpu.memory_space<vmem>> -> memref<8x50xi32, #tpu.memory_space<vmem>>
      %dma_wait3A_1233 = arith.constant 0 : i32
      %dma_wait3A_1234 = tpu.memref_slice %dma_wait3A_1232[%dma_wait3A_1220, %dma_wait3A_1233] : memref<8x50xi32, #tpu.memory_space<vmem>> -> memref<1x50xi32, #tpu.memory_space<vmem>>
      %dma_wait3A_1235 = tpu.memref_squeeze %dma_wait3A_1234 : memref<1x50xi32, #tpu.memory_space<vmem>> -> memref<50xi32, #tpu.memory_space<vmem>>
      %dma_wait3A_1236 = arith.constant 0 : i32
      %dma_wait3A_1237 = arith.constant 0 : i32
      %dma_wait3A_1238 = tpu.memref_slice %arg3[%dma_wait3A_1236, %dma_wait3A_1237] : memref<1000000x64xf32, #tpu.memory_space<hbm>> -> memref<1000000x64xf32, #tpu.memory_space<hbm>>
      tpu.wait_indirect_dma semaphore(%arg8 : memref<!tpu.dma_semaphore, #tpu.memory_space<semaphore_mem>>) src(%dma_wait3A_1238 : memref<1000000x64xf32, #tpu.memory_space<hbm>>) dst(%dma_wait3A_1228 : memref<50x64xf32, #tpu.memory_space<vmem>>)
      %add3A_1239 = arith.constant 0 : i32
      %add3A_1240 = arith.addi %add3A_1078, %add3A_1239 : i32
      %mul3A_1241 = arith.constant 56 : i32
      %mul3A_1242 = arith.muli %add3A_1240, %mul3A_1241 : i32
      %dma_start3A_1243 = arith.constant 1 : i32
      %dma_start3A_1244 = arith.constant 0 : i32
      %dma_start3A_1245 = arith.constant 0 : i32
      %dma_start3A_1246 = tpu.memref_slice %arg6[%dma_start3A_1243, %dma_start3A_1244, %dma_start3A_1245] : memref<2x400x64xf32, #tpu.memory_space<vmem>> -> memref<1x400x64xf32, #tpu.memory_space<vmem>>
      %dma_start3A_1247 = tpu.memref_squeeze %dma_start3A_1246 : memref<1x400x64xf32, #tpu.memory_space<vmem>> -> memref<400x64xf32, #tpu.memory_space<vmem>>
      %dma_start3A_1248 = arith.constant 0 : i32
      %dma_start3A_1249 = arith.constant 0 : i32
      %dma_start3A_1250 = tpu.memref_slice %dma_start3A_1247[%dma_start3A_1248, %dma_start3A_1249] : memref<400x64xf32, #tpu.memory_space<vmem>> -> memref<50x64xf32, #tpu.memory_space<vmem>>
      %dma_start3A_1251 = arith.constant 0 : i32
      %dma_start3A_1252 = tpu.memref_slice %arg4[%mul3A_1242, %dma_start3A_1251] : memref<917504x128xf32, #tpu.memory_space<hbm>> -> memref<50x64xf32, #tpu.memory_space<hbm>>
      %dma_start3A_1253 = arith.constant 0 : i32
      %dma_start3A_1254 = tpu.memref_slice %arg4[%mul3A_1242, %dma_start3A_1253] : memref<917504x128xf32, #tpu.memory_space<hbm>> -> memref<50x64xf32, #tpu.memory_space<hbm>>
      %dma_start3A_1255 = arith.constant 0 : i32
      %dma_start3A_1256 = arith.constant 0 : i32
      %dma_start3A_1257 = tpu.memref_slice %arg6[%dma_start3A_1243, %dma_start3A_1255, %dma_start3A_1256] : memref<2x400x64xf32, #tpu.memory_space<vmem>> -> memref<1x400x64xf32, #tpu.memory_space<vmem>>
      %dma_start3A_1258 = tpu.memref_squeeze %dma_start3A_1257 : memref<1x400x64xf32, #tpu.memory_space<vmem>> -> memref<400x64xf32, #tpu.memory_space<vmem>>
      %dma_start3A_1259 = arith.constant 0 : i32
      %dma_start3A_1260 = arith.constant 0 : i32
      %dma_start3A_1261 = tpu.memref_slice %dma_start3A_1258[%dma_start3A_1259, %dma_start3A_1260] : memref<400x64xf32, #tpu.memory_space<vmem>> -> memref<50x64xf32, #tpu.memory_space<vmem>>
      tpu.enqueue_dma source(%dma_start3A_1261 : memref<50x64xf32, #tpu.memory_space<vmem>>) target(%dma_start3A_1254 : memref<50x64xf32, #tpu.memory_space<hbm>>) target_semaphore(%arg10 : memref<!tpu.dma_semaphore, #tpu.memory_space<semaphore_mem>>)
      %add3A_1262 = arith.constant 1 : i32
      %add3A_1263 = arith.addi %add3A_1078, %add3A_1262 : i32
      %mul3A_1264 = arith.constant 56 : i32
      %mul3A_1265 = arith.muli %add3A_1263, %mul3A_1264 : i32
      %dma_start3A_1266 = arith.constant 1 : i32
      %dma_start3A_1267 = arith.constant 0 : i32
      %dma_start3A_1268 = arith.constant 0 : i32
      %dma_start3A_1269 = tpu.memref_slice %arg6[%dma_start3A_1266, %dma_start3A_1267, %dma_start3A_1268] : memref<2x400x64xf32, #tpu.memory_space<vmem>> -> memref<1x400x64xf32, #tpu.memory_space<vmem>>
      %dma_start3A_1270 = tpu.memref_squeeze %dma_start3A_1269 : memref<1x400x64xf32, #tpu.memory_space<vmem>> -> memref<400x64xf32, #tpu.memory_space<vmem>>
      %dma_start3A_1271 = arith.constant 50 : i32
      %dma_start3A_1272 = arith.constant 0 : i32
      %dma_start3A_1273 = tpu.memref_slice %dma_start3A_1270[%dma_start3A_1271, %dma_start3A_1272] : memref<400x64xf32, #tpu.memory_space<vmem>> -> memref<50x64xf32, #tpu.memory_space<vmem>>
      %dma_start3A_1274 = arith.constant 0 : i32
      %dma_start3A_1275 = tpu.memref_slice %arg4[%mul3A_1265, %dma_start3A_1274] : memref<917504x128xf32, #tpu.memory_space<hbm>> -> memref<50x64xf32, #tpu.memory_space<hbm>>
      %dma_start3A_1276 = arith.constant 0 : i32
      %dma_start3A_1277 = tpu.memref_slice %arg4[%mul3A_1265, %dma_start3A_1276] : memref<917504x128xf32, #tpu.memory_space<hbm>> -> memref<50x64xf32, #tpu.memory_space<hbm>>
      %dma_start3A_1278 = arith.constant 0 : i32
      %dma_start3A_1279 = arith.constant 0 : i32
      %dma_start3A_1280 = tpu.memref_slice %arg6[%dma_start3A_1266, %dma_start3A_1278, %dma_start3A_1279] : memref<2x400x64xf32, #tpu.memory_space<vmem>> -> memref<1x400x64xf32, #tpu.memory_space<vmem>>
      %dma_start3A_1281 = tpu.memref_squeeze %dma_start3A_1280 : memref<1x400x64xf32, #tpu.memory_space<vmem>> -> memref<400x64xf32, #tpu.memory_space<vmem>>
      %dma_start3A_1282 = arith.constant 50 : i32
      %dma_start3A_1283 = arith.constant 0 : i32
      %dma_start3A_1284 = tpu.memref_slice %dma_start3A_1281[%dma_start3A_1282, %dma_start3A_1283] : memref<400x64xf32, #tpu.memory_space<vmem>> -> memref<50x64xf32, #tpu.memory_space<vmem>>
      tpu.enqueue_dma source(%dma_start3A_1284 : memref<50x64xf32, #tpu.memory_space<vmem>>) target(%dma_start3A_1277 : memref<50x64xf32, #tpu.memory_space<hbm>>) target_semaphore(%arg10 : memref<!tpu.dma_semaphore, #tpu.memory_space<semaphore_mem>>)
      %add3A_1285 = arith.constant 2 : i32
      %add3A_1286 = arith.addi %add3A_1078, %add3A_1285 : i32
      %mul3A_1287 = arith.constant 56 : i32
      %mul3A_1288 = arith.muli %add3A_1286, %mul3A_1287 : i32
      %dma_start3A_1289 = arith.constant 1 : i32
      %dma_start3A_1290 = arith.constant 0 : i32
      %dma_start3A_1291 = arith.constant 0 : i32
      %dma_start3A_1292 = tpu.memref_slice %arg6[%dma_start3A_1289, %dma_start3A_1290, %dma_start3A_1291] : memref<2x400x64xf32, #tpu.memory_space<vmem>> -> memref<1x400x64xf32, #tpu.memory_space<vmem>>
      %dma_start3A_1293 = tpu.memref_squeeze %dma_start3A_1292 : memref<1x400x64xf32, #tpu.memory_space<vmem>> -> memref<400x64xf32, #tpu.memory_space<vmem>>
      %dma_start3A_1294 = arith.constant 100 : i32
      %dma_start3A_1295 = arith.constant 0 : i32
      %dma_start3A_1296 = tpu.memref_slice %dma_start3A_1293[%dma_start3A_1294, %dma_start3A_1295] : memref<400x64xf32, #tpu.memory_space<vmem>> -> memref<50x64xf32, #tpu.memory_space<vmem>>
      %dma_start3A_1297 = arith.constant 0 : i32
      %dma_start3A_1298 = tpu.memref_slice %arg4[%mul3A_1288, %dma_start3A_1297] : memref<917504x128xf32, #tpu.memory_space<hbm>> -> memref<50x64xf32, #tpu.memory_space<hbm>>
      %dma_start3A_1299 = arith.constant 0 : i32
      %dma_start3A_1300 = tpu.memref_slice %arg4[%mul3A_1288, %dma_start3A_1299] : memref<917504x128xf32, #tpu.memory_space<hbm>> -> memref<50x64xf32, #tpu.memory_space<hbm>>
      %dma_start3A_1301 = arith.constant 0 : i32
      %dma_start3A_1302 = arith.constant 0 : i32
      %dma_start3A_1303 = tpu.memref_slice %arg6[%dma_start3A_1289, %dma_start3A_1301, %dma_start3A_1302] : memref<2x400x64xf32, #tpu.memory_space<vmem>> -> memref<1x400x64xf32, #tpu.memory_space<vmem>>
      %dma_start3A_1304 = tpu.memref_squeeze %dma_start3A_1303 : memref<1x400x64xf32, #tpu.memory_space<vmem>> -> memref<400x64xf32, #tpu.memory_space<vmem>>
      %dma_start3A_1305 = arith.constant 100 : i32
      %dma_start3A_1306 = arith.constant 0 : i32
      %dma_start3A_1307 = tpu.memref_slice %dma_start3A_1304[%dma_start3A_1305, %dma_start3A_1306] : memref<400x64xf32, #tpu.memory_space<vmem>> -> memref<50x64xf32, #tpu.memory_space<vmem>>
      tpu.enqueue_dma source(%dma_start3A_1307 : memref<50x64xf32, #tpu.memory_space<vmem>>) target(%dma_start3A_1300 : memref<50x64xf32, #tpu.memory_space<hbm>>) target_semaphore(%arg10 : memref<!tpu.dma_semaphore, #tpu.memory_space<semaphore_mem>>)
      %add3A_1308 = arith.constant 3 : i32
      %add3A_1309 = arith.addi %add3A_1078, %add3A_1308 : i32
      %mul3A_1310 = arith.constant 56 : i32
      %mul3A_1311 = arith.muli %add3A_1309, %mul3A_1310 : i32
      %dma_start3A_1312 = arith.constant 1 : i32
      %dma_start3A_1313 = arith.constant 0 : i32
      %dma_start3A_1314 = arith.constant 0 : i32
      %dma_start3A_1315 = tpu.memref_slice %arg6[%dma_start3A_1312, %dma_start3A_1313, %dma_start3A_1314] : memref<2x400x64xf32, #tpu.memory_space<vmem>> -> memref<1x400x64xf32, #tpu.memory_space<vmem>>
      %dma_start3A_1316 = tpu.memref_squeeze %dma_start3A_1315 : memref<1x400x64xf32, #tpu.memory_space<vmem>> -> memref<400x64xf32, #tpu.memory_space<vmem>>
      %dma_start3A_1317 = arith.constant 150 : i32
      %dma_start3A_1318 = arith.constant 0 : i32
      %dma_start3A_1319 = tpu.memref_slice %dma_start3A_1316[%dma_start3A_1317, %dma_start3A_1318] : memref<400x64xf32, #tpu.memory_space<vmem>> -> memref<50x64xf32, #tpu.memory_space<vmem>>
      %dma_start3A_1320 = arith.constant 0 : i32
      %dma_start3A_1321 = tpu.memref_slice %arg4[%mul3A_1311, %dma_start3A_1320] : memref<917504x128xf32, #tpu.memory_space<hbm>> -> memref<50x64xf32, #tpu.memory_space<hbm>>
      %dma_start3A_1322 = arith.constant 0 : i32
      %dma_start3A_1323 = tpu.memref_slice %arg4[%mul3A_1311, %dma_start3A_1322] : memref<917504x128xf32, #tpu.memory_space<hbm>> -> memref<50x64xf32, #tpu.memory_space<hbm>>
      %dma_start3A_1324 = arith.constant 0 : i32
      %dma_start3A_1325 = arith.constant 0 : i32
      %dma_start3A_1326 = tpu.memref_slice %arg6[%dma_start3A_1312, %dma_start3A_1324, %dma_start3A_1325] : memref<2x400x64xf32, #tpu.memory_space<vmem>> -> memref<1x400x64xf32, #tpu.memory_space<vmem>>
      %dma_start3A_1327 = tpu.memref_squeeze %dma_start3A_1326 : memref<1x400x64xf32, #tpu.memory_space<vmem>> -> memref<400x64xf32, #tpu.memory_space<vmem>>
      %dma_start3A_1328 = arith.constant 150 : i32
      %dma_start3A_1329 = arith.constant 0 : i32
      %dma_start3A_1330 = tpu.memref_slice %dma_start3A_1327[%dma_start3A_1328, %dma_start3A_1329] : memref<400x64xf32, #tpu.memory_space<vmem>> -> memref<50x64xf32, #tpu.memory_space<vmem>>
      tpu.enqueue_dma source(%dma_start3A_1330 : memref<50x64xf32, #tpu.memory_space<vmem>>) target(%dma_start3A_1323 : memref<50x64xf32, #tpu.memory_space<hbm>>) target_semaphore(%arg10 : memref<!tpu.dma_semaphore, #tpu.memory_space<semaphore_mem>>)
      %add3A_1331 = arith.constant 4 : i32
      %add3A_1332 = arith.addi %add3A_1078, %add3A_1331 : i32
      %mul3A_1333 = arith.constant 56 : i32
      %mul3A_1334 = arith.muli %add3A_1332, %mul3A_1333 : i32
      %dma_start3A_1335 = arith.constant 1 : i32
      %dma_start3A_1336 = arith.constant 0 : i32
      %dma_start3A_1337 = arith.constant 0 : i32
      %dma_start3A_1338 = tpu.memref_slice %arg6[%dma_start3A_1335, %dma_start3A_1336, %dma_start3A_1337] : memref<2x400x64xf32, #tpu.memory_space<vmem>> -> memref<1x400x64xf32, #tpu.memory_space<vmem>>
      %dma_start3A_1339 = tpu.memref_squeeze %dma_start3A_1338 : memref<1x400x64xf32, #tpu.memory_space<vmem>> -> memref<400x64xf32, #tpu.memory_space<vmem>>
      %dma_start3A_1340 = arith.constant 200 : i32
      %dma_start3A_1341 = arith.constant 0 : i32
      %dma_start3A_1342 = tpu.memref_slice %dma_start3A_1339[%dma_start3A_1340, %dma_start3A_1341] : memref<400x64xf32, #tpu.memory_space<vmem>> -> memref<50x64xf32, #tpu.memory_space<vmem>>
      %dma_start3A_1343 = arith.constant 0 : i32
      %dma_start3A_1344 = tpu.memref_slice %arg4[%mul3A_1334, %dma_start3A_1343] : memref<917504x128xf32, #tpu.memory_space<hbm>> -> memref<50x64xf32, #tpu.memory_space<hbm>>
      %dma_start3A_1345 = arith.constant 0 : i32
      %dma_start3A_1346 = tpu.memref_slice %arg4[%mul3A_1334, %dma_start3A_1345] : memref<917504x128xf32, #tpu.memory_space<hbm>> -> memref<50x64xf32, #tpu.memory_space<hbm>>
      %dma_start3A_1347 = arith.constant 0 : i32
      %dma_start3A_1348 = arith.constant 0 : i32
      %dma_start3A_1349 = tpu.memref_slice %arg6[%dma_start3A_1335, %dma_start3A_1347, %dma_start3A_1348] : memref<2x400x64xf32, #tpu.memory_space<vmem>> -> memref<1x400x64xf32, #tpu.memory_space<vmem>>
      %dma_start3A_1350 = tpu.memref_squeeze %dma_start3A_1349 : memref<1x400x64xf32, #tpu.memory_space<vmem>> -> memref<400x64xf32, #tpu.memory_space<vmem>>
      %dma_start3A_1351 = arith.constant 200 : i32
      %dma_start3A_1352 = arith.constant 0 : i32
      %dma_start3A_1353 = tpu.memref_slice %dma_start3A_1350[%dma_start3A_1351, %dma_start3A_1352] : memref<400x64xf32, #tpu.memory_space<vmem>> -> memref<50x64xf32, #tpu.memory_space<vmem>>
      tpu.enqueue_dma source(%dma_start3A_1353 : memref<50x64xf32, #tpu.memory_space<vmem>>) target(%dma_start3A_1346 : memref<50x64xf32, #tpu.memory_space<hbm>>) target_semaphore(%arg10 : memref<!tpu.dma_semaphore, #tpu.memory_space<semaphore_mem>>)
      %add3A_1354 = arith.constant 5 : i32
      %add3A_1355 = arith.addi %add3A_1078, %add3A_1354 : i32
      %mul3A_1356 = arith.constant 56 : i32
      %mul3A_1357 = arith.muli %add3A_1355, %mul3A_1356 : i32
      %dma_start3A_1358 = arith.constant 1 : i32
      %dma_start3A_1359 = arith.constant 0 : i32
      %dma_start3A_1360 = arith.constant 0 : i32
      %dma_start3A_1361 = tpu.memref_slice %arg6[%dma_start3A_1358, %dma_start3A_1359, %dma_start3A_1360] : memref<2x400x64xf32, #tpu.memory_space<vmem>> -> memref<1x400x64xf32, #tpu.memory_space<vmem>>
      %dma_start3A_1362 = tpu.memref_squeeze %dma_start3A_1361 : memref<1x400x64xf32, #tpu.memory_space<vmem>> -> memref<400x64xf32, #tpu.memory_space<vmem>>
      %dma_start3A_1363 = arith.constant 250 : i32
      %dma_start3A_1364 = arith.constant 0 : i32
      %dma_start3A_1365 = tpu.memref_slice %dma_start3A_1362[%dma_start3A_1363, %dma_start3A_1364] : memref<400x64xf32, #tpu.memory_space<vmem>> -> memref<50x64xf32, #tpu.memory_space<vmem>>
      %dma_start3A_1366 = arith.constant 0 : i32
      %dma_start3A_1367 = tpu.memref_slice %arg4[%mul3A_1357, %dma_start3A_1366] : memref<917504x128xf32, #tpu.memory_space<hbm>> -> memref<50x64xf32, #tpu.memory_space<hbm>>
      %dma_start3A_1368 = arith.constant 0 : i32
      %dma_start3A_1369 = tpu.memref_slice %arg4[%mul3A_1357, %dma_start3A_1368] : memref<917504x128xf32, #tpu.memory_space<hbm>> -> memref<50x64xf32, #tpu.memory_space<hbm>>
      %dma_start3A_1370 = arith.constant 0 : i32
      %dma_start3A_1371 = arith.constant 0 : i32
      %dma_start3A_1372 = tpu.memref_slice %arg6[%dma_start3A_1358, %dma_start3A_1370, %dma_start3A_1371] : memref<2x400x64xf32, #tpu.memory_space<vmem>> -> memref<1x400x64xf32, #tpu.memory_space<vmem>>
      %dma_start3A_1373 = tpu.memref_squeeze %dma_start3A_1372 : memref<1x400x64xf32, #tpu.memory_space<vmem>> -> memref<400x64xf32, #tpu.memory_space<vmem>>
      %dma_start3A_1374 = arith.constant 250 : i32
      %dma_start3A_1375 = arith.constant 0 : i32
      %dma_start3A_1376 = tpu.memref_slice %dma_start3A_1373[%dma_start3A_1374, %dma_start3A_1375] : memref<400x64xf32, #tpu.memory_space<vmem>> -> memref<50x64xf32, #tpu.memory_space<vmem>>
      tpu.enqueue_dma source(%dma_start3A_1376 : memref<50x64xf32, #tpu.memory_space<vmem>>) target(%dma_start3A_1369 : memref<50x64xf32, #tpu.memory_space<hbm>>) target_semaphore(%arg10 : memref<!tpu.dma_semaphore, #tpu.memory_space<semaphore_mem>>)
      %add3A_1377 = arith.constant 6 : i32
      %add3A_1378 = arith.addi %add3A_1078, %add3A_1377 : i32
      %mul3A_1379 = arith.constant 56 : i32
      %mul3A_1380 = arith.muli %add3A_1378, %mul3A_1379 : i32
      %dma_start3A_1381 = arith.constant 1 : i32
      %dma_start3A_1382 = arith.constant 0 : i32
      %dma_start3A_1383 = arith.constant 0 : i32
      %dma_start3A_1384 = tpu.memref_slice %arg6[%dma_start3A_1381, %dma_start3A_1382, %dma_start3A_1383] : memref<2x400x64xf32, #tpu.memory_space<vmem>> -> memref<1x400x64xf32, #tpu.memory_space<vmem>>
      %dma_start3A_1385 = tpu.memref_squeeze %dma_start3A_1384 : memref<1x400x64xf32, #tpu.memory_space<vmem>> -> memref<400x64xf32, #tpu.memory_space<vmem>>
      %dma_start3A_1386 = arith.constant 300 : i32
      %dma_start3A_1387 = arith.constant 0 : i32
      %dma_start3A_1388 = tpu.memref_slice %dma_start3A_1385[%dma_start3A_1386, %dma_start3A_1387] : memref<400x64xf32, #tpu.memory_space<vmem>> -> memref<50x64xf32, #tpu.memory_space<vmem>>
      %dma_start3A_1389 = arith.constant 0 : i32
      %dma_start3A_1390 = tpu.memref_slice %arg4[%mul3A_1380, %dma_start3A_1389] : memref<917504x128xf32, #tpu.memory_space<hbm>> -> memref<50x64xf32, #tpu.memory_space<hbm>>
      %dma_start3A_1391 = arith.constant 0 : i32
      %dma_start3A_1392 = tpu.memref_slice %arg4[%mul3A_1380, %dma_start3A_1391] : memref<917504x128xf32, #tpu.memory_space<hbm>> -> memref<50x64xf32, #tpu.memory_space<hbm>>
      %dma_start3A_1393 = arith.constant 0 : i32
      %dma_start3A_1394 = arith.constant 0 : i32
      %dma_start3A_1395 = tpu.memref_slice %arg6[%dma_start3A_1381, %dma_start3A_1393, %dma_start3A_1394] : memref<2x400x64xf32, #tpu.memory_space<vmem>> -> memref<1x400x64xf32, #tpu.memory_space<vmem>>
      %dma_start3A_1396 = tpu.memref_squeeze %dma_start3A_1395 : memref<1x400x64xf32, #tpu.memory_space<vmem>> -> memref<400x64xf32, #tpu.memory_space<vmem>>
      %dma_start3A_1397 = arith.constant 300 : i32
      %dma_start3A_1398 = arith.constant 0 : i32
      %dma_start3A_1399 = tpu.memref_slice %dma_start3A_1396[%dma_start3A_1397, %dma_start3A_1398] : memref<400x64xf32, #tpu.memory_space<vmem>> -> memref<50x64xf32, #tpu.memory_space<vmem>>
      tpu.enqueue_dma source(%dma_start3A_1399 : memref<50x64xf32, #tpu.memory_space<vmem>>) target(%dma_start3A_1392 : memref<50x64xf32, #tpu.memory_space<hbm>>) target_semaphore(%arg10 : memref<!tpu.dma_semaphore, #tpu.memory_space<semaphore_mem>>)
      %add3A_1400 = arith.constant 7 : i32
      %add3A_1401 = arith.addi %add3A_1078, %add3A_1400 : i32
      %mul3A_1402 = arith.constant 56 : i32
      %mul3A_1403 = arith.muli %add3A_1401, %mul3A_1402 : i32
      %dma_start3A_1404 = arith.constant 1 : i32
      %dma_start3A_1405 = arith.constant 0 : i32
      %dma_start3A_1406 = arith.constant 0 : i32
      %dma_start3A_1407 = tpu.memref_slice %arg6[%dma_start3A_1404, %dma_start3A_1405, %dma_start3A_1406] : memref<2x400x64xf32, #tpu.memory_space<vmem>> -> memref<1x400x64xf32, #tpu.memory_space<vmem>>
      %dma_start3A_1408 = tpu.memref_squeeze %dma_start3A_1407 : memref<1x400x64xf32, #tpu.memory_space<vmem>> -> memref<400x64xf32, #tpu.memory_space<vmem>>
      %dma_start3A_1409 = arith.constant 350 : i32
      %dma_start3A_1410 = arith.constant 0 : i32
      %dma_start3A_1411 = tpu.memref_slice %dma_start3A_1408[%dma_start3A_1409, %dma_start3A_1410] : memref<400x64xf32, #tpu.memory_space<vmem>> -> memref<50x64xf32, #tpu.memory_space<vmem>>
      %dma_start3A_1412 = arith.constant 0 : i32
      %dma_start3A_1413 = tpu.memref_slice %arg4[%mul3A_1403, %dma_start3A_1412] : memref<917504x128xf32, #tpu.memory_space<hbm>> -> memref<50x64xf32, #tpu.memory_space<hbm>>
      %dma_start3A_1414 = arith.constant 0 : i32
      %dma_start3A_1415 = tpu.memref_slice %arg4[%mul3A_1403, %dma_start3A_1414] : memref<917504x128xf32, #tpu.memory_space<hbm>> -> memref<50x64xf32, #tpu.memory_space<hbm>>
      %dma_start3A_1416 = arith.constant 0 : i32
      %dma_start3A_1417 = arith.constant 0 : i32
      %dma_start3A_1418 = tpu.memref_slice %arg6[%dma_start3A_1404, %dma_start3A_1416, %dma_start3A_1417] : memref<2x400x64xf32, #tpu.memory_space<vmem>> -> memref<1x400x64xf32, #tpu.memory_space<vmem>>
      %dma_start3A_1419 = tpu.memref_squeeze %dma_start3A_1418 : memref<1x400x64xf32, #tpu.memory_space<vmem>> -> memref<400x64xf32, #tpu.memory_space<vmem>>
      %dma_start3A_1420 = arith.constant 350 : i32
      %dma_start3A_1421 = arith.constant 0 : i32
      %dma_start3A_1422 = tpu.memref_slice %dma_start3A_1419[%dma_start3A_1420, %dma_start3A_1421] : memref<400x64xf32, #tpu.memory_space<vmem>> -> memref<50x64xf32, #tpu.memory_space<vmem>>
      tpu.enqueue_dma source(%dma_start3A_1422 : memref<50x64xf32, #tpu.memory_space<vmem>>) target(%dma_start3A_1415 : memref<50x64xf32, #tpu.memory_space<hbm>>) target_semaphore(%arg10 : memref<!tpu.dma_semaphore, #tpu.memory_space<semaphore_mem>>)
    }
    %scan3A_7 = arith.constant 32 : i32
    %add3A_8 = arith.constant 496 : i32
    %add3A_9 = arith.addi %mul3A_2, %add3A_8 : i32
    %add3A_10 = arith.constant 0 : i32
    %add3A_11 = arith.addi %add3A_9, %add3A_10 : i32
    %mul3A_12 = arith.constant 56 : i32
    %mul3A_13 = arith.muli %add3A_11, %mul3A_12 : i32
    %dma_wait3A = arith.constant 0 : i32
    %dma_wait3A_14 = arith.constant 0 : i32
    %dma_wait3A_15 = arith.constant 0 : i32
    %dma_wait3A_16 = tpu.memref_slice %arg6[%dma_wait3A, %dma_wait3A_14, %dma_wait3A_15] : memref<2x400x64xf32, #tpu.memory_space<vmem>> -> memref<1x400x64xf32, #tpu.memory_space<vmem>>
    %dma_wait3A_17 = tpu.memref_squeeze %dma_wait3A_16 : memref<1x400x64xf32, #tpu.memory_space<vmem>> -> memref<400x64xf32, #tpu.memory_space<vmem>>
    %dma_wait3A_18 = arith.constant 0 : i32
    %dma_wait3A_19 = arith.constant 0 : i32
    %dma_wait3A_20 = tpu.memref_slice %dma_wait3A_17[%dma_wait3A_18, %dma_wait3A_19] : memref<400x64xf32, #tpu.memory_space<vmem>> -> memref<50x64xf32, #tpu.memory_space<vmem>>
    %dma_wait3A_21 = arith.constant 0 : i32
    %dma_wait3A_22 = tpu.memref_slice %arg4[%mul3A_13, %dma_wait3A_21] : memref<917504x128xf32, #tpu.memory_space<hbm>> -> memref<50x64xf32, #tpu.memory_space<hbm>>
    %dma_wait3A_23 = arith.constant 0 : i32
    %dma_wait3A_24 = tpu.memref_slice %arg4[%mul3A_13, %dma_wait3A_23] : memref<917504x128xf32, #tpu.memory_space<hbm>> -> memref<50x64xf32, #tpu.memory_space<hbm>>
    %dma_wait3A_25 = arith.constant 0 : i32
    %dma_wait3A_26 = arith.constant 0 : i32
    %dma_wait3A_27 = tpu.memref_slice %arg6[%dma_wait3A, %dma_wait3A_25, %dma_wait3A_26] : memref<2x400x64xf32, #tpu.memory_space<vmem>> -> memref<1x400x64xf32, #tpu.memory_space<vmem>>
    %dma_wait3A_28 = tpu.memref_squeeze %dma_wait3A_27 : memref<1x400x64xf32, #tpu.memory_space<vmem>> -> memref<400x64xf32, #tpu.memory_space<vmem>>
    %dma_wait3A_29 = arith.constant 0 : i32
    %dma_wait3A_30 = arith.constant 0 : i32
    %dma_wait3A_31 = tpu.memref_slice %dma_wait3A_28[%dma_wait3A_29, %dma_wait3A_30] : memref<400x64xf32, #tpu.memory_space<vmem>> -> memref<50x64xf32, #tpu.memory_space<vmem>>
    tpu.wait_dma2 semaphore(%arg9 : memref<!tpu.dma_semaphore, #tpu.memory_space<semaphore_mem>>) src(%dma_wait3A_31 : memref<50x64xf32, #tpu.memory_space<vmem>>) dst(%dma_wait3A_24 : memref<50x64xf32, #tpu.memory_space<hbm>>)
    %add3A_32 = arith.constant 1 : i32
    %add3A_33 = arith.addi %add3A_9, %add3A_32 : i32
    %mul3A_34 = arith.constant 56 : i32
    %mul3A_35 = arith.muli %add3A_33, %mul3A_34 : i32
    %dma_wait3A_36 = arith.constant 0 : i32
    %dma_wait3A_37 = arith.constant 0 : i32
    %dma_wait3A_38 = arith.constant 0 : i32
    %dma_wait3A_39 = tpu.memref_slice %arg6[%dma_wait3A_36, %dma_wait3A_37, %dma_wait3A_38] : memref<2x400x64xf32, #tpu.memory_space<vmem>> -> memref<1x400x64xf32, #tpu.memory_space<vmem>>
    %dma_wait3A_40 = tpu.memref_squeeze %dma_wait3A_39 : memref<1x400x64xf32, #tpu.memory_space<vmem>> -> memref<400x64xf32, #tpu.memory_space<vmem>>
    %dma_wait3A_41 = arith.constant 50 : i32
    %dma_wait3A_42 = arith.constant 0 : i32
    %dma_wait3A_43 = tpu.memref_slice %dma_wait3A_40[%dma_wait3A_41, %dma_wait3A_42] : memref<400x64xf32, #tpu.memory_space<vmem>> -> memref<50x64xf32, #tpu.memory_space<vmem>>
    %dma_wait3A_44 = arith.constant 0 : i32
    %dma_wait3A_45 = tpu.memref_slice %arg4[%mul3A_35, %dma_wait3A_44] : memref<917504x128xf32, #tpu.memory_space<hbm>> -> memref<50x64xf32, #tpu.memory_space<hbm>>
    %dma_wait3A_46 = arith.constant 0 : i32
    %dma_wait3A_47 = tpu.memref_slice %arg4[%mul3A_35, %dma_wait3A_46] : memref<917504x128xf32, #tpu.memory_space<hbm>> -> memref<50x64xf32, #tpu.memory_space<hbm>>
    %dma_wait3A_48 = arith.constant 0 : i32
    %dma_wait3A_49 = arith.constant 0 : i32
    %dma_wait3A_50 = tpu.memref_slice %arg6[%dma_wait3A_36, %dma_wait3A_48, %dma_wait3A_49] : memref<2x400x64xf32, #tpu.memory_space<vmem>> -> memref<1x400x64xf32, #tpu.memory_space<vmem>>
    %dma_wait3A_51 = tpu.memref_squeeze %dma_wait3A_50 : memref<1x400x64xf32, #tpu.memory_space<vmem>> -> memref<400x64xf32, #tpu.memory_space<vmem>>
    %dma_wait3A_52 = arith.constant 50 : i32
    %dma_wait3A_53 = arith.constant 0 : i32
    %dma_wait3A_54 = tpu.memref_slice %dma_wait3A_51[%dma_wait3A_52, %dma_wait3A_53] : memref<400x64xf32, #tpu.memory_space<vmem>> -> memref<50x64xf32, #tpu.memory_space<vmem>>
    tpu.wait_dma2 semaphore(%arg9 : memref<!tpu.dma_semaphore, #tpu.memory_space<semaphore_mem>>) src(%dma_wait3A_54 : memref<50x64xf32, #tpu.memory_space<vmem>>) dst(%dma_wait3A_47 : memref<50x64xf32, #tpu.memory_space<hbm>>)
    %add3A_55 = arith.constant 2 : i32
    %add3A_56 = arith.addi %add3A_9, %add3A_55 : i32
    %mul3A_57 = arith.constant 56 : i32
    %mul3A_58 = arith.muli %add3A_56, %mul3A_57 : i32
    %dma_wait3A_59 = arith.constant 0 : i32
    %dma_wait3A_60 = arith.constant 0 : i32
    %dma_wait3A_61 = arith.constant 0 : i32
    %dma_wait3A_62 = tpu.memref_slice %arg6[%dma_wait3A_59, %dma_wait3A_60, %dma_wait3A_61] : memref<2x400x64xf32, #tpu.memory_space<vmem>> -> memref<1x400x64xf32, #tpu.memory_space<vmem>>
    %dma_wait3A_63 = tpu.memref_squeeze %dma_wait3A_62 : memref<1x400x64xf32, #tpu.memory_space<vmem>> -> memref<400x64xf32, #tpu.memory_space<vmem>>
    %dma_wait3A_64 = arith.constant 100 : i32
    %dma_wait3A_65 = arith.constant 0 : i32
    %dma_wait3A_66 = tpu.memref_slice %dma_wait3A_63[%dma_wait3A_64, %dma_wait3A_65] : memref<400x64xf32, #tpu.memory_space<vmem>> -> memref<50x64xf32, #tpu.memory_space<vmem>>
    %dma_wait3A_67 = arith.constant 0 : i32
    %dma_wait3A_68 = tpu.memref_slice %arg4[%mul3A_58, %dma_wait3A_67] : memref<917504x128xf32, #tpu.memory_space<hbm>> -> memref<50x64xf32, #tpu.memory_space<hbm>>
    %dma_wait3A_69 = arith.constant 0 : i32
    %dma_wait3A_70 = tpu.memref_slice %arg4[%mul3A_58, %dma_wait3A_69] : memref<917504x128xf32, #tpu.memory_space<hbm>> -> memref<50x64xf32, #tpu.memory_space<hbm>>
    %dma_wait3A_71 = arith.constant 0 : i32
    %dma_wait3A_72 = arith.constant 0 : i32
    %dma_wait3A_73 = tpu.memref_slice %arg6[%dma_wait3A_59, %dma_wait3A_71, %dma_wait3A_72] : memref<2x400x64xf32, #tpu.memory_space<vmem>> -> memref<1x400x64xf32, #tpu.memory_space<vmem>>
    %dma_wait3A_74 = tpu.memref_squeeze %dma_wait3A_73 : memref<1x400x64xf32, #tpu.memory_space<vmem>> -> memref<400x64xf32, #tpu.memory_space<vmem>>
    %dma_wait3A_75 = arith.constant 100 : i32
    %dma_wait3A_76 = arith.constant 0 : i32
    %dma_wait3A_77 = tpu.memref_slice %dma_wait3A_74[%dma_wait3A_75, %dma_wait3A_76] : memref<400x64xf32, #tpu.memory_space<vmem>> -> memref<50x64xf32, #tpu.memory_space<vmem>>
    tpu.wait_dma2 semaphore(%arg9 : memref<!tpu.dma_semaphore, #tpu.memory_space<semaphore_mem>>) src(%dma_wait3A_77 : memref<50x64xf32, #tpu.memory_space<vmem>>) dst(%dma_wait3A_70 : memref<50x64xf32, #tpu.memory_space<hbm>>)
    %add3A_78 = arith.constant 3 : i32
    %add3A_79 = arith.addi %add3A_9, %add3A_78 : i32
    %mul3A_80 = arith.constant 56 : i32
    %mul3A_81 = arith.muli %add3A_79, %mul3A_80 : i32
    %dma_wait3A_82 = arith.constant 0 : i32
    %dma_wait3A_83 = arith.constant 0 : i32
    %dma_wait3A_84 = arith.constant 0 : i32
    %dma_wait3A_85 = tpu.memref_slice %arg6[%dma_wait3A_82, %dma_wait3A_83, %dma_wait3A_84] : memref<2x400x64xf32, #tpu.memory_space<vmem>> -> memref<1x400x64xf32, #tpu.memory_space<vmem>>
    %dma_wait3A_86 = tpu.memref_squeeze %dma_wait3A_85 : memref<1x400x64xf32, #tpu.memory_space<vmem>> -> memref<400x64xf32, #tpu.memory_space<vmem>>
    %dma_wait3A_87 = arith.constant 150 : i32
    %dma_wait3A_88 = arith.constant 0 : i32
    %dma_wait3A_89 = tpu.memref_slice %dma_wait3A_86[%dma_wait3A_87, %dma_wait3A_88] : memref<400x64xf32, #tpu.memory_space<vmem>> -> memref<50x64xf32, #tpu.memory_space<vmem>>
    %dma_wait3A_90 = arith.constant 0 : i32
    %dma_wait3A_91 = tpu.memref_slice %arg4[%mul3A_81, %dma_wait3A_90] : memref<917504x128xf32, #tpu.memory_space<hbm>> -> memref<50x64xf32, #tpu.memory_space<hbm>>
    %dma_wait3A_92 = arith.constant 0 : i32
    %dma_wait3A_93 = tpu.memref_slice %arg4[%mul3A_81, %dma_wait3A_92] : memref<917504x128xf32, #tpu.memory_space<hbm>> -> memref<50x64xf32, #tpu.memory_space<hbm>>
    %dma_wait3A_94 = arith.constant 0 : i32
    %dma_wait3A_95 = arith.constant 0 : i32
    %dma_wait3A_96 = tpu.memref_slice %arg6[%dma_wait3A_82, %dma_wait3A_94, %dma_wait3A_95] : memref<2x400x64xf32, #tpu.memory_space<vmem>> -> memref<1x400x64xf32, #tpu.memory_space<vmem>>
    %dma_wait3A_97 = tpu.memref_squeeze %dma_wait3A_96 : memref<1x400x64xf32, #tpu.memory_space<vmem>> -> memref<400x64xf32, #tpu.memory_space<vmem>>
    %dma_wait3A_98 = arith.constant 150 : i32
    %dma_wait3A_99 = arith.constant 0 : i32
    %dma_wait3A_100 = tpu.memref_slice %dma_wait3A_97[%dma_wait3A_98, %dma_wait3A_99] : memref<400x64xf32, #tpu.memory_space<vmem>> -> memref<50x64xf32, #tpu.memory_space<vmem>>
    tpu.wait_dma2 semaphore(%arg9 : memref<!tpu.dma_semaphore, #tpu.memory_space<semaphore_mem>>) src(%dma_wait3A_100 : memref<50x64xf32, #tpu.memory_space<vmem>>) dst(%dma_wait3A_93 : memref<50x64xf32, #tpu.memory_space<hbm>>)
    %add3A_101 = arith.constant 4 : i32
    %add3A_102 = arith.addi %add3A_9, %add3A_101 : i32
    %mul3A_103 = arith.constant 56 : i32
    %mul3A_104 = arith.muli %add3A_102, %mul3A_103 : i32
    %dma_wait3A_105 = arith.constant 0 : i32
    %dma_wait3A_106 = arith.constant 0 : i32
    %dma_wait3A_107 = arith.constant 0 : i32
    %dma_wait3A_108 = tpu.memref_slice %arg6[%dma_wait3A_105, %dma_wait3A_106, %dma_wait3A_107] : memref<2x400x64xf32, #tpu.memory_space<vmem>> -> memref<1x400x64xf32, #tpu.memory_space<vmem>>
    %dma_wait3A_109 = tpu.memref_squeeze %dma_wait3A_108 : memref<1x400x64xf32, #tpu.memory_space<vmem>> -> memref<400x64xf32, #tpu.memory_space<vmem>>
    %dma_wait3A_110 = arith.constant 200 : i32
    %dma_wait3A_111 = arith.constant 0 : i32
    %dma_wait3A_112 = tpu.memref_slice %dma_wait3A_109[%dma_wait3A_110, %dma_wait3A_111] : memref<400x64xf32, #tpu.memory_space<vmem>> -> memref<50x64xf32, #tpu.memory_space<vmem>>
    %dma_wait3A_113 = arith.constant 0 : i32
    %dma_wait3A_114 = tpu.memref_slice %arg4[%mul3A_104, %dma_wait3A_113] : memref<917504x128xf32, #tpu.memory_space<hbm>> -> memref<50x64xf32, #tpu.memory_space<hbm>>
    %dma_wait3A_115 = arith.constant 0 : i32
    %dma_wait3A_116 = tpu.memref_slice %arg4[%mul3A_104, %dma_wait3A_115] : memref<917504x128xf32, #tpu.memory_space<hbm>> -> memref<50x64xf32, #tpu.memory_space<hbm>>
    %dma_wait3A_117 = arith.constant 0 : i32
    %dma_wait3A_118 = arith.constant 0 : i32
    %dma_wait3A_119 = tpu.memref_slice %arg6[%dma_wait3A_105, %dma_wait3A_117, %dma_wait3A_118] : memref<2x400x64xf32, #tpu.memory_space<vmem>> -> memref<1x400x64xf32, #tpu.memory_space<vmem>>
    %dma_wait3A_120 = tpu.memref_squeeze %dma_wait3A_119 : memref<1x400x64xf32, #tpu.memory_space<vmem>> -> memref<400x64xf32, #tpu.memory_space<vmem>>
    %dma_wait3A_121 = arith.constant 200 : i32
    %dma_wait3A_122 = arith.constant 0 : i32
    %dma_wait3A_123 = tpu.memref_slice %dma_wait3A_120[%dma_wait3A_121, %dma_wait3A_122] : memref<400x64xf32, #tpu.memory_space<vmem>> -> memref<50x64xf32, #tpu.memory_space<vmem>>
    tpu.wait_dma2 semaphore(%arg9 : memref<!tpu.dma_semaphore, #tpu.memory_space<semaphore_mem>>) src(%dma_wait3A_123 : memref<50x64xf32, #tpu.memory_space<vmem>>) dst(%dma_wait3A_116 : memref<50x64xf32, #tpu.memory_space<hbm>>)
    %add3A_124 = arith.constant 5 : i32
    %add3A_125 = arith.addi %add3A_9, %add3A_124 : i32
    %mul3A_126 = arith.constant 56 : i32
    %mul3A_127 = arith.muli %add3A_125, %mul3A_126 : i32
    %dma_wait3A_128 = arith.constant 0 : i32
    %dma_wait3A_129 = arith.constant 0 : i32
    %dma_wait3A_130 = arith.constant 0 : i32
    %dma_wait3A_131 = tpu.memref_slice %arg6[%dma_wait3A_128, %dma_wait3A_129, %dma_wait3A_130] : memref<2x400x64xf32, #tpu.memory_space<vmem>> -> memref<1x400x64xf32, #tpu.memory_space<vmem>>
    %dma_wait3A_132 = tpu.memref_squeeze %dma_wait3A_131 : memref<1x400x64xf32, #tpu.memory_space<vmem>> -> memref<400x64xf32, #tpu.memory_space<vmem>>
    %dma_wait3A_133 = arith.constant 250 : i32
    %dma_wait3A_134 = arith.constant 0 : i32
    %dma_wait3A_135 = tpu.memref_slice %dma_wait3A_132[%dma_wait3A_133, %dma_wait3A_134] : memref<400x64xf32, #tpu.memory_space<vmem>> -> memref<50x64xf32, #tpu.memory_space<vmem>>
    %dma_wait3A_136 = arith.constant 0 : i32
    %dma_wait3A_137 = tpu.memref_slice %arg4[%mul3A_127, %dma_wait3A_136] : memref<917504x128xf32, #tpu.memory_space<hbm>> -> memref<50x64xf32, #tpu.memory_space<hbm>>
    %dma_wait3A_138 = arith.constant 0 : i32
    %dma_wait3A_139 = tpu.memref_slice %arg4[%mul3A_127, %dma_wait3A_138] : memref<917504x128xf32, #tpu.memory_space<hbm>> -> memref<50x64xf32, #tpu.memory_space<hbm>>
    %dma_wait3A_140 = arith.constant 0 : i32
    %dma_wait3A_141 = arith.constant 0 : i32
    %dma_wait3A_142 = tpu.memref_slice %arg6[%dma_wait3A_128, %dma_wait3A_140, %dma_wait3A_141] : memref<2x400x64xf32, #tpu.memory_space<vmem>> -> memref<1x400x64xf32, #tpu.memory_space<vmem>>
    %dma_wait3A_143 = tpu.memref_squeeze %dma_wait3A_142 : memref<1x400x64xf32, #tpu.memory_space<vmem>> -> memref<400x64xf32, #tpu.memory_space<vmem>>
    %dma_wait3A_144 = arith.constant 250 : i32
    %dma_wait3A_145 = arith.constant 0 : i32
    %dma_wait3A_146 = tpu.memref_slice %dma_wait3A_143[%dma_wait3A_144, %dma_wait3A_145] : memref<400x64xf32, #tpu.memory_space<vmem>> -> memref<50x64xf32, #tpu.memory_space<vmem>>
    tpu.wait_dma2 semaphore(%arg9 : memref<!tpu.dma_semaphore, #tpu.memory_space<semaphore_mem>>) src(%dma_wait3A_146 : memref<50x64xf32, #tpu.memory_space<vmem>>) dst(%dma_wait3A_139 : memref<50x64xf32, #tpu.memory_space<hbm>>)
    %add3A_147 = arith.constant 6 : i32
    %add3A_148 = arith.addi %add3A_9, %add3A_147 : i32
    %mul3A_149 = arith.constant 56 : i32
    %mul3A_150 = arith.muli %add3A_148, %mul3A_149 : i32
    %dma_wait3A_151 = arith.constant 0 : i32
    %dma_wait3A_152 = arith.constant 0 : i32
    %dma_wait3A_153 = arith.constant 0 : i32
    %dma_wait3A_154 = tpu.memref_slice %arg6[%dma_wait3A_151, %dma_wait3A_152, %dma_wait3A_153] : memref<2x400x64xf32, #tpu.memory_space<vmem>> -> memref<1x400x64xf32, #tpu.memory_space<vmem>>
    %dma_wait3A_155 = tpu.memref_squeeze %dma_wait3A_154 : memref<1x400x64xf32, #tpu.memory_space<vmem>> -> memref<400x64xf32, #tpu.memory_space<vmem>>
    %dma_wait3A_156 = arith.constant 300 : i32
    %dma_wait3A_157 = arith.constant 0 : i32
    %dma_wait3A_158 = tpu.memref_slice %dma_wait3A_155[%dma_wait3A_156, %dma_wait3A_157] : memref<400x64xf32, #tpu.memory_space<vmem>> -> memref<50x64xf32, #tpu.memory_space<vmem>>
    %dma_wait3A_159 = arith.constant 0 : i32
    %dma_wait3A_160 = tpu.memref_slice %arg4[%mul3A_150, %dma_wait3A_159] : memref<917504x128xf32, #tpu.memory_space<hbm>> -> memref<50x64xf32, #tpu.memory_space<hbm>>
    %dma_wait3A_161 = arith.constant 0 : i32
    %dma_wait3A_162 = tpu.memref_slice %arg4[%mul3A_150, %dma_wait3A_161] : memref<917504x128xf32, #tpu.memory_space<hbm>> -> memref<50x64xf32, #tpu.memory_space<hbm>>
    %dma_wait3A_163 = arith.constant 0 : i32
    %dma_wait3A_164 = arith.constant 0 : i32
    %dma_wait3A_165 = tpu.memref_slice %arg6[%dma_wait3A_151, %dma_wait3A_163, %dma_wait3A_164] : memref<2x400x64xf32, #tpu.memory_space<vmem>> -> memref<1x400x64xf32, #tpu.memory_space<vmem>>
    %dma_wait3A_166 = tpu.memref_squeeze %dma_wait3A_165 : memref<1x400x64xf32, #tpu.memory_space<vmem>> -> memref<400x64xf32, #tpu.memory_space<vmem>>
    %dma_wait3A_167 = arith.constant 300 : i32
    %dma_wait3A_168 = arith.constant 0 : i32
    %dma_wait3A_169 = tpu.memref_slice %dma_wait3A_166[%dma_wait3A_167, %dma_wait3A_168] : memref<400x64xf32, #tpu.memory_space<vmem>> -> memref<50x64xf32, #tpu.memory_space<vmem>>
    tpu.wait_dma2 semaphore(%arg9 : memref<!tpu.dma_semaphore, #tpu.memory_space<semaphore_mem>>) src(%dma_wait3A_169 : memref<50x64xf32, #tpu.memory_space<vmem>>) dst(%dma_wait3A_162 : memref<50x64xf32, #tpu.memory_space<hbm>>)
    %add3A_170 = arith.constant 7 : i32
    %add3A_171 = arith.addi %add3A_9, %add3A_170 : i32
    %mul3A_172 = arith.constant 56 : i32
    %mul3A_173 = arith.muli %add3A_171, %mul3A_172 : i32
    %dma_wait3A_174 = arith.constant 0 : i32
    %dma_wait3A_175 = arith.constant 0 : i32
    %dma_wait3A_176 = arith.constant 0 : i32
    %dma_wait3A_177 = tpu.memref_slice %arg6[%dma_wait3A_174, %dma_wait3A_175, %dma_wait3A_176] : memref<2x400x64xf32, #tpu.memory_space<vmem>> -> memref<1x400x64xf32, #tpu.memory_space<vmem>>
    %dma_wait3A_178 = tpu.memref_squeeze %dma_wait3A_177 : memref<1x400x64xf32, #tpu.memory_space<vmem>> -> memref<400x64xf32, #tpu.memory_space<vmem>>
    %dma_wait3A_179 = arith.constant 350 : i32
    %dma_wait3A_180 = arith.constant 0 : i32
    %dma_wait3A_181 = tpu.memref_slice %dma_wait3A_178[%dma_wait3A_179, %dma_wait3A_180] : memref<400x64xf32, #tpu.memory_space<vmem>> -> memref<50x64xf32, #tpu.memory_space<vmem>>
    %dma_wait3A_182 = arith.constant 0 : i32
    %dma_wait3A_183 = tpu.memref_slice %arg4[%mul3A_173, %dma_wait3A_182] : memref<917504x128xf32, #tpu.memory_space<hbm>> -> memref<50x64xf32, #tpu.memory_space<hbm>>
    %dma_wait3A_184 = arith.constant 0 : i32
    %dma_wait3A_185 = tpu.memref_slice %arg4[%mul3A_173, %dma_wait3A_184] : memref<917504x128xf32, #tpu.memory_space<hbm>> -> memref<50x64xf32, #tpu.memory_space<hbm>>
    %dma_wait3A_186 = arith.constant 0 : i32
    %dma_wait3A_187 = arith.constant 0 : i32
    %dma_wait3A_188 = tpu.memref_slice %arg6[%dma_wait3A_174, %dma_wait3A_186, %dma_wait3A_187] : memref<2x400x64xf32, #tpu.memory_space<vmem>> -> memref<1x400x64xf32, #tpu.memory_space<vmem>>
    %dma_wait3A_189 = tpu.memref_squeeze %dma_wait3A_188 : memref<1x400x64xf32, #tpu.memory_space<vmem>> -> memref<400x64xf32, #tpu.memory_space<vmem>>
    %dma_wait3A_190 = arith.constant 350 : i32
    %dma_wait3A_191 = arith.constant 0 : i32
    %dma_wait3A_192 = tpu.memref_slice %dma_wait3A_189[%dma_wait3A_190, %dma_wait3A_191] : memref<400x64xf32, #tpu.memory_space<vmem>> -> memref<50x64xf32, #tpu.memory_space<vmem>>
    tpu.wait_dma2 semaphore(%arg9 : memref<!tpu.dma_semaphore, #tpu.memory_space<semaphore_mem>>) src(%dma_wait3A_192 : memref<50x64xf32, #tpu.memory_space<vmem>>) dst(%dma_wait3A_185 : memref<50x64xf32, #tpu.memory_space<hbm>>)
    %add3A_193 = arith.constant 504 : i32
    %add3A_194 = arith.addi %mul3A_2, %add3A_193 : i32
    %add3A_195 = arith.constant 0 : i32
    %add3A_196 = arith.addi %add3A_194, %add3A_195 : i32
    %mul3A_197 = arith.constant 56 : i32
    %mul3A_198 = arith.muli %add3A_196, %mul3A_197 : i32
    %dma_wait3A_199 = arith.constant 1 : i32
    %dma_wait3A_200 = arith.constant 0 : i32
    %dma_wait3A_201 = arith.constant 0 : i32
    %dma_wait3A_202 = tpu.memref_slice %arg6[%dma_wait3A_199, %dma_wait3A_200, %dma_wait3A_201] : memref<2x400x64xf32, #tpu.memory_space<vmem>> -> memref<1x400x64xf32, #tpu.memory_space<vmem>>
    %dma_wait3A_203 = tpu.memref_squeeze %dma_wait3A_202 : memref<1x400x64xf32, #tpu.memory_space<vmem>> -> memref<400x64xf32, #tpu.memory_space<vmem>>
    %dma_wait3A_204 = arith.constant 0 : i32
    %dma_wait3A_205 = arith.constant 0 : i32
    %dma_wait3A_206 = tpu.memref_slice %dma_wait3A_203[%dma_wait3A_204, %dma_wait3A_205] : memref<400x64xf32, #tpu.memory_space<vmem>> -> memref<50x64xf32, #tpu.memory_space<vmem>>
    %dma_wait3A_207 = arith.constant 0 : i32
    %dma_wait3A_208 = tpu.memref_slice %arg4[%mul3A_198, %dma_wait3A_207] : memref<917504x128xf32, #tpu.memory_space<hbm>> -> memref<50x64xf32, #tpu.memory_space<hbm>>
    %dma_wait3A_209 = arith.constant 0 : i32
    %dma_wait3A_210 = tpu.memref_slice %arg4[%mul3A_198, %dma_wait3A_209] : memref<917504x128xf32, #tpu.memory_space<hbm>> -> memref<50x64xf32, #tpu.memory_space<hbm>>
    %dma_wait3A_211 = arith.constant 0 : i32
    %dma_wait3A_212 = arith.constant 0 : i32
    %dma_wait3A_213 = tpu.memref_slice %arg6[%dma_wait3A_199, %dma_wait3A_211, %dma_wait3A_212] : memref<2x400x64xf32, #tpu.memory_space<vmem>> -> memref<1x400x64xf32, #tpu.memory_space<vmem>>
    %dma_wait3A_214 = tpu.memref_squeeze %dma_wait3A_213 : memref<1x400x64xf32, #tpu.memory_space<vmem>> -> memref<400x64xf32, #tpu.memory_space<vmem>>
    %dma_wait3A_215 = arith.constant 0 : i32
    %dma_wait3A_216 = arith.constant 0 : i32
    %dma_wait3A_217 = tpu.memref_slice %dma_wait3A_214[%dma_wait3A_215, %dma_wait3A_216] : memref<400x64xf32, #tpu.memory_space<vmem>> -> memref<50x64xf32, #tpu.memory_space<vmem>>
    tpu.wait_dma2 semaphore(%arg10 : memref<!tpu.dma_semaphore, #tpu.memory_space<semaphore_mem>>) src(%dma_wait3A_217 : memref<50x64xf32, #tpu.memory_space<vmem>>) dst(%dma_wait3A_210 : memref<50x64xf32, #tpu.memory_space<hbm>>)
    %add3A_218 = arith.constant 1 : i32
    %add3A_219 = arith.addi %add3A_194, %add3A_218 : i32
    %mul3A_220 = arith.constant 56 : i32
    %mul3A_221 = arith.muli %add3A_219, %mul3A_220 : i32
    %dma_wait3A_222 = arith.constant 1 : i32
    %dma_wait3A_223 = arith.constant 0 : i32
    %dma_wait3A_224 = arith.constant 0 : i32
    %dma_wait3A_225 = tpu.memref_slice %arg6[%dma_wait3A_222, %dma_wait3A_223, %dma_wait3A_224] : memref<2x400x64xf32, #tpu.memory_space<vmem>> -> memref<1x400x64xf32, #tpu.memory_space<vmem>>
    %dma_wait3A_226 = tpu.memref_squeeze %dma_wait3A_225 : memref<1x400x64xf32, #tpu.memory_space<vmem>> -> memref<400x64xf32, #tpu.memory_space<vmem>>
    %dma_wait3A_227 = arith.constant 50 : i32
    %dma_wait3A_228 = arith.constant 0 : i32
    %dma_wait3A_229 = tpu.memref_slice %dma_wait3A_226[%dma_wait3A_227, %dma_wait3A_228] : memref<400x64xf32, #tpu.memory_space<vmem>> -> memref<50x64xf32, #tpu.memory_space<vmem>>
    %dma_wait3A_230 = arith.constant 0 : i32
    %dma_wait3A_231 = tpu.memref_slice %arg4[%mul3A_221, %dma_wait3A_230] : memref<917504x128xf32, #tpu.memory_space<hbm>> -> memref<50x64xf32, #tpu.memory_space<hbm>>
    %dma_wait3A_232 = arith.constant 0 : i32
    %dma_wait3A_233 = tpu.memref_slice %arg4[%mul3A_221, %dma_wait3A_232] : memref<917504x128xf32, #tpu.memory_space<hbm>> -> memref<50x64xf32, #tpu.memory_space<hbm>>
    %dma_wait3A_234 = arith.constant 0 : i32
    %dma_wait3A_235 = arith.constant 0 : i32
    %dma_wait3A_236 = tpu.memref_slice %arg6[%dma_wait3A_222, %dma_wait3A_234, %dma_wait3A_235] : memref<2x400x64xf32, #tpu.memory_space<vmem>> -> memref<1x400x64xf32, #tpu.memory_space<vmem>>
    %dma_wait3A_237 = tpu.memref_squeeze %dma_wait3A_236 : memref<1x400x64xf32, #tpu.memory_space<vmem>> -> memref<400x64xf32, #tpu.memory_space<vmem>>
    %dma_wait3A_238 = arith.constant 50 : i32
    %dma_wait3A_239 = arith.constant 0 : i32
    %dma_wait3A_240 = tpu.memref_slice %dma_wait3A_237[%dma_wait3A_238, %dma_wait3A_239] : memref<400x64xf32, #tpu.memory_space<vmem>> -> memref<50x64xf32, #tpu.memory_space<vmem>>
    tpu.wait_dma2 semaphore(%arg10 : memref<!tpu.dma_semaphore, #tpu.memory_space<semaphore_mem>>) src(%dma_wait3A_240 : memref<50x64xf32, #tpu.memory_space<vmem>>) dst(%dma_wait3A_233 : memref<50x64xf32, #tpu.memory_space<hbm>>)
    %add3A_241 = arith.constant 2 : i32
    %add3A_242 = arith.addi %add3A_194, %add3A_241 : i32
    %mul3A_243 = arith.constant 56 : i32
    %mul3A_244 = arith.muli %add3A_242, %mul3A_243 : i32
    %dma_wait3A_245 = arith.constant 1 : i32
    %dma_wait3A_246 = arith.constant 0 : i32
    %dma_wait3A_247 = arith.constant 0 : i32
    %dma_wait3A_248 = tpu.memref_slice %arg6[%dma_wait3A_245, %dma_wait3A_246, %dma_wait3A_247] : memref<2x400x64xf32, #tpu.memory_space<vmem>> -> memref<1x400x64xf32, #tpu.memory_space<vmem>>
    %dma_wait3A_249 = tpu.memref_squeeze %dma_wait3A_248 : memref<1x400x64xf32, #tpu.memory_space<vmem>> -> memref<400x64xf32, #tpu.memory_space<vmem>>
    %dma_wait3A_250 = arith.constant 100 : i32
    %dma_wait3A_251 = arith.constant 0 : i32
    %dma_wait3A_252 = tpu.memref_slice %dma_wait3A_249[%dma_wait3A_250, %dma_wait3A_251] : memref<400x64xf32, #tpu.memory_space<vmem>> -> memref<50x64xf32, #tpu.memory_space<vmem>>
    %dma_wait3A_253 = arith.constant 0 : i32
    %dma_wait3A_254 = tpu.memref_slice %arg4[%mul3A_244, %dma_wait3A_253] : memref<917504x128xf32, #tpu.memory_space<hbm>> -> memref<50x64xf32, #tpu.memory_space<hbm>>
    %dma_wait3A_255 = arith.constant 0 : i32
    %dma_wait3A_256 = tpu.memref_slice %arg4[%mul3A_244, %dma_wait3A_255] : memref<917504x128xf32, #tpu.memory_space<hbm>> -> memref<50x64xf32, #tpu.memory_space<hbm>>
    %dma_wait3A_257 = arith.constant 0 : i32
    %dma_wait3A_258 = arith.constant 0 : i32
    %dma_wait3A_259 = tpu.memref_slice %arg6[%dma_wait3A_245, %dma_wait3A_257, %dma_wait3A_258] : memref<2x400x64xf32, #tpu.memory_space<vmem>> -> memref<1x400x64xf32, #tpu.memory_space<vmem>>
    %dma_wait3A_260 = tpu.memref_squeeze %dma_wait3A_259 : memref<1x400x64xf32, #tpu.memory_space<vmem>> -> memref<400x64xf32, #tpu.memory_space<vmem>>
    %dma_wait3A_261 = arith.constant 100 : i32
    %dma_wait3A_262 = arith.constant 0 : i32
    %dma_wait3A_263 = tpu.memref_slice %dma_wait3A_260[%dma_wait3A_261, %dma_wait3A_262] : memref<400x64xf32, #tpu.memory_space<vmem>> -> memref<50x64xf32, #tpu.memory_space<vmem>>
    tpu.wait_dma2 semaphore(%arg10 : memref<!tpu.dma_semaphore, #tpu.memory_space<semaphore_mem>>) src(%dma_wait3A_263 : memref<50x64xf32, #tpu.memory_space<vmem>>) dst(%dma_wait3A_256 : memref<50x64xf32, #tpu.memory_space<hbm>>)
    %add3A_264 = arith.constant 3 : i32
    %add3A_265 = arith.addi %add3A_194, %add3A_264 : i32
    %mul3A_266 = arith.constant 56 : i32
    %mul3A_267 = arith.muli %add3A_265, %mul3A_266 : i32
    %dma_wait3A_268 = arith.constant 1 : i32
    %dma_wait3A_269 = arith.constant 0 : i32
    %dma_wait3A_270 = arith.constant 0 : i32
    %dma_wait3A_271 = tpu.memref_slice %arg6[%dma_wait3A_268, %dma_wait3A_269, %dma_wait3A_270] : memref<2x400x64xf32, #tpu.memory_space<vmem>> -> memref<1x400x64xf32, #tpu.memory_space<vmem>>
    %dma_wait3A_272 = tpu.memref_squeeze %dma_wait3A_271 : memref<1x400x64xf32, #tpu.memory_space<vmem>> -> memref<400x64xf32, #tpu.memory_space<vmem>>
    %dma_wait3A_273 = arith.constant 150 : i32
    %dma_wait3A_274 = arith.constant 0 : i32
    %dma_wait3A_275 = tpu.memref_slice %dma_wait3A_272[%dma_wait3A_273, %dma_wait3A_274] : memref<400x64xf32, #tpu.memory_space<vmem>> -> memref<50x64xf32, #tpu.memory_space<vmem>>
    %dma_wait3A_276 = arith.constant 0 : i32
    %dma_wait3A_277 = tpu.memref_slice %arg4[%mul3A_267, %dma_wait3A_276] : memref<917504x128xf32, #tpu.memory_space<hbm>> -> memref<50x64xf32, #tpu.memory_space<hbm>>
    %dma_wait3A_278 = arith.constant 0 : i32
    %dma_wait3A_279 = tpu.memref_slice %arg4[%mul3A_267, %dma_wait3A_278] : memref<917504x128xf32, #tpu.memory_space<hbm>> -> memref<50x64xf32, #tpu.memory_space<hbm>>
    %dma_wait3A_280 = arith.constant 0 : i32
    %dma_wait3A_281 = arith.constant 0 : i32
    %dma_wait3A_282 = tpu.memref_slice %arg6[%dma_wait3A_268, %dma_wait3A_280, %dma_wait3A_281] : memref<2x400x64xf32, #tpu.memory_space<vmem>> -> memref<1x400x64xf32, #tpu.memory_space<vmem>>
    %dma_wait3A_283 = tpu.memref_squeeze %dma_wait3A_282 : memref<1x400x64xf32, #tpu.memory_space<vmem>> -> memref<400x64xf32, #tpu.memory_space<vmem>>
    %dma_wait3A_284 = arith.constant 150 : i32
    %dma_wait3A_285 = arith.constant 0 : i32
    %dma_wait3A_286 = tpu.memref_slice %dma_wait3A_283[%dma_wait3A_284, %dma_wait3A_285] : memref<400x64xf32, #tpu.memory_space<vmem>> -> memref<50x64xf32, #tpu.memory_space<vmem>>
    tpu.wait_dma2 semaphore(%arg10 : memref<!tpu.dma_semaphore, #tpu.memory_space<semaphore_mem>>) src(%dma_wait3A_286 : memref<50x64xf32, #tpu.memory_space<vmem>>) dst(%dma_wait3A_279 : memref<50x64xf32, #tpu.memory_space<hbm>>)
    %add3A_287 = arith.constant 4 : i32
    %add3A_288 = arith.addi %add3A_194, %add3A_287 : i32
    %mul3A_289 = arith.constant 56 : i32
    %mul3A_290 = arith.muli %add3A_288, %mul3A_289 : i32
    %dma_wait3A_291 = arith.constant 1 : i32
    %dma_wait3A_292 = arith.constant 0 : i32
    %dma_wait3A_293 = arith.constant 0 : i32
    %dma_wait3A_294 = tpu.memref_slice %arg6[%dma_wait3A_291, %dma_wait3A_292, %dma_wait3A_293] : memref<2x400x64xf32, #tpu.memory_space<vmem>> -> memref<1x400x64xf32, #tpu.memory_space<vmem>>
    %dma_wait3A_295 = tpu.memref_squeeze %dma_wait3A_294 : memref<1x400x64xf32, #tpu.memory_space<vmem>> -> memref<400x64xf32, #tpu.memory_space<vmem>>
    %dma_wait3A_296 = arith.constant 200 : i32
    %dma_wait3A_297 = arith.constant 0 : i32
    %dma_wait3A_298 = tpu.memref_slice %dma_wait3A_295[%dma_wait3A_296, %dma_wait3A_297] : memref<400x64xf32, #tpu.memory_space<vmem>> -> memref<50x64xf32, #tpu.memory_space<vmem>>
    %dma_wait3A_299 = arith.constant 0 : i32
    %dma_wait3A_300 = tpu.memref_slice %arg4[%mul3A_290, %dma_wait3A_299] : memref<917504x128xf32, #tpu.memory_space<hbm>> -> memref<50x64xf32, #tpu.memory_space<hbm>>
    %dma_wait3A_301 = arith.constant 0 : i32
    %dma_wait3A_302 = tpu.memref_slice %arg4[%mul3A_290, %dma_wait3A_301] : memref<917504x128xf32, #tpu.memory_space<hbm>> -> memref<50x64xf32, #tpu.memory_space<hbm>>
    %dma_wait3A_303 = arith.constant 0 : i32
    %dma_wait3A_304 = arith.constant 0 : i32
    %dma_wait3A_305 = tpu.memref_slice %arg6[%dma_wait3A_291, %dma_wait3A_303, %dma_wait3A_304] : memref<2x400x64xf32, #tpu.memory_space<vmem>> -> memref<1x400x64xf32, #tpu.memory_space<vmem>>
    %dma_wait3A_306 = tpu.memref_squeeze %dma_wait3A_305 : memref<1x400x64xf32, #tpu.memory_space<vmem>> -> memref<400x64xf32, #tpu.memory_space<vmem>>
    %dma_wait3A_307 = arith.constant 200 : i32
    %dma_wait3A_308 = arith.constant 0 : i32
    %dma_wait3A_309 = tpu.memref_slice %dma_wait3A_306[%dma_wait3A_307, %dma_wait3A_308] : memref<400x64xf32, #tpu.memory_space<vmem>> -> memref<50x64xf32, #tpu.memory_space<vmem>>
    tpu.wait_dma2 semaphore(%arg10 : memref<!tpu.dma_semaphore, #tpu.memory_space<semaphore_mem>>) src(%dma_wait3A_309 : memref<50x64xf32, #tpu.memory_space<vmem>>) dst(%dma_wait3A_302 : memref<50x64xf32, #tpu.memory_space<hbm>>)
    %add3A_310 = arith.constant 5 : i32
    %add3A_311 = arith.addi %add3A_194, %add3A_310 : i32
    %mul3A_312 = arith.constant 56 : i32
    %mul3A_313 = arith.muli %add3A_311, %mul3A_312 : i32
    %dma_wait3A_314 = arith.constant 1 : i32
    %dma_wait3A_315 = arith.constant 0 : i32
    %dma_wait3A_316 = arith.constant 0 : i32
    %dma_wait3A_317 = tpu.memref_slice %arg6[%dma_wait3A_314, %dma_wait3A_315, %dma_wait3A_316] : memref<2x400x64xf32, #tpu.memory_space<vmem>> -> memref<1x400x64xf32, #tpu.memory_space<vmem>>
    %dma_wait3A_318 = tpu.memref_squeeze %dma_wait3A_317 : memref<1x400x64xf32, #tpu.memory_space<vmem>> -> memref<400x64xf32, #tpu.memory_space<vmem>>
    %dma_wait3A_319 = arith.constant 250 : i32
    %dma_wait3A_320 = arith.constant 0 : i32
    %dma_wait3A_321 = tpu.memref_slice %dma_wait3A_318[%dma_wait3A_319, %dma_wait3A_320] : memref<400x64xf32, #tpu.memory_space<vmem>> -> memref<50x64xf32, #tpu.memory_space<vmem>>
    %dma_wait3A_322 = arith.constant 0 : i32
    %dma_wait3A_323 = tpu.memref_slice %arg4[%mul3A_313, %dma_wait3A_322] : memref<917504x128xf32, #tpu.memory_space<hbm>> -> memref<50x64xf32, #tpu.memory_space<hbm>>
    %dma_wait3A_324 = arith.constant 0 : i32
    %dma_wait3A_325 = tpu.memref_slice %arg4[%mul3A_313, %dma_wait3A_324] : memref<917504x128xf32, #tpu.memory_space<hbm>> -> memref<50x64xf32, #tpu.memory_space<hbm>>
    %dma_wait3A_326 = arith.constant 0 : i32
    %dma_wait3A_327 = arith.constant 0 : i32
    %dma_wait3A_328 = tpu.memref_slice %arg6[%dma_wait3A_314, %dma_wait3A_326, %dma_wait3A_327] : memref<2x400x64xf32, #tpu.memory_space<vmem>> -> memref<1x400x64xf32, #tpu.memory_space<vmem>>
    %dma_wait3A_329 = tpu.memref_squeeze %dma_wait3A_328 : memref<1x400x64xf32, #tpu.memory_space<vmem>> -> memref<400x64xf32, #tpu.memory_space<vmem>>
    %dma_wait3A_330 = arith.constant 250 : i32
    %dma_wait3A_331 = arith.constant 0 : i32
    %dma_wait3A_332 = tpu.memref_slice %dma_wait3A_329[%dma_wait3A_330, %dma_wait3A_331] : memref<400x64xf32, #tpu.memory_space<vmem>> -> memref<50x64xf32, #tpu.memory_space<vmem>>
    tpu.wait_dma2 semaphore(%arg10 : memref<!tpu.dma_semaphore, #tpu.memory_space<semaphore_mem>>) src(%dma_wait3A_332 : memref<50x64xf32, #tpu.memory_space<vmem>>) dst(%dma_wait3A_325 : memref<50x64xf32, #tpu.memory_space<hbm>>)
    %add3A_333 = arith.constant 6 : i32
    %add3A_334 = arith.addi %add3A_194, %add3A_333 : i32
    %mul3A_335 = arith.constant 56 : i32
    %mul3A_336 = arith.muli %add3A_334, %mul3A_335 : i32
    %dma_wait3A_337 = arith.constant 1 : i32
    %dma_wait3A_338 = arith.constant 0 : i32
    %dma_wait3A_339 = arith.constant 0 : i32
    %dma_wait3A_340 = tpu.memref_slice %arg6[%dma_wait3A_337, %dma_wait3A_338, %dma_wait3A_339] : memref<2x400x64xf32, #tpu.memory_space<vmem>> -> memref<1x400x64xf32, #tpu.memory_space<vmem>>
    %dma_wait3A_341 = tpu.memref_squeeze %dma_wait3A_340 : memref<1x400x64xf32, #tpu.memory_space<vmem>> -> memref<400x64xf32, #tpu.memory_space<vmem>>
    %dma_wait3A_342 = arith.constant 300 : i32
    %dma_wait3A_343 = arith.constant 0 : i32
    %dma_wait3A_344 = tpu.memref_slice %dma_wait3A_341[%dma_wait3A_342, %dma_wait3A_343] : memref<400x64xf32, #tpu.memory_space<vmem>> -> memref<50x64xf32, #tpu.memory_space<vmem>>
    %dma_wait3A_345 = arith.constant 0 : i32
    %dma_wait3A_346 = tpu.memref_slice %arg4[%mul3A_336, %dma_wait3A_345] : memref<917504x128xf32, #tpu.memory_space<hbm>> -> memref<50x64xf32, #tpu.memory_space<hbm>>
    %dma_wait3A_347 = arith.constant 0 : i32
    %dma_wait3A_348 = tpu.memref_slice %arg4[%mul3A_336, %dma_wait3A_347] : memref<917504x128xf32, #tpu.memory_space<hbm>> -> memref<50x64xf32, #tpu.memory_space<hbm>>
    %dma_wait3A_349 = arith.constant 0 : i32
    %dma_wait3A_350 = arith.constant 0 : i32
    %dma_wait3A_351 = tpu.memref_slice %arg6[%dma_wait3A_337, %dma_wait3A_349, %dma_wait3A_350] : memref<2x400x64xf32, #tpu.memory_space<vmem>> -> memref<1x400x64xf32, #tpu.memory_space<vmem>>
    %dma_wait3A_352 = tpu.memref_squeeze %dma_wait3A_351 : memref<1x400x64xf32, #tpu.memory_space<vmem>> -> memref<400x64xf32, #tpu.memory_space<vmem>>
    %dma_wait3A_353 = arith.constant 300 : i32
    %dma_wait3A_354 = arith.constant 0 : i32
    %dma_wait3A_355 = tpu.memref_slice %dma_wait3A_352[%dma_wait3A_353, %dma_wait3A_354] : memref<400x64xf32, #tpu.memory_space<vmem>> -> memref<50x64xf32, #tpu.memory_space<vmem>>
    tpu.wait_dma2 semaphore(%arg10 : memref<!tpu.dma_semaphore, #tpu.memory_space<semaphore_mem>>) src(%dma_wait3A_355 : memref<50x64xf32, #tpu.memory_space<vmem>>) dst(%dma_wait3A_348 : memref<50x64xf32, #tpu.memory_space<hbm>>)
    %add3A_356 = arith.constant 7 : i32
    %add3A_357 = arith.addi %add3A_194, %add3A_356 : i32
    %mul3A_358 = arith.constant 56 : i32
    %mul3A_359 = arith.muli %add3A_357, %mul3A_358 : i32
    %dma_wait3A_360 = arith.constant 1 : i32
    %dma_wait3A_361 = arith.constant 0 : i32
    %dma_wait3A_362 = arith.constant 0 : i32
    %dma_wait3A_363 = tpu.memref_slice %arg6[%dma_wait3A_360, %dma_wait3A_361, %dma_wait3A_362] : memref<2x400x64xf32, #tpu.memory_space<vmem>> -> memref<1x400x64xf32, #tpu.memory_space<vmem>>
    %dma_wait3A_364 = tpu.memref_squeeze %dma_wait3A_363 : memref<1x400x64xf32, #tpu.memory_space<vmem>> -> memref<400x64xf32, #tpu.memory_space<vmem>>
    %dma_wait3A_365 = arith.constant 350 : i32
    %dma_wait3A_366 = arith.constant 0 : i32
    %dma_wait3A_367 = tpu.memref_slice %dma_wait3A_364[%dma_wait3A_365, %dma_wait3A_366] : memref<400x64xf32, #tpu.memory_space<vmem>> -> memref<50x64xf32, #tpu.memory_space<vmem>>
    %dma_wait3A_368 = arith.constant 0 : i32
    %dma_wait3A_369 = tpu.memref_slice %arg4[%mul3A_359, %dma_wait3A_368] : memref<917504x128xf32, #tpu.memory_space<hbm>> -> memref<50x64xf32, #tpu.memory_space<hbm>>
    %dma_wait3A_370 = arith.constant 0 : i32
    %dma_wait3A_371 = tpu.memref_slice %arg4[%mul3A_359, %dma_wait3A_370] : memref<917504x128xf32, #tpu.memory_space<hbm>> -> memref<50x64xf32, #tpu.memory_space<hbm>>
    %dma_wait3A_372 = arith.constant 0 : i32
    %dma_wait3A_373 = arith.constant 0 : i32
    %dma_wait3A_374 = tpu.memref_slice %arg6[%dma_wait3A_360, %dma_wait3A_372, %dma_wait3A_373] : memref<2x400x64xf32, #tpu.memory_space<vmem>> -> memref<1x400x64xf32, #tpu.memory_space<vmem>>
    %dma_wait3A_375 = tpu.memref_squeeze %dma_wait3A_374 : memref<1x400x64xf32, #tpu.memory_space<vmem>> -> memref<400x64xf32, #tpu.memory_space<vmem>>
    %dma_wait3A_376 = arith.constant 350 : i32
    %dma_wait3A_377 = arith.constant 0 : i32
    %dma_wait3A_378 = tpu.memref_slice %dma_wait3A_375[%dma_wait3A_376, %dma_wait3A_377] : memref<400x64xf32, #tpu.memory_space<vmem>> -> memref<50x64xf32, #tpu.memory_space<vmem>>
    tpu.wait_dma2 semaphore(%arg10 : memref<!tpu.dma_semaphore, #tpu.memory_space<semaphore_mem>>) src(%dma_wait3A_378 : memref<50x64xf32, #tpu.memory_space<vmem>>) dst(%dma_wait3A_371 : memref<50x64xf32, #tpu.memory_space<hbm>>)
    return
  }
}

</mosaic_0001>

<sc_bundles>
// kernel: kernel.3.cloned.1.call-start
scs
__scs_entry_jumppad:
0x0: {  	(pc) =	sbr.rel $0x88, $3  }
0x1: {  	(tag) =	ssettag $0x0;
	lr =	simm.s32 $0x1  }
0x2: {  	[smem:$0x3F9F] =	sst lr;
	_ =	strace $0xD0000000  }
0x3: {  	_ = 	snop  }
0x4: {  	_ = 	snop  }
0x5: {  	_ = 	snop  }
0x6: {  	_ = 	snop  }
0x7: {  	_ = 	snop  }
__scs_overlays_trampoline_lowered:
0x8: {  	[smem:$0x3FAE] =	sst s0  }
0x9: {  	[smem:$0x3FAF] =	sst s1  }
0xa: {  	[smem:$0x3FB0] =	sst s2  }
0xb: {  	[smem:$0x3FB1] =	sst s3  }
0xc: {  	[smem:$0x3FB2] =	sst s4  }
0xd: {  	[smem:$0x3FB3] =	sst s5  }
0xe: {  	[smem:$0x3FB4] =	sst s6  }
0xf: {  	[smem:$0x3FB5] =	sst s7  }
0x10: {  	[smem:$0x3FB6] =	sst s8  }
0x11: {  	[smem:$0x3FB7] =	sst s9;
	s0 =	simm.s32 @!p0 $0x0  }
0x12: {  	s1 =	sld [smem:$0x3F9D];
	s0 =	simm.s32 @p0 $0x1  }
0x13: {  	[smem:$0x3FB8] =	sst s0;
	s0 =	simm.s32 @!p1 $0x0  }
0x14: {  	s2 =	sld [smem:$0x3F9C];
	s0 =	simm.s32 @p1 $0x1  }
0x15: {  	[smem:$0x3FB9] =	sst s0;
	s0 =	simm.s32 @!p2 $0x0  }
0x16: {  	s3 =	sld [smem:$0x3FDB];
	s0 =	simm.s32 @p2 $0x1  }
0x17: {  	s4 =	simm.s32 $0x1BF5;
	[smem:$0x3FBB] =	sst s0  }
0x18: {  	s0 =	sld [smem:$0x3F9E];
	_ =	swait.ge [sflag:s4], $0x0  }
0x19: {  	s7 =	sld [smem:$0x3F9F]  }
0x1a: {  	s8 =	sadd.s32 $0xFFFFE003, lr  }
0x1b: {  	s9 =	sadd.s32 $0xFFFFFEF7, lr;
	s5 =	simm.s32 $0xFFFFFFFF;
	p2 =	slt.u32 s8, $0xFFFFF086  }
0x1c: {  	p1 =	slt.u32 s9, $0xF7A;
	s5 =	simm.s32 @!p2 $0x0  }
0x1d: {  	s5 =	simm.s32 @p1 $0x1;
	p0 =	seq.s32 s7, s2  }
0x1e: {  	s7 =	smul.u32 @!p0 $0xF7A, s2;
	p2 =	seq.s32 @!p0 s5, $0x0  }
0x1f: {  	s9 =	smul.u32 $0xF7A, s1;
	s8 =	simm.s32 @!p0 $0x1BF5;
	p2 =	por !p2, p0  }
0x20: {  	[sflag:s8] =	ssyncset.s32 @!p0 $0xFFFFF086;
	s6 =	sadd.s32 @!p0 s3, s7;
	s7 =	simm.s32 @!p0 $0x108  }
0x21: {  	s3 =	sadd.s32 s3, s9;
	s6 =	sadd.s32 @!p0 $0x88, s6;
	s7 =	simm.s32 @p2 $0x1082  }
0x22: {  	[simem:s7], [sflag:s8] =	dma.local @!p0 [hbm:s6], $0xF7A  }
0x23: {  	s9 =	sor.u32 $0xD0000000, s2;
	s6 =	simm.s32 $0x108;
	_ =	swait.ge @!p0 [sflag:s8], $0x0  }
0x24: {  	s3 =	sadd.s32 $0x88, s3;
	s6 =	simm.s32 @!p1 $0x1082;
	[sflag:s4] =	ssyncset.s32 $0xFFFFF086  }
0x25: {  	[simem:s6], [sflag:s4] =	dma.local [hbm:s3], $0xF7A  }
0x26: {  	[smem:$0x3F9F] =	sst s1;
	(tag) =	ssettag s2;
	_ =	strace s9  }
0x27: {  	s1 =	sld [smem:$0x3FAF]  }
0x28: {  	s2 =	sld [smem:$0x3FB0]  }
0x29: {  	s4 =	sld [smem:$0x3FB2]  }
0x2a: {  	p0 =	seq.s32 s5, $0x0;
	s5 =	sld [smem:$0x3FB3]  }
0x2b: {  	s6 =	sld [smem:$0x3FB4]  }
0x2c: {  	s7 =	sld [smem:$0x3FB5]  }
0x2d: {  	s3 =	simm.s32 $0x108;
	s8 =	sld [smem:$0x3FB6]  }
0x2e: {  	s3 =	simm.s32 @!p0 $0x1082;
	s9 =	sld [smem:$0x3FB7]  }
0x2f: {  	lr =	sadd.s32 s0, s3;
	s0 =	sld [smem:$0x3FAE]  }
0x30: {  	s3 =	sld [smem:$0x3FB1]  }
0x31: {  	[smem:$0x3FBA] =	sst s10  }
0x32: {  	s10 =	sld [smem:$0x3FB8];
	_ =	sdelay $0x3  }
0x33: {  	p0 =	seq.s32 s10, $0x1;
	s10 =	sld [smem:$0x3FBA];
	_ =	sdelay $0x3  }
0x34: {  	[smem:$0x3FBA] =	sst s10  }
0x35: {  	s10 =	sld [smem:$0x3FB9];
	_ =	sdelay $0x3  }
0x36: {  	p1 =	seq.s32 s10, $0x1;
	s10 =	sld [smem:$0x3FBA];
	_ =	sdelay $0x3  }
0x37: {  	[smem:$0x3FBA] =	sst s10  }
0x38: {  	s10 =	sld [smem:$0x3FBB]  }
0x39: {  	_ = 	snop;
	(pc) =	sbr.ind lr, $3  }
0x3a: {  	_ = 	snop  }
0x3b: {  	_ = 	snop  }
0x3c: {  	p2 =	seq.s32 s10, $0x1;
	s10 =	sld [smem:$0x3FBA]  }
0x3d: {  	_ =	shalt  }
0x3e: {  	_ =	shalt  }
0x3f: {  	_ =	shalt  }
0x40: {  	_ =	shalt  }
0x41: {  	_ =	shalt  }
0x42: {  	_ =	shalt  }
0x43: {  	_ =	shalt  }
0x44: {  	_ =	shalt  }
0x45: {  	_ =	shalt  }
0x46: {  	_ =	shalt  }
0x47: {  	_ =	shalt  }
0x48: {  	_ =	shalt  }
0x49: {  	_ =	shalt  }
0x4a: {  	_ =	shalt  }
0x4b: {  	_ =	shalt  }
0x4c: {  	_ =	shalt  }
0x4d: {  	_ =	shalt  }
0x4e: {  	_ =	shalt  }
0x4f: {  	_ =	shalt  }
0x50: {  	_ =	shalt  }
0x51: {  	_ =	shalt  }
0x52: {  	_ =	shalt  }
0x53: {  	_ =	shalt  }
0x54: {  	_ =	shalt  }
0x55: {  	_ =	shalt  }
0x56: {  	_ =	shalt  }
0x57: {  	_ =	shalt  }
0x58: {  	_ =	shalt  }
0x59: {  	_ =	shalt  }
0x5a: {  	_ =	shalt  }
0x5b: {  	_ =	shalt  }
0x5c: {  	_ =	shalt  }
0x5d: {  	_ =	shalt  }
0x5e: {  	_ =	shalt  }
0x5f: {  	_ =	shalt  }
0x60: {  	_ =	shalt  }
0x61: {  	_ =	shalt  }
0x62: {  	_ =	shalt  }
0x63: {  	_ =	shalt  }
0x64: {  	_ =	shalt  }
0x65: {  	_ =	shalt  }
0x66: {  	_ =	shalt  }
0x67: {  	_ =	shalt  }
0x68: {  	_ =	shalt  }
0x69: {  	_ =	shalt  }
0x6a: {  	_ =	shalt  }
0x6b: {  	_ =	shalt  }
0x6c: {  	_ =	shalt  }
0x6d: {  	_ =	shalt  }
0x6e: {  	_ =	shalt  }
0x6f: {  	_ =	shalt  }
0x70: {  	_ =	shalt  }
0x71: {  	_ =	shalt  }
0x72: {  	_ =	shalt  }
0x73: {  	_ =	shalt  }
0x74: {  	_ =	shalt  }
0x75: {  	_ =	shalt  }
0x76: {  	_ =	shalt  }
0x77: {  	_ =	shalt  }
0x78: {  	_ =	shalt  }
0x79: {  	_ =	shalt  }
0x7a: {  	_ =	shalt  }
0x7b: {  	_ =	shalt  }
0x7c: {  	_ =	shalt  }
0x7d: {  	_ =	shalt  }
0x7e: {  	_ =	shalt  }
0x7f: {  	_ =	shalt  }
0x80: {  	_ =	shalt  }
0x81: {  	_ =	shalt  }
0x82: {  	_ =	shalt  }
0x83: {  	_ =	shalt  }
0x84: {  	_ =	shalt  }
0x85: {  	_ =	shalt  }
0x86: {  	_ =	shalt  }
0x87: {  	_ =	shalt  }
.Lfunc_end0:
.L_simem_size_0:
called_computation.1_lowered:
.L_overlay_start_0:
0x88: {  	s2 =	sld [smem:$0x3FD9]  }
0x89: {  	s3 =	sld [smem:$0x3FFE];
	_ =	sdelay $0x1  }
0x8a: {  	s1 =	srdreg.scid  }
0x8b: {  	s0 =	sand.u32 $0x1, s1  }
0x8c: {  	s17 =	sshll.u32 s0, $0xA;
	s2 =	sadd.s32 s3, s2  }
0x8d: {  	s2 =	sadd.s32 s2, s17  }
0x8e: {  	[smem:$0x3FC6] =	sst s2  }
0x8f: {  	_ = 	snop  }
0x90: {  	s2 =	sld [smem:$0x3FD0];
	(tm) =	ssettm $0x1  }
0x91: {  	s18 =	sld [smem:$0x3FFB];
	_ =	sdelay $0x3  }
0x92: {  	_ =	strace s18  }
0x93: {  	s3 =	sld [smem:$0x3FFC];
	_ =	sdelay $0x3  }
0x94: {  	_ =	strace s3  }
0x95: {  	s3 =	sld [smem:$0x3FFD];
	_ =	sdelay $0x3  }
0x96: {  	_ =	strace s3  }
0x97: {  	_ =	strace $0x8FFFFFFF  }
0x98: {  	s19 =	sld [smem:$0x3FDB];
	_ =	sdelay $0x1  }
0x99: {  	s4 =	simm.s32 $_scs_section_size  }
0x9a: {  	s5 =	simm.s32 $_size__tile_overlayer_lowered;
	s6 =	simm.s32 $_tile_overlayer_lowered  }
0x9b: {  	s22 =	simm.s32 $0x1BFF;
	s21 =	sshll.u32 s6, $0x1;
	s3 =	sadd.s32 s4, s19  }
0x9c: {  	s7 =	simm.s32 $0x0;
	s20 =	sshll.u32 s5, $0x1;
	s5 =	sadd.s32 s21, s3  }
0x9d: {  	[timem:s7], [sflag:s22] =	dma.local [hbm:s5], s20  }
0x9e: {  	_ =	swait.ge [sflag:s22], s20  }
0x9f: {  	s4 =	ssub.s32 $0x0, s20;
	[sflag:s22] =	ssyncset.done $0x0  }
0xa0: {  	[sflag:s22] =	ssyncadd.s32 s4;
	_ =	sdelay $0x1  }
0xa1: {  	s23 =	simm.s32 $0x1B8B  }
0xa2: {  	_ =	swait.ge [sflag:s23], $0x1  }
0xa3: {  	[sflag:s23] =	ssyncset.done $0x0  }
0xa4: {  	s25 =	simm.s32 $0x1B8E;
	s24 =	sld [smem:$0x3FFE];
	[sflag:s23] =	ssyncadd.s32 $0xFFFFFFFF  }
0xa5: {  	s26 =	simm.s32 $execute0_lowered;
	[smem:$0x3FD2] =	sst s25  }
0xa6: {  	s5 =	sshll.u32 s26, $0x1;
	_ =	strace $0x80000046;
	[dreg:$0x1] =	wrdreg $0xFFFFFFFF  }
0xa7: {  	s28 =	simm.s32 $_size_execute0_lowered;
	s3 =	sadd.s32 s3, s5;
	[dreg:$0x0] =	wrdreg $0x0  }
0xa8: {  	s5 =	sshll.u32 s28, $0x1;
	[dreg:$0x2] =	wrdreg s3  }
0xa9: {  	[dreg:$0x3] =	wrdreg s5  }
0xaa: {  	[dreg:$0x4] =	wrdreg $0xC0  }
0xab: {  	_ =	task [dreg:s7], $0x5FFFF  }
0xac: {  	[dreg:$0x1] =	wrdreg $0xFFFFFFFF  }
0xad: {  	[dreg:$0x0] =	wrdreg $0x60  }
0xae: {  	[dreg:$0x2] =	wrdreg s2  }
0xaf: {  	[dreg:$0x3] =	wrdreg s24  }
0xb0: {  	[dreg:$0x4] =	wrdreg $0x9  }
0xb1: {  	_ =	task.clear_ibuf [dreg:s7], $0x5FFFF;
	_ =	strace $0x90000046  }
0xb2: {  	s29 =	simm.s32 $0x9;
	_ =	strace $0x80000048  }
0xb3: {  	_ =	swait.ge [sflag:s29], $0x1  }
0xb4: {  	[sflag:s29] =	ssyncadd.s32 $0xFFFFFFFF  }
0xb5: {  	_ =	strace $0x90000048  }
0xb6: {  	_ =	sfence  }
0xb7: {  	s30 =	sld [smem:$0x0];
	_ =	sdelay $0x2  }
0xb8: {  	s31 =	sshll.u32 s1, $0xD;
	s1 =	sshrl.u32 s1, $0x2  }
0xb9: {  	s3 =	sand.u32 $0x4000, s31;
	s1 =	sadd.s32 s1, s30  }
0xba: {  	s0 =	sor.u32 s3, s0;
	s1 =	sshll.u32 s1, $0x11  }
0xbb: {  	s0 =	sor.u32 s1, s0  }
0xbc: {  	s0 =	sadd.s32 $0x8F2B, s0  }
0xbd: {  	[sflag:s0] =	ssyncadd.remote.s32 $0x1  }
0xbe: {  	_ =	sfence.sel $0xFFFF  }
0xbf: {  	[dreg:$0x0] =	wrdreg $0xFFFFFFFF;
	(pc) =	sbr.abs _section_cstart, $3  }
0xc0: {  	[dreg:$0x1] =	wrdreg $0xFFFFFFFF  }
0xc1: {  	_ =	task.clear_ibuf [dreg:s7], $0x2FFFF;
	_ =	strace $0x9FFFFFFF  }
0xc2: {  	(tm) =	ssettm $0x7FFFFFFF  }
0xc3: {  	_ =	shalt  }
tec
execute0_lowered:
.L_overlay_start_1:
0x0: {  	(tag) =	ssettag $0x1  }
0x1: {  	s0 =	rddreg [dreg:$0x0];
	s10 =	stileid.u32  }
0x2: {  	s1 =	srdreg.scid;
	s3 =	smul.u32 $0x700000, s10  }
0x3: {  	s4 =	rddreg [dreg:$0x1];
	s20 =	smul.u32 $0x1C00, s10  }
0x4: {  	s2 =	simm.s32 $0x0;
	s1 =	sand.u32 $0x1, s1;
	s22 =	smul.u32 $0xE0000, s10  }
0x5: {  	s28 =	simm.s32 $0x80;
	s29 =	simm.s32 $0x2;
	s5 =	smul.u32 $0x380000, s1  }
0x6: {  	[smem:$0x7FF] =	sst s2;
	s6 =	ssub.s32 $0x2, s1;
	s23 =	smul.u32 $0x70000, s1  }
0x7: {  	_ =	strace $0x80000047;
	s1 =	smul.u32 $0xE00, s1;
	s8 =	sshrl.u32 s6, $0x1  }
0x8: {  	s0 =	sadd.s32 s20, s0;
	s20 =	simm.s32 $0x150;
	s5 =	sadd.s32 s5, s3  }
0x9: {  	s3 =	sadd.s32 $0xF42E00, s4;
	s4 =	sadd.s32 $0xA00, s4;
	s6 =	ssub.s32 s6, s8  }
0xa: {  	s0 =	sadd.s32 s1, s0;
	[dreg:$0x14] =	wrdreg s20;
	s20 =	simm.s32 $0x8D00  }
0xb: {  	s7 =	sor.u32 $0x1A400, s5;
	s11 =	sor.u32 $0x18800, s5;
	s13 =	sor.u32 $0x16C00, s5  }
0xc: {  	s9 =	sor.u32 $0x15000, s5;
	s17 =	sor.u32 $0x13400, s5;
	s19 =	sor.u32 $0x11800, s5  }
0xd: {  	s24 =	sor.u32 $0xC400, s5;
	s26 =	sor.u32 $0xA800, s5;
	s0 =	sadd.s32 $0x38, s0  }
0xe: {  	s7 =	sshrl.u32 s7, $0x3;
	s12 =	sshrl.u32 s11, $0x3;
	s8 =	sshrl.u32 s13, $0x3  }
0xf: {  	s15 =	sshrl.u32 s9, $0x3;
	s18 =	sshrl.u32 s17, $0x3;
	s25 =	sshrl.u32 s24, $0x3  }
0x10: {  	s31 =	sshrl.u32 s26, $0x3;
	[dreg:$0x1e] =	wrdreg s0;
	s17 =	simm.s32 $0xA8  }
0x11: {  	s9 =	sor.u32 $0x8C00, s5;
	s24 =	simm.s32 $0x268;
	[dreg:$0x11] =	wrdreg s17  }
0x12: {  	s11 =	sor.u32 $0x7000, s5;
	s26 =	simm.s32 $0x2D8;
	[dreg:$0x18] =	wrdreg s24  }
0x13: {  	s5 =	sor.u32 $0x5400, s5;
	s7 =	sadd.s32 s7, s4;
	[dreg:$0x1a] =	wrdreg s26  }
0x14: {  	s14 =	sadd.s32 s8, s4;
	s16 =	sadd.s32 s15, s4;
	[dreg:$0x3] =	wrdreg s7  }
0x15: {  	s8 =	sshrl.u32 s19, $0x3;
	s30 =	sadd.s32 s25, s4;
	[dreg:$0x5] =	wrdreg s14  }
0x16: {  	s10 =	sshrl.u32 s9, $0x3;
	s5 =	sshrl.u32 s5, $0x3;
	[dreg:$0x6] =	wrdreg s16  }
0x17: {  	s15 =	simm.s32 $0x38;
	s19 =	simm.s32 $0x118;
	[dreg:$0xa] =	wrdreg s30  }
0x18: {  	s17 =	simm.s32 $0x6780;
	s25 =	simm.s32 $0x2A0;
	[dreg:$0xf] =	wrdreg s15  }
0x19: {  	s24 =	simm.s32 $0xBF00;
	s26 =	simm.s32 $0x40;
	[dreg:$0x13] =	wrdreg s19  }
0x1a: {  	s7 =	sadd.s32 s12, s4;
	s21 =	sadd.s32 s8, s4;
	[dreg:$0x19] =	wrdreg s25  }
0x1b: {  	s8 =	sadd.s32 s22, s4;
	s13 =	sadd.s32 s5, s4;
	[dreg:$0x4] =	wrdreg s7  }
0x1c: {  	s14 =	smax.u32 s6, $0x1;
	s6 =	simm.s32 $0x5;
	[dreg:$0x8] =	wrdreg s21  }
0x1d: {  	s16 =	simm.s32 $0x70;
	s15 =	simm.s32 $0x5B00;
	[dreg:$0x1d] =	wrdreg s14  }
0x1e: {  	s22 =	simm.s32 $0x1F8;
	s19 =	simm.s32 $0x8080;
	[dreg:$0xe] =	wrdreg s13  }
0x1f: {  	s30 =	simm.s32 $0x310;
	s25 =	simm.s32 $0x1;
	[dreg:$0x10] =	wrdreg s16  }
0x20: {  	s7 =	sadd.s32 s18, s4;
	s18 =	simm.s32 $0xE0;
	[dreg:$0x16] =	wrdreg s22  }
0x21: {  	s13 =	simm.s32 $0x4200;
	s21 =	simm.s32 $0x188;
	[dreg:$0x1b] =	wrdreg s30  }
0x22: {  	s14 =	simm.s32 $0x4E80;
	s16 =	simm.s32 $0x1C0;
	[dreg:$0x7] =	wrdreg s7  }
0x23: {  	s22 =	simm.s32 $0xA600;
	s7 =	sadd.s32 s23, s8;
	[dreg:$0x12] =	wrdreg s18  }
0x24: {  	s8 =	sadd.s32 s31, s4;
	[dreg:$0x15] =	wrdreg s21;
	s18 =	simm.s32 $0x7400  }
0x25: {  	s23 =	simm.s32 $0x230;
	s21 =	simm.s32 $0x9980;
	[dreg:$0x9] =	wrdreg s7  }
0x26: {  	s31 =	simm.s32 $0x348;
	[dreg:$0xb] =	wrdreg s8;
	s7 =	sadd.s32 s10, s4  }
0x27: {  	s8 =	sshrl.u32 s11, $0x3;
	s10 =	simm.s32 $0x1C80;
	[dreg:$0x17] =	wrdreg s23  }
0x28: {  	s11 =	simm.s32 $0x2900;
	s23 =	simm.s32 $0xB280;
	[dreg:$0x1c] =	wrdreg s31  }
0x29: {  	[dreg:$0xc] =	wrdreg s7;
	s12 =	sadd.s32 s8, s4;
	s7 =	simm.s32 $0x32  }
0x2a: {  	s4 =	simm.s32 $0x0;
	[dreg:$0xd] =	wrdreg s12;
	s12 =	simm.s32 $0x3580  }
.LBB2_1:
0x2b: {  	p0 =	por $0x1, $0x1  }
0x2c: {  	p0 =	por p0, p0  }
0x2d: {  	[dreg:$0x1f] =	wrdreg s4;
	s0 =	simm.s32 @!p0 $0x3  }
0x2e: {  	_ =	swait.ge @!p0 [sflag:s0], $0xC80  }
0x2f: {  	[sflag:s0] =	ssyncset.done @!p0 $0x0  }
0x30: {  	[sflag:s0] =	ssyncadd.s32 @!p0 $0xFFFFF380  }
0x31: {  	_ =	swait.ge @!p0 [sflag:s0], $0xC80  }
0x32: {  	[sflag:s0] =	ssyncset.done @!p0 $0x0  }
0x33: {  	[sflag:s0] =	ssyncadd.s32 @!p0 $0xFFFFF380  }
0x34: {  	_ =	swait.ge @!p0 [sflag:s0], $0xC80  }
0x35: {  	[sflag:s0] =	ssyncset.done @!p0 $0x0  }
0x36: {  	[sflag:s0] =	ssyncadd.s32 @!p0 $0xFFFFF380  }
0x37: {  	_ =	swait.ge @!p0 [sflag:s0], $0xC80  }
0x38: {  	[sflag:s0] =	ssyncset.done @!p0 $0x0  }
0x39: {  	[sflag:s0] =	ssyncadd.s32 @!p0 $0xFFFFF380  }
0x3a: {  	_ =	swait.ge @!p0 [sflag:s0], $0xC80  }
0x3b: {  	[sflag:s0] =	ssyncset.done @!p0 $0x0  }
0x3c: {  	[sflag:s0] =	ssyncadd.s32 @!p0 $0xFFFFF380  }
0x3d: {  	_ =	swait.ge @!p0 [sflag:s0], $0xC80  }
0x3e: {  	[sflag:s0] =	ssyncset.done @!p0 $0x0  }
0x3f: {  	[sflag:s0] =	ssyncadd.s32 @!p0 $0xFFFFF380  }
0x40: {  	_ =	swait.ge @!p0 [sflag:s0], $0xC80  }
0x41: {  	[sflag:s0] =	ssyncset.done @!p0 $0x0  }
0x42: {  	[sflag:s0] =	ssyncadd.s32 @!p0 $0xFFFFF380  }
0x43: {  	_ =	swait.ge @!p0 [sflag:s0], $0xC80  }
0x44: {  	[sflag:s0] =	ssyncset.done @!p0 $0x0;
	s8 =	rddreg [dreg:$0x1e]  }
0x45: {  	[sflag:s0] =	ssyncadd.s32 @!p0 $0xFFFFF380;
	s5 =	sadd.s32 $0xFFFFFFC8, s8  }
0x46: {  	[tilespmem:s2], [sflag:$0x5] =	stream.linear.gather [hbm4b:s5+s2], $0x1C0, $0x38;
	[tilespmem:$0xCB80] =	vst v63  }
0x47: {  	_ =	swait.ge [sflag:s6], $0x1C0  }
0x48: {  	[sflag:s6] =	ssyncset.done $0x0  }
0x49: {  	s4 =	simm.s32 $0x380;
	[sflag:s6] =	ssyncadd.s32 $0xFFFFFE40  }
0x4a: {  	[tilespmem:s4], [sflag:$0x1] =	stream.indirect.gather [hbm4b:s3+s7], $0x40, s2, s7, $0xb8;
	[tilespmem:$0xCB80] =	vst v63  }
0x4b: {  	s5 =	simm.s32 $0x1000;
	s9 =	rddreg [dreg:$0xf]  }
0x4c: {  	[tilespmem:s5], [sflag:$0x1] =	stream.indirect.gather [hbm4b:s3+s7], $0x40, s9, s7, $0xb8;
	[tilespmem:$0xCB80] =	vst v63  }
0x4d: {  	s1 =	rddreg [dreg:$0x10]  }
0x4e: {  	[tilespmem:s10], [sflag:$0x1] =	stream.indirect.gather [hbm4b:s3+s7], $0x40, s1, s7, $0xb8;
	[tilespmem:$0xCB80] =	vst v63  }
0x4f: {  	s31 =	rddreg [dreg:$0x11]  }
0x50: {  	[tilespmem:s11], [sflag:$0x1] =	stream.indirect.gather [hbm4b:s3+s7], $0x40, s31, s7, $0xb8;
	[tilespmem:$0xCB80] =	vst v63  }
0x51: {  	s9 =	rddreg [dreg:$0x12]  }
0x52: {  	[tilespmem:s12], [sflag:$0x1] =	stream.indirect.gather [hbm4b:s3+s7], $0x40, s9, s7, $0xb8;
	[tilespmem:$0xCB80] =	vst v63  }
0x53: {  	s31 =	rddreg [dreg:$0x13]  }
0x54: {  	[tilespmem:s13], [sflag:$0x1] =	stream.indirect.gather [hbm4b:s3+s7], $0x40, s31, s7, $0xb8;
	[tilespmem:$0xCB80] =	vst v63  }
0x55: {  	s9 =	rddreg [dreg:$0x14]  }
0x56: {  	[tilespmem:s14], [sflag:$0x1] =	stream.indirect.gather [hbm4b:s3+s7], $0x40, s9, s7, $0xb8;
	[tilespmem:$0xCB80] =	vst v63  }
0x57: {  	s1 =	simm.s32 @!p0 $0x4;
	s31 =	rddreg [dreg:$0x15]  }
0x58: {  	[tilespmem:s15], [sflag:$0x1] =	stream.indirect.gather [hbm4b:s3+s7], $0x40, s31, s7, $0xb8;
	[tilespmem:$0xCB80] =	vst v63  }
0x59: {  	_ =	swait.ge @!p0 [sflag:s1], $0xC80  }
0x5a: {  	[sflag:s1] =	ssyncset.done @!p0 $0x0  }
0x5b: {  	[sflag:s1] =	ssyncadd.s32 @!p0 $0xFFFFF380  }
0x5c: {  	_ =	swait.ge @!p0 [sflag:s1], $0xC80  }
0x5d: {  	[sflag:s1] =	ssyncset.done @!p0 $0x0  }
0x5e: {  	[sflag:s1] =	ssyncadd.s32 @!p0 $0xFFFFF380  }
0x5f: {  	_ =	swait.ge @!p0 [sflag:s1], $0xC80  }
0x60: {  	[sflag:s1] =	ssyncset.done @!p0 $0x0  }
0x61: {  	[sflag:s1] =	ssyncadd.s32 @!p0 $0xFFFFF380  }
0x62: {  	_ =	swait.ge @!p0 [sflag:s1], $0xC80  }
0x63: {  	[sflag:s1] =	ssyncset.done @!p0 $0x0  }
0x64: {  	[sflag:s1] =	ssyncadd.s32 @!p0 $0xFFFFF380  }
0x65: {  	_ =	swait.ge @!p0 [sflag:s1], $0xC80  }
0x66: {  	[sflag:s1] =	ssyncset.done @!p0 $0x0  }
0x67: {  	[sflag:s1] =	ssyncadd.s32 @!p0 $0xFFFFF380  }
0x68: {  	_ =	swait.ge @!p0 [sflag:s1], $0xC80  }
0x69: {  	[sflag:s1] =	ssyncset.done @!p0 $0x0  }
0x6a: {  	[sflag:s1] =	ssyncadd.s32 @!p0 $0xFFFFF380  }
0x6b: {  	_ =	swait.ge @!p0 [sflag:s1], $0xC80  }
0x6c: {  	[sflag:s1] =	ssyncset.done @!p0 $0x0  }
0x6d: {  	[sflag:s1] =	ssyncadd.s32 @!p0 $0xFFFFF380  }
0x6e: {  	_ =	swait.ge @!p0 [sflag:s1], $0xC80  }
0x6f: {  	[sflag:s1] =	ssyncset.done @!p0 $0x0  }
0x70: {  	[sflag:s1] =	ssyncadd.s32 @!p0 $0xFFFFF380  }
0x71: {  	[tilespmem:s16], [sflag:$0x5] =	stream.linear.gather [hbm4b:s8+s2], $0x1C0, $0x38;
	[tilespmem:$0xCB80] =	vst v63  }
0x72: {  	_ =	swait.ge [sflag:s6], $0x1C0  }
0x73: {  	[sflag:s6] =	ssyncset.done $0x0  }
0x74: {  	[sflag:s6] =	ssyncadd.s32 $0xFFFFFE40  }
0x75: {  	[tilespmem:s17], [sflag:$0x2] =	stream.indirect.gather [hbm4b:s3+s7], $0x40, s16, s7, $0xb8;
	[tilespmem:$0xCB80] =	vst v63  }
0x76: {  	s1 =	rddreg [dreg:$0x16]  }
0x77: {  	[tilespmem:s18], [sflag:$0x2] =	stream.indirect.gather [hbm4b:s3+s7], $0x40, s1, s7, $0xb8;
	[tilespmem:$0xCB80] =	vst v63  }
0x78: {  	s9 =	rddreg [dreg:$0x17]  }
0x79: {  	[tilespmem:s19], [sflag:$0x2] =	stream.indirect.gather [hbm4b:s3+s7], $0x40, s9, s7, $0xb8;
	[tilespmem:$0xCB80] =	vst v63  }
0x7a: {  	s31 =	rddreg [dreg:$0x18]  }
0x7b: {  	[tilespmem:s20], [sflag:$0x2] =	stream.indirect.gather [hbm4b:s3+s7], $0x40, s31, s7, $0xb8;
	[tilespmem:$0xCB80] =	vst v63  }
0x7c: {  	s9 =	rddreg [dreg:$0x19]  }
0x7d: {  	[tilespmem:s21], [sflag:$0x2] =	stream.indirect.gather [hbm4b:s3+s7], $0x40, s9, s7, $0xb8;
	[tilespmem:$0xCB80] =	vst v63  }
0x7e: {  	s31 =	rddreg [dreg:$0x1a]  }
0x7f: {  	[tilespmem:s22], [sflag:$0x2] =	stream.indirect.gather [hbm4b:s3+s7], $0x40, s31, s7, $0xb8;
	[tilespmem:$0xCB80] =	vst v63  }
0x80: {  	s9 =	rddreg [dreg:$0x1b]  }
0x81: {  	[tilespmem:s23], [sflag:$0x2] =	stream.indirect.gather [hbm4b:s3+s7], $0x40, s9, s7, $0xb8;
	[tilespmem:$0xCB80] =	vst v63  }
0x82: {  	s31 =	rddreg [dreg:$0x1c]  }
0x83: {  	[tilespmem:s24], [sflag:$0x2] =	stream.indirect.gather [hbm4b:s3+s7], $0x40, s31, s7, $0xb8;
	[tilespmem:$0xCB80] =	vst v63  }
0x84: {  	_ =	swait.ge [sflag:s25], $0xC80  }
0x85: {  	[sflag:s25] =	ssyncset.done $0x0  }
0x86: {  	[sflag:s25] =	ssyncadd.s32 $0xFFFFF380  }
0x87: {  	_ =	swait.ge [sflag:s25], $0xC80  }
0x88: {  	[sflag:s25] =	ssyncset.done $0x0  }
0x89: {  	[sflag:s25] =	ssyncadd.s32 $0xFFFFF380  }
0x8a: {  	_ =	swait.ge [sflag:s25], $0xC80  }
0x8b: {  	[sflag:s25] =	ssyncset.done $0x0  }
0x8c: {  	[sflag:s25] =	ssyncadd.s32 $0xFFFFF380  }
0x8d: {  	_ =	swait.ge [sflag:s25], $0xC80  }
0x8e: {  	[sflag:s25] =	ssyncset.done $0x0  }
0x8f: {  	[sflag:s25] =	ssyncadd.s32 $0xFFFFF380  }
0x90: {  	_ =	swait.ge [sflag:s25], $0xC80  }
0x91: {  	[sflag:s25] =	ssyncset.done $0x0  }
0x92: {  	[sflag:s25] =	ssyncadd.s32 $0xFFFFF380  }
0x93: {  	_ =	swait.ge [sflag:s25], $0xC80  }
0x94: {  	[sflag:s25] =	ssyncset.done $0x0  }
0x95: {  	[sflag:s25] =	ssyncadd.s32 $0xFFFFF380  }
0x96: {  	_ =	swait.ge [sflag:s25], $0xC80  }
0x97: {  	[sflag:s25] =	ssyncset.done $0x0  }
0x98: {  	[sflag:s25] =	ssyncadd.s32 $0xFFFFF380  }
0x99: {  	_ =	swait.ge [sflag:s25], $0xC80  }
0x9a: {  	s1 =	rddreg [dreg:$0x9];
	[sflag:s25] =	ssyncset.done $0x0  }
0x9b: {  	[sflag:s25] =	ssyncadd.s32 $0xFFFFF380;
	s0 =	sadd.s32 $0x0, s1  }
0x9c: {  	[hbm4b:s0+s26] =	stream.strided.scatter [tilespmem:s4], [sflag:$0x3], $0xC80, s28, s26, $0x38;
	[tilespmem:$0xCB80] =	vst v63  }
0x9d: {  	s9 =	sadd.s32 $0x380, s0  }
0x9e: {  	[hbm4b:s9+s26] =	stream.strided.scatter [tilespmem:s5], [sflag:$0x3], $0xC80, s28, s26, $0x38;
	[tilespmem:$0xCB80] =	vst v63  }
0x9f: {  	s31 =	rddreg [dreg:$0xe];
	s5 =	sadd.s32 $0x700, s0  }
0xa0: {  	[hbm4b:s5+s26] =	stream.strided.scatter [tilespmem:s10], [sflag:$0x3], $0xC80, s28, s26, $0x38;
	[tilespmem:$0xCB80] =	vst v63  }
0xa1: {  	s31 =	sadd.s32 $0x0, s31;
	s9 =	rddreg [dreg:$0xd]  }
0xa2: {  	[hbm4b:s31+s26] =	stream.strided.scatter [tilespmem:s11], [sflag:$0x3], $0xC80, s28, s26, $0x38;
	[tilespmem:$0xCB80] =	vst v63  }
0xa3: {  	s4 =	rddreg [dreg:$0xc];
	s9 =	sadd.s32 $0x0, s9  }
0xa4: {  	[hbm4b:s9+s26] =	stream.strided.scatter [tilespmem:s12], [sflag:$0x3], $0xC80, s28, s26, $0x38;
	[tilespmem:$0xCB80] =	vst v63  }
0xa5: {  	s4 =	sadd.s32 $0x0, s4;
	s31 =	rddreg [dreg:$0xb]  }
0xa6: {  	[hbm4b:s4+s26] =	stream.strided.scatter [tilespmem:s13], [sflag:$0x3], $0xC80, s28, s26, $0x38;
	[tilespmem:$0xCB80] =	vst v63  }
0xa7: {  	s31 =	sadd.s32 $0x0, s31;
	s9 =	rddreg [dreg:$0xa]  }
0xa8: {  	[hbm4b:s31+s26] =	stream.strided.scatter [tilespmem:s14], [sflag:$0x3], $0xC80, s28, s26, $0x38;
	[tilespmem:$0xCB80] =	vst v63  }
0xa9: {  	s5 =	sadd.s32 $0x0, s9  }
0xaa: {  	[hbm4b:s5+s26] =	stream.strided.scatter [tilespmem:s15], [sflag:$0x3], $0xC80, s28, s26, $0x38;
	[tilespmem:$0xCB80] =	vst v63  }
0xab: {  	_ =	swait.ge [sflag:s29], $0xC80  }
0xac: {  	[sflag:s29] =	ssyncset.done $0x0  }
0xad: {  	[sflag:s29] =	ssyncadd.s32 $0xFFFFF380  }
0xae: {  	_ =	swait.ge [sflag:s29], $0xC80  }
0xaf: {  	[sflag:s29] =	ssyncset.done $0x0  }
0xb0: {  	[sflag:s29] =	ssyncadd.s32 $0xFFFFF380  }
0xb1: {  	_ =	swait.ge [sflag:s29], $0xC80  }
0xb2: {  	[sflag:s29] =	ssyncset.done $0x0  }
0xb3: {  	[sflag:s29] =	ssyncadd.s32 $0xFFFFF380  }
0xb4: {  	_ =	swait.ge [sflag:s29], $0xC80  }
0xb5: {  	[sflag:s29] =	ssyncset.done $0x0  }
0xb6: {  	[sflag:s29] =	ssyncadd.s32 $0xFFFFF380  }
0xb7: {  	_ =	swait.ge [sflag:s29], $0xC80  }
0xb8: {  	[sflag:s29] =	ssyncset.done $0x0  }
0xb9: {  	[sflag:s29] =	ssyncadd.s32 $0xFFFFF380  }
0xba: {  	_ =	swait.ge [sflag:s29], $0xC80  }
0xbb: {  	[sflag:s29] =	ssyncset.done $0x0  }
0xbc: {  	[sflag:s29] =	ssyncadd.s32 $0xFFFFF380  }
0xbd: {  	_ =	swait.ge [sflag:s29], $0xC80  }
0xbe: {  	[sflag:s29] =	ssyncset.done $0x0  }
0xbf: {  	[sflag:s29] =	ssyncadd.s32 $0xFFFFF380  }
0xc0: {  	_ =	swait.ge [sflag:s29], $0xC80  }
0xc1: {  	[sflag:s29] =	ssyncset.done $0x0;
	s1 =	rddreg [dreg:$0x8]  }
0xc2: {  	s9 =	sadd.s32 $0x1C00, s0;
	s31 =	rddreg [dreg:$0x7];
	[sflag:s29] =	ssyncadd.s32 $0xFFFFF380  }
0xc3: {  	[hbm4b:s9+s26] =	stream.strided.scatter [tilespmem:s17], [sflag:$0x4], $0xC80, s28, s26, $0x38;
	[tilespmem:$0xCB80] =	vst v63  }
0xc4: {  	s0 =	sadd.s32 $0x1F80, s0;
	s5 =	rddreg [dreg:$0x6]  }
0xc5: {  	[hbm4b:s0+s26] =	stream.strided.scatter [tilespmem:s18], [sflag:$0x4], $0xC80, s28, s26, $0x38;
	[tilespmem:$0xCB80] =	vst v63  }
0xc6: {  	s1 =	sadd.s32 $0x0, s1;
	s4 =	sadd.s32 $0x0, s31;
	s31 =	rddreg [dreg:$0x4]  }
0xc7: {  	[hbm4b:s1+s26] =	stream.strided.scatter [tilespmem:s19], [sflag:$0x4], $0xC80, s28, s26, $0x38;
	[tilespmem:$0xCB80] =	vst v63  }
0xc8: {  	p6 =	por $0x0, $0x0;
	s9 =	rddreg [dreg:$0x5]  }
0xc9: {  	[hbm4b:s4+s26] =	stream.strided.scatter [tilespmem:s20], [sflag:$0x4], $0xC80, s28, s26, $0x38;
	[tilespmem:$0xCB80] =	vst v63  }
0xca: {  	s0 =	sadd.s32 $0x0, s5;
	s5 =	sadd.s32 $0x0, s9;
	s9 =	rddreg [dreg:$0x3]  }
0xcb: {  	[hbm4b:s0+s26] =	stream.strided.scatter [tilespmem:s21], [sflag:$0x4], $0xC80, s28, s26, $0x38;
	[tilespmem:$0xCB80] =	vst v63  }
0xcc: {  	p0 =	por p6, p6;
	s31 =	sadd.s32 $0x0, s31;
	s30 =	sadd.s32 $0x0, s9  }
0xcd: {  	[hbm4b:s5+s26] =	stream.strided.scatter [tilespmem:s22], [sflag:$0x4], $0xC80, s28, s26, $0x38;
	[tilespmem:$0xCB80] =	vst v63  }
0xce: {  	s4 =	sadd.s32 $0x70, s8;
	s0 =	simm.s32 $0x3800;
	s5 =	simm.s32 $0x7000  }
0xcf: {  	[hbm4b:s31+s26] =	stream.strided.scatter [tilespmem:s23], [sflag:$0x4], $0xC80, s28, s26, $0x38;
	[tilespmem:$0xCB80] =	vst v63  }
.LBB2_2:
0xd0: {  	[hbm4b:s30+s26] =	stream.strided.scatter [tilespmem:s24], [sflag:$0x4], $0xC80, s28, s26, $0x38;
	[tilespmem:$0xCB80] =	vst v63  }
0xd1: {  	s30 =	simm.s32 @!p0 $0x3  }
0xd2: {  	_ =	swait.ge @!p0 [sflag:s30], $0xC80  }
0xd3: {  	[sflag:s30] =	ssyncset.done @!p0 $0x0  }
0xd4: {  	[sflag:s30] =	ssyncadd.s32 @!p0 $0xFFFFF380  }
0xd5: {  	_ =	swait.ge @!p0 [sflag:s30], $0xC80  }
0xd6: {  	[sflag:s30] =	ssyncset.done @!p0 $0x0  }
0xd7: {  	[sflag:s30] =	ssyncadd.s32 @!p0 $0xFFFFF380  }
0xd8: {  	_ =	swait.ge @!p0 [sflag:s30], $0xC80  }
0xd9: {  	[sflag:s30] =	ssyncset.done @!p0 $0x0  }
0xda: {  	[sflag:s30] =	ssyncadd.s32 @!p0 $0xFFFFF380  }
0xdb: {  	_ =	swait.ge @!p0 [sflag:s30], $0xC80  }
0xdc: {  	[sflag:s30] =	ssyncset.done @!p0 $0x0  }
0xdd: {  	[sflag:s30] =	ssyncadd.s32 @!p0 $0xFFFFF380  }
0xde: {  	_ =	swait.ge @!p0 [sflag:s30], $0xC80  }
0xdf: {  	[sflag:s30] =	ssyncset.done @!p0 $0x0  }
0xe0: {  	[sflag:s30] =	ssyncadd.s32 @!p0 $0xFFFFF380  }
0xe1: {  	_ =	swait.ge @!p0 [sflag:s30], $0xC80  }
0xe2: {  	[sflag:s30] =	ssyncset.done @!p0 $0x0  }
0xe3: {  	[sflag:s30] =	ssyncadd.s32 @!p0 $0xFFFFF380  }
0xe4: {  	_ =	swait.ge @!p0 [sflag:s30], $0xC80  }
0xe5: {  	[sflag:s30] =	ssyncset.done @!p0 $0x0  }
0xe6: {  	[sflag:s30] =	ssyncadd.s32 @!p0 $0xFFFFF380  }
0xe7: {  	_ =	swait.ge @!p0 [sflag:s30], $0xC80  }
0xe8: {  	[sflag:s30] =	ssyncset.done @!p0 $0x0  }
0xe9: {  	[sflag:s30] =	ssyncadd.s32 @!p0 $0xFFFFF380;
	s30 =	sadd.s32 $0xFFFFFFC8, s4  }
0xea: {  	[tilespmem:s2], [sflag:$0x5] =	stream.linear.gather [hbm4b:s30+s2], $0x1C0, $0x38;
	[tilespmem:$0xCB80] =	vst v63  }
0xeb: {  	_ =	swait.ge [sflag:s6], $0x1C0  }
0xec: {  	[sflag:s6] =	ssyncset.done $0x0  }
0xed: {  	s8 =	simm.s32 $0x380;
	[sflag:s6] =	ssyncadd.s32 $0xFFFFFE40  }
0xee: {  	[tilespmem:s8], [sflag:$0x1] =	stream.indirect.gather [hbm4b:s3+s7], $0x40, s2, s7, $0xb8;
	[tilespmem:$0xCB80] =	vst v63  }
0xef: {  	s9 =	simm.s32 $0x1000;
	s30 =	rddreg [dreg:$0xf]  }
0xf0: {  	[tilespmem:s9], [sflag:$0x1] =	stream.indirect.gather [hbm4b:s3+s7], $0x40, s30, s7, $0xb8;
	[tilespmem:$0xCB80] =	vst v63  }
0xf1: {  	s31 =	rddreg [dreg:$0x10]  }
0xf2: {  	[tilespmem:s10], [sflag:$0x1] =	stream.indirect.gather [hbm4b:s3+s7], $0x40, s31, s7, $0xb8;
	[tilespmem:$0xCB80] =	vst v63  }
0xf3: {  	s30 =	rddreg [dreg:$0x11]  }
0xf4: {  	[tilespmem:s11], [sflag:$0x1] =	stream.indirect.gather [hbm4b:s3+s7], $0x40, s30, s7, $0xb8;
	[tilespmem:$0xCB80] =	vst v63  }
0xf5: {  	s31 =	rddreg [dreg:$0x12]  }
0xf6: {  	[tilespmem:s12], [sflag:$0x1] =	stream.indirect.gather [hbm4b:s3+s7], $0x40, s31, s7, $0xb8;
	[tilespmem:$0xCB80] =	vst v63  }
0xf7: {  	s30 =	rddreg [dreg:$0x13]  }
0xf8: {  	[tilespmem:s13], [sflag:$0x1] =	stream.indirect.gather [hbm4b:s3+s7], $0x40, s30, s7, $0xb8;
	[tilespmem:$0xCB80] =	vst v63  }
0xf9: {  	s31 =	rddreg [dreg:$0x14]  }
0xfa: {  	[tilespmem:s14], [sflag:$0x1] =	stream.indirect.gather [hbm4b:s3+s7], $0x40, s31, s7, $0xb8;
	[tilespmem:$0xCB80] =	vst v63  }
0xfb: {  	s30 =	rddreg [dreg:$0x15];
	s31 =	simm.s32 @!p0 $0x4  }
0xfc: {  	[tilespmem:s15], [sflag:$0x1] =	stream.indirect.gather [hbm4b:s3+s7], $0x40, s30, s7, $0xb8;
	[tilespmem:$0xCB80] =	vst v63  }
0xfd: {  	_ =	swait.ge @!p0 [sflag:s31], $0xC80  }
0xfe: {  	[sflag:s31] =	ssyncset.done @!p0 $0x0  }
0xff: {  	[sflag:s31] =	ssyncadd.s32 @!p0 $0xFFFFF380  }
0x100: {  	_ =	swait.ge @!p0 [sflag:s31], $0xC80  }
0x101: {  	[sflag:s31] =	ssyncset.done @!p0 $0x0  }
0x102: {  	[sflag:s31] =	ssyncadd.s32 @!p0 $0xFFFFF380  }
0x103: {  	_ =	swait.ge @!p0 [sflag:s31], $0xC80  }
0x104: {  	[sflag:s31] =	ssyncset.done @!p0 $0x0  }
0x105: {  	[sflag:s31] =	ssyncadd.s32 @!p0 $0xFFFFF380  }
0x106: {  	_ =	swait.ge @!p0 [sflag:s31], $0xC80  }
0x107: {  	[sflag:s31] =	ssyncset.done @!p0 $0x0  }
0x108: {  	[sflag:s31] =	ssyncadd.s32 @!p0 $0xFFFFF380  }
0x109: {  	_ =	swait.ge @!p0 [sflag:s31], $0xC80  }
0x10a: {  	[sflag:s31] =	ssyncset.done @!p0 $0x0  }
0x10b: {  	[sflag:s31] =	ssyncadd.s32 @!p0 $0xFFFFF380  }
0x10c: {  	_ =	swait.ge @!p0 [sflag:s31], $0xC80  }
0x10d: {  	[sflag:s31] =	ssyncset.done @!p0 $0x0  }
0x10e: {  	[sflag:s31] =	ssyncadd.s32 @!p0 $0xFFFFF380  }
0x10f: {  	_ =	swait.ge @!p0 [sflag:s31], $0xC80  }
0x110: {  	[sflag:s31] =	ssyncset.done @!p0 $0x0  }
0x111: {  	[sflag:s31] =	ssyncadd.s32 @!p0 $0xFFFFF380  }
0x112: {  	_ =	swait.ge @!p0 [sflag:s31], $0xC80  }
0x113: {  	[sflag:s31] =	ssyncset.done @!p0 $0x0  }
0x114: {  	[sflag:s31] =	ssyncadd.s32 @!p0 $0xFFFFF380  }
0x115: {  	[tilespmem:s16], [sflag:$0x5] =	stream.linear.gather [hbm4b:s4+s2], $0x1C0, $0x38;
	[tilespmem:$0xCB80] =	vst v63  }
0x116: {  	_ =	swait.ge [sflag:s6], $0x1C0  }
0x117: {  	[sflag:s6] =	ssyncset.done $0x0  }
0x118: {  	[sflag:s6] =	ssyncadd.s32 $0xFFFFFE40  }
0x119: {  	[tilespmem:s17], [sflag:$0x2] =	stream.indirect.gather [hbm4b:s3+s7], $0x40, s16, s7, $0xb8;
	[tilespmem:$0xCB80] =	vst v63  }
0x11a: {  	s30 =	rddreg [dreg:$0x16]  }
0x11b: {  	[tilespmem:s18], [sflag:$0x2] =	stream.indirect.gather [hbm4b:s3+s7], $0x40, s30, s7, $0xb8;
	[tilespmem:$0xCB80] =	vst v63  }
0x11c: {  	s31 =	rddreg [dreg:$0x17]  }
0x11d: {  	[tilespmem:s19], [sflag:$0x2] =	stream.indirect.gather [hbm4b:s3+s7], $0x40, s31, s7, $0xb8;
	[tilespmem:$0xCB80] =	vst v63  }
0x11e: {  	s30 =	rddreg [dreg:$0x18]  }
0x11f: {  	[tilespmem:s20], [sflag:$0x2] =	stream.indirect.gather [hbm4b:s3+s7], $0x40, s30, s7, $0xb8;
	[tilespmem:$0xCB80] =	vst v63  }
0x120: {  	s31 =	rddreg [dreg:$0x19]  }
0x121: {  	[tilespmem:s21], [sflag:$0x2] =	stream.indirect.gather [hbm4b:s3+s7], $0x40, s31, s7, $0xb8;
	[tilespmem:$0xCB80] =	vst v63  }
0x122: {  	s30 =	rddreg [dreg:$0x1a]  }
0x123: {  	[tilespmem:s22], [sflag:$0x2] =	stream.indirect.gather [hbm4b:s3+s7], $0x40, s30, s7, $0xb8;
	[tilespmem:$0xCB80] =	vst v63  }
0x124: {  	s31 =	rddreg [dreg:$0x1b]  }
0x125: {  	[tilespmem:s23], [sflag:$0x2] =	stream.indirect.gather [hbm4b:s3+s7], $0x40, s31, s7, $0xb8;
	[tilespmem:$0xCB80] =	vst v63  }
0x126: {  	s30 =	rddreg [dreg:$0x1c]  }
0x127: {  	[tilespmem:s24], [sflag:$0x2] =	stream.indirect.gather [hbm4b:s3+s7], $0x40, s30, s7, $0xb8;
	[tilespmem:$0xCB80] =	vst v63  }
0x128: {  	_ =	swait.ge [sflag:s25], $0xC80  }
0x129: {  	[sflag:s25] =	ssyncset.done $0x0  }
0x12a: {  	[sflag:s25] =	ssyncadd.s32 $0xFFFFF380  }
0x12b: {  	_ =	swait.ge [sflag:s25], $0xC80  }
0x12c: {  	[sflag:s25] =	ssyncset.done $0x0  }
0x12d: {  	[sflag:s25] =	ssyncadd.s32 $0xFFFFF380  }
0x12e: {  	_ =	swait.ge [sflag:s25], $0xC80  }
0x12f: {  	[sflag:s25] =	ssyncset.done $0x0  }
0x130: {  	[sflag:s25] =	ssyncadd.s32 $0xFFFFF380  }
0x131: {  	_ =	swait.ge [sflag:s25], $0xC80  }
0x132: {  	[sflag:s25] =	ssyncset.done $0x0  }
0x133: {  	[sflag:s25] =	ssyncadd.s32 $0xFFFFF380  }
0x134: {  	_ =	swait.ge [sflag:s25], $0xC80  }
0x135: {  	[sflag:s25] =	ssyncset.done $0x0  }
0x136: {  	[sflag:s25] =	ssyncadd.s32 $0xFFFFF380  }
0x137: {  	_ =	swait.ge [sflag:s25], $0xC80  }
0x138: {  	[sflag:s25] =	ssyncset.done $0x0  }
0x139: {  	[sflag:s25] =	ssyncadd.s32 $0xFFFFF380  }
0x13a: {  	_ =	swait.ge [sflag:s25], $0xC80  }
0x13b: {  	[sflag:s25] =	ssyncset.done $0x0  }
0x13c: {  	[sflag:s25] =	ssyncadd.s32 $0xFFFFF380  }
0x13d: {  	_ =	swait.ge [sflag:s25], $0xC80  }
0x13e: {  	s30 =	rddreg [dreg:$0x9];
	[sflag:s25] =	ssyncset.done $0x0  }
0x13f: {  	[sflag:s25] =	ssyncadd.s32 $0xFFFFF380;
	s30 =	sadd.s32 s0, s30  }
0x140: {  	[hbm4b:s30+s26] =	stream.strided.scatter [tilespmem:s8], [sflag:$0x3], $0xC80, s28, s26, $0x38;
	[tilespmem:$0xCB80] =	vst v63  }
0x141: {  	s31 =	sadd.s32 $0x380, s30  }
0x142: {  	[hbm4b:s31+s26] =	stream.strided.scatter [tilespmem:s9], [sflag:$0x3], $0xC80, s28, s26, $0x38;
	[tilespmem:$0xCB80] =	vst v63  }
0x143: {  	s8 =	rddreg [dreg:$0xe];
	s31 =	sadd.s32 $0x700, s30  }
0x144: {  	[hbm4b:s31+s26] =	stream.strided.scatter [tilespmem:s10], [sflag:$0x3], $0xC80, s28, s26, $0x38;
	[tilespmem:$0xCB80] =	vst v63  }
0x145: {  	s8 =	sadd.s32 s0, s8;
	s9 =	rddreg [dreg:$0xd]  }
0x146: {  	[hbm4b:s8+s26] =	stream.strided.scatter [tilespmem:s11], [sflag:$0x3], $0xC80, s28, s26, $0x38;
	[tilespmem:$0xCB80] =	vst v63  }
0x147: {  	s31 =	rddreg [dreg:$0xc];
	s8 =	sadd.s32 s0, s9  }
0x148: {  	[hbm4b:s8+s26] =	stream.strided.scatter [tilespmem:s12], [sflag:$0x3], $0xC80, s28, s26, $0x38;
	[tilespmem:$0xCB80] =	vst v63  }
0x149: {  	s9 =	rddreg [dreg:$0xb];
	s8 =	sadd.s32 s0, s31  }
0x14a: {  	[hbm4b:s8+s26] =	stream.strided.scatter [tilespmem:s13], [sflag:$0x3], $0xC80, s28, s26, $0x38;
	[tilespmem:$0xCB80] =	vst v63  }
0x14b: {  	s9 =	sadd.s32 s0, s9;
	s31 =	rddreg [dreg:$0xa]  }
0x14c: {  	[hbm4b:s9+s26] =	stream.strided.scatter [tilespmem:s14], [sflag:$0x3], $0xC80, s28, s26, $0x38;
	[tilespmem:$0xCB80] =	vst v63  }
0x14d: {  	s31 =	sadd.s32 s0, s31  }
0x14e: {  	[hbm4b:s31+s26] =	stream.strided.scatter [tilespmem:s15], [sflag:$0x3], $0xC80, s28, s26, $0x38;
	[tilespmem:$0xCB80] =	vst v63  }
0x14f: {  	_ =	swait.ge [sflag:s29], $0xC80  }
0x150: {  	[sflag:s29] =	ssyncset.done $0x0  }
0x151: {  	[sflag:s29] =	ssyncadd.s32 $0xFFFFF380  }
0x152: {  	_ =	swait.ge [sflag:s29], $0xC80  }
0x153: {  	[sflag:s29] =	ssyncset.done $0x0  }
0x154: {  	[sflag:s29] =	ssyncadd.s32 $0xFFFFF380  }
0x155: {  	_ =	swait.ge [sflag:s29], $0xC80  }
0x156: {  	[sflag:s29] =	ssyncset.done $0x0  }
0x157: {  	[sflag:s29] =	ssyncadd.s32 $0xFFFFF380  }
0x158: {  	_ =	swait.ge [sflag:s29], $0xC80  }
0x159: {  	[sflag:s29] =	ssyncset.done $0x0  }
0x15a: {  	[sflag:s29] =	ssyncadd.s32 $0xFFFFF380  }
0x15b: {  	_ =	swait.ge [sflag:s29], $0xC80  }
0x15c: {  	[sflag:s29] =	ssyncset.done $0x0  }
0x15d: {  	[sflag:s29] =	ssyncadd.s32 $0xFFFFF380  }
0x15e: {  	_ =	swait.ge [sflag:s29], $0xC80  }
0x15f: {  	[sflag:s29] =	ssyncset.done $0x0  }
0x160: {  	[sflag:s29] =	ssyncadd.s32 $0xFFFFF380  }
0x161: {  	_ =	swait.ge [sflag:s29], $0xC80  }
0x162: {  	[sflag:s29] =	ssyncset.done $0x0  }
0x163: {  	[sflag:s29] =	ssyncadd.s32 $0xFFFFF380  }
0x164: {  	_ =	swait.ge [sflag:s29], $0xC80  }
0x165: {  	[sflag:s29] =	ssyncset.done $0x0  }
0x166: {  	s9 =	sadd.s32 $0x1C00, s30;
	[sflag:s29] =	ssyncadd.s32 $0xFFFFF380  }
0x167: {  	[hbm4b:s9+s26] =	stream.strided.scatter [tilespmem:s17], [sflag:$0x4], $0xC80, s28, s26, $0x38;
	[tilespmem:$0xCB80] =	vst v63  }
0x168: {  	s1 =	smov.u32 s5;
	s8 =	rddreg [dreg:$0x8];
	s9 =	sadd.s32 $0x1F80, s30  }
0x169: {  	[hbm4b:s9+s26] =	stream.strided.scatter [tilespmem:s18], [sflag:$0x4], $0xC80, s28, s26, $0x38;
	[tilespmem:$0xCB80] =	vst v63  }
0x16a: {  	s5 =	sadd.s32 $0x3800, s5;
	s31 =	rddreg [dreg:$0x7];
	s8 =	sadd.s32 s0, s8  }
0x16b: {  	[hbm4b:s8+s26] =	stream.strided.scatter [tilespmem:s19], [sflag:$0x4], $0xC80, s28, s26, $0x38;
	[tilespmem:$0xCB80] =	vst v63  }
0x16c: {  	p2 =	seq.s32 s1, $0x0;
	s30 =	rddreg [dreg:$0x6];
	s8 =	sadd.s32 s0, s31  }
0x16d: {  	[hbm4b:s8+s26] =	stream.strided.scatter [tilespmem:s20], [sflag:$0x4], $0xC80, s28, s26, $0x38;
	[tilespmem:$0xCB80] =	vst v63  }
0x16e: {  	p1 =	sne.s32 s5, $0x70000;
	s9 =	rddreg [dreg:$0x5];
	s8 =	sadd.s32 s0, s30  }
0x16f: {  	[hbm4b:s8+s26] =	stream.strided.scatter [tilespmem:s21], [sflag:$0x4], $0xC80, s28, s26, $0x38;
	[tilespmem:$0xCB80] =	vst v63  }
.Ltmp0:
0x170: {  	p0 =	por p2, p2;
	s31 =	rddreg [dreg:$0x4];
	(pc) =	sbr.rel @p1 .LBB2_2-.Ltmp0, $4  }
0x171: {  	s4 =	sadd.s32 $0x70, s4;
	s9 =	sadd.s32 s0, s9;
	s30 =	rddreg [dreg:$0x3]  }
0x172: {  	[hbm4b:s9+s26] =	stream.strided.scatter [tilespmem:s22], [sflag:$0x4], $0xC80, s28, s26, $0x38;
	[tilespmem:$0xCB80] =	vst v63  }
0x173: {  	s31 =	sadd.s32 s0, s31;
	s30 =	sadd.s32 s0, s30;
	s0 =	smov.u32 s1  }
0x174: {  	[hbm4b:s31+s26] =	stream.strided.scatter [tilespmem:s23], [sflag:$0x4], $0xC80, s28, s26, $0x38;
	[tilespmem:$0xCB80] =	vst v63  }
0x175: {  	[hbm4b:s30+s26] =	stream.strided.scatter [tilespmem:s24], [sflag:$0x4], $0xC80, s28, s26, $0x38;
	[tilespmem:$0xCB80] =	vst v63  }
0x176: {  	s1 =	simm.s32 @!p0 $0x3  }
0x177: {  	_ =	swait.ge @!p0 [sflag:s1], $0xC80  }
0x178: {  	[sflag:s1] =	ssyncset.done @!p0 $0x0  }
0x179: {  	[sflag:s1] =	ssyncadd.s32 @!p0 $0xFFFFF380  }
0x17a: {  	_ =	swait.ge @!p0 [sflag:s1], $0xC80  }
0x17b: {  	[sflag:s1] =	ssyncset.done @!p0 $0x0  }
0x17c: {  	[sflag:s1] =	ssyncadd.s32 @!p0 $0xFFFFF380  }
0x17d: {  	_ =	swait.ge @!p0 [sflag:s1], $0xC80  }
0x17e: {  	[sflag:s1] =	ssyncset.done @!p0 $0x0  }
0x17f: {  	[sflag:s1] =	ssyncadd.s32 @!p0 $0xFFFFF380  }
0x180: {  	_ =	swait.ge @!p0 [sflag:s1], $0xC80  }
0x181: {  	[sflag:s1] =	ssyncset.done @!p0 $0x0  }
0x182: {  	[sflag:s1] =	ssyncadd.s32 @!p0 $0xFFFFF380  }
0x183: {  	_ =	swait.ge @!p0 [sflag:s1], $0xC80  }
0x184: {  	[sflag:s1] =	ssyncset.done @!p0 $0x0  }
0x185: {  	[sflag:s1] =	ssyncadd.s32 @!p0 $0xFFFFF380  }
0x186: {  	_ =	swait.ge @!p0 [sflag:s1], $0xC80  }
0x187: {  	[sflag:s1] =	ssyncset.done @!p0 $0x0  }
0x188: {  	[sflag:s1] =	ssyncadd.s32 @!p0 $0xFFFFF380  }
0x189: {  	_ =	swait.ge @!p0 [sflag:s1], $0xC80  }
0x18a: {  	[sflag:s1] =	ssyncset.done @!p0 $0x0  }
0x18b: {  	[sflag:s1] =	ssyncadd.s32 @!p0 $0xFFFFF380  }
0x18c: {  	_ =	swait.ge @!p0 [sflag:s1], $0xC80  }
0x18d: {  	[sflag:s1] =	ssyncset.done @!p0 $0x0  }
0x18e: {  	s9 =	sadd.s32 $0xFFFFFFC8, s4;
	[sflag:s1] =	ssyncadd.s32 @!p0 $0xFFFFF380  }
0x18f: {  	[tilespmem:s2], [sflag:$0x5] =	stream.linear.gather [hbm4b:s9+s2], $0x1C0, $0x38;
	[tilespmem:$0xCB80] =	vst v63  }
0x190: {  	_ =	swait.ge [sflag:s6], $0x1C0  }
0x191: {  	[sflag:s6] =	ssyncset.done $0x0  }
0x192: {  	s8 =	simm.s32 $0x380;
	[sflag:s6] =	ssyncadd.s32 $0xFFFFFE40  }
0x193: {  	[tilespmem:s8], [sflag:$0x1] =	stream.indirect.gather [hbm4b:s3+s7], $0x40, s2, s7, $0xb8;
	[tilespmem:$0xCB80] =	vst v63  }
0x194: {  	s9 =	simm.s32 $0x1000;
	s30 =	rddreg [dreg:$0xf]  }
0x195: {  	[tilespmem:s9], [sflag:$0x1] =	stream.indirect.gather [hbm4b:s3+s7], $0x40, s30, s7, $0xb8;
	[tilespmem:$0xCB80] =	vst v63  }
0x196: {  	s5 =	rddreg [dreg:$0x10]  }
0x197: {  	[tilespmem:s10], [sflag:$0x1] =	stream.indirect.gather [hbm4b:s3+s7], $0x40, s5, s7, $0xb8;
	[tilespmem:$0xCB80] =	vst v63  }
0x198: {  	s31 =	rddreg [dreg:$0x11]  }
0x199: {  	[tilespmem:s11], [sflag:$0x1] =	stream.indirect.gather [hbm4b:s3+s7], $0x40, s31, s7, $0xb8;
	[tilespmem:$0xCB80] =	vst v63  }
0x19a: {  	s30 =	rddreg [dreg:$0x12]  }
0x19b: {  	[tilespmem:s12], [sflag:$0x1] =	stream.indirect.gather [hbm4b:s3+s7], $0x40, s30, s7, $0xb8;
	[tilespmem:$0xCB80] =	vst v63  }
0x19c: {  	s31 =	rddreg [dreg:$0x13]  }
0x19d: {  	[tilespmem:s13], [sflag:$0x1] =	stream.indirect.gather [hbm4b:s3+s7], $0x40, s31, s7, $0xb8;
	[tilespmem:$0xCB80] =	vst v63  }
0x19e: {  	s30 =	rddreg [dreg:$0x14]  }
0x19f: {  	[tilespmem:s14], [sflag:$0x1] =	stream.indirect.gather [hbm4b:s3+s7], $0x40, s30, s7, $0xb8;
	[tilespmem:$0xCB80] =	vst v63  }
0x1a0: {  	s5 =	simm.s32 @!p0 $0x4;
	s31 =	rddreg [dreg:$0x15]  }
0x1a1: {  	[tilespmem:s15], [sflag:$0x1] =	stream.indirect.gather [hbm4b:s3+s7], $0x40, s31, s7, $0xb8;
	[tilespmem:$0xCB80] =	vst v63  }
0x1a2: {  	_ =	swait.ge @!p0 [sflag:s5], $0xC80  }
0x1a3: {  	[sflag:s5] =	ssyncset.done @!p0 $0x0  }
0x1a4: {  	[sflag:s5] =	ssyncadd.s32 @!p0 $0xFFFFF380  }
0x1a5: {  	_ =	swait.ge @!p0 [sflag:s5], $0xC80  }
0x1a6: {  	[sflag:s5] =	ssyncset.done @!p0 $0x0  }
0x1a7: {  	[sflag:s5] =	ssyncadd.s32 @!p0 $0xFFFFF380  }
0x1a8: {  	_ =	swait.ge @!p0 [sflag:s5], $0xC80  }
0x1a9: {  	[sflag:s5] =	ssyncset.done @!p0 $0x0  }
0x1aa: {  	[sflag:s5] =	ssyncadd.s32 @!p0 $0xFFFFF380  }
0x1ab: {  	_ =	swait.ge @!p0 [sflag:s5], $0xC80  }
0x1ac: {  	[sflag:s5] =	ssyncset.done @!p0 $0x0  }
0x1ad: {  	[sflag:s5] =	ssyncadd.s32 @!p0 $0xFFFFF380  }
0x1ae: {  	_ =	swait.ge @!p0 [sflag:s5], $0xC80  }
0x1af: {  	[sflag:s5] =	ssyncset.done @!p0 $0x0  }
0x1b0: {  	[sflag:s5] =	ssyncadd.s32 @!p0 $0xFFFFF380  }
0x1b1: {  	_ =	swait.ge @!p0 [sflag:s5], $0xC80  }
0x1b2: {  	[sflag:s5] =	ssyncset.done @!p0 $0x0  }
0x1b3: {  	[sflag:s5] =	ssyncadd.s32 @!p0 $0xFFFFF380  }
0x1b4: {  	_ =	swait.ge @!p0 [sflag:s5], $0xC80  }
0x1b5: {  	[sflag:s5] =	ssyncset.done @!p0 $0x0  }
0x1b6: {  	[sflag:s5] =	ssyncadd.s32 @!p0 $0xFFFFF380  }
0x1b7: {  	_ =	swait.ge @!p0 [sflag:s5], $0xC80  }
0x1b8: {  	[sflag:s5] =	ssyncset.done @!p0 $0x0  }
0x1b9: {  	[sflag:s5] =	ssyncadd.s32 @!p0 $0xFFFFF380  }
0x1ba: {  	[tilespmem:s16], [sflag:$0x5] =	stream.linear.gather [hbm4b:s4+s2], $0x1C0, $0x38;
	[tilespmem:$0xCB80] =	vst v63  }
0x1bb: {  	_ =	swait.ge [sflag:s6], $0x1C0  }
0x1bc: {  	[sflag:s6] =	ssyncset.done $0x0  }
0x1bd: {  	[sflag:s6] =	ssyncadd.s32 $0xFFFFFE40  }
0x1be: {  	[tilespmem:s17], [sflag:$0x2] =	stream.indirect.gather [hbm4b:s3+s7], $0x40, s16, s7, $0xb8;
	[tilespmem:$0xCB80] =	vst v63  }
0x1bf: {  	s4 =	rddreg [dreg:$0x16]  }
0x1c0: {  	[tilespmem:s18], [sflag:$0x2] =	stream.indirect.gather [hbm4b:s3+s7], $0x40, s4, s7, $0xb8;
	[tilespmem:$0xCB80] =	vst v63  }
0x1c1: {  	s5 =	rddreg [dreg:$0x17]  }
0x1c2: {  	[tilespmem:s19], [sflag:$0x2] =	stream.indirect.gather [hbm4b:s3+s7], $0x40, s5, s7, $0xb8;
	[tilespmem:$0xCB80] =	vst v63  }
0x1c3: {  	s30 =	rddreg [dreg:$0x18]  }
0x1c4: {  	[tilespmem:s20], [sflag:$0x2] =	stream.indirect.gather [hbm4b:s3+s7], $0x40, s30, s7, $0xb8;
	[tilespmem:$0xCB80] =	vst v63  }
0x1c5: {  	s31 =	rddreg [dreg:$0x19]  }
0x1c6: {  	[tilespmem:s21], [sflag:$0x2] =	stream.indirect.gather [hbm4b:s3+s7], $0x40, s31, s7, $0xb8;
	[tilespmem:$0xCB80] =	vst v63  }
0x1c7: {  	s5 =	rddreg [dreg:$0x1a]  }
0x1c8: {  	[tilespmem:s22], [sflag:$0x2] =	stream.indirect.gather [hbm4b:s3+s7], $0x40, s5, s7, $0xb8;
	[tilespmem:$0xCB80] =	vst v63  }
0x1c9: {  	s30 =	rddreg [dreg:$0x1b]  }
0x1ca: {  	[tilespmem:s23], [sflag:$0x2] =	stream.indirect.gather [hbm4b:s3+s7], $0x40, s30, s7, $0xb8;
	[tilespmem:$0xCB80] =	vst v63  }
0x1cb: {  	s31 =	rddreg [dreg:$0x1c]  }
0x1cc: {  	[tilespmem:s24], [sflag:$0x2] =	stream.indirect.gather [hbm4b:s3+s7], $0x40, s31, s7, $0xb8;
	[tilespmem:$0xCB80] =	vst v63  }
0x1cd: {  	_ =	swait.ge [sflag:s25], $0xC80  }
0x1ce: {  	[sflag:s25] =	ssyncset.done $0x0  }
0x1cf: {  	[sflag:s25] =	ssyncadd.s32 $0xFFFFF380  }
0x1d0: {  	_ =	swait.ge [sflag:s25], $0xC80  }
0x1d1: {  	[sflag:s25] =	ssyncset.done $0x0  }
0x1d2: {  	[sflag:s25] =	ssyncadd.s32 $0xFFFFF380  }
0x1d3: {  	_ =	swait.ge [sflag:s25], $0xC80  }
0x1d4: {  	[sflag:s25] =	ssyncset.done $0x0  }
0x1d5: {  	[sflag:s25] =	ssyncadd.s32 $0xFFFFF380  }
0x1d6: {  	_ =	swait.ge [sflag:s25], $0xC80  }
0x1d7: {  	[sflag:s25] =	ssyncset.done $0x0  }
0x1d8: {  	[sflag:s25] =	ssyncadd.s32 $0xFFFFF380  }
0x1d9: {  	_ =	swait.ge [sflag:s25], $0xC80  }
0x1da: {  	[sflag:s25] =	ssyncset.done $0x0  }
0x1db: {  	[sflag:s25] =	ssyncadd.s32 $0xFFFFF380  }
0x1dc: {  	_ =	swait.ge [sflag:s25], $0xC80  }
0x1dd: {  	[sflag:s25] =	ssyncset.done $0x0  }
0x1de: {  	[sflag:s25] =	ssyncadd.s32 $0xFFFFF380  }
0x1df: {  	_ =	swait.ge [sflag:s25], $0xC80  }
0x1e0: {  	[sflag:s25] =	ssyncset.done $0x0  }
0x1e1: {  	[sflag:s25] =	ssyncadd.s32 $0xFFFFF380  }
0x1e2: {  	_ =	swait.ge [sflag:s25], $0xC80  }
0x1e3: {  	s5 =	rddreg [dreg:$0x9];
	[sflag:s25] =	ssyncset.done $0x0  }
0x1e4: {  	[sflag:s25] =	ssyncadd.s32 $0xFFFFF380;
	s1 =	sadd.s32 s0, s5  }
0x1e5: {  	[hbm4b:s1+s26] =	stream.strided.scatter [tilespmem:s8], [sflag:$0x3], $0xC80, s28, s26, $0x38;
	[tilespmem:$0xCB80] =	vst v63  }
0x1e6: {  	s30 =	sadd.s32 $0x380, s1  }
0x1e7: {  	[hbm4b:s30+s26] =	stream.strided.scatter [tilespmem:s9], [sflag:$0x3], $0xC80, s28, s26, $0x38;
	[tilespmem:$0xCB80] =	vst v63  }
0x1e8: {  	s31 =	rddreg [dreg:$0xe];
	s8 =	sadd.s32 $0x700, s1  }
0x1e9: {  	[hbm4b:s8+s26] =	stream.strided.scatter [tilespmem:s10], [sflag:$0x3], $0xC80, s28, s26, $0x38;
	[tilespmem:$0xCB80] =	vst v63  }
0x1ea: {  	s5 =	sadd.s32 s0, s31;
	s9 =	rddreg [dreg:$0xd]  }
0x1eb: {  	[hbm4b:s5+s26] =	stream.strided.scatter [tilespmem:s11], [sflag:$0x3], $0xC80, s28, s26, $0x38;
	[tilespmem:$0xCB80] =	vst v63  }
0x1ec: {  	s30 =	rddreg [dreg:$0xc];
	s4 =	sadd.s32 s0, s9  }
0x1ed: {  	[hbm4b:s4+s26] =	stream.strided.scatter [tilespmem:s12], [sflag:$0x3], $0xC80, s28, s26, $0x38;
	[tilespmem:$0xCB80] =	vst v63  }
0x1ee: {  	s31 =	rddreg [dreg:$0xb];
	s5 =	sadd.s32 s0, s30  }
0x1ef: {  	[hbm4b:s5+s26] =	stream.strided.scatter [tilespmem:s13], [sflag:$0x3], $0xC80, s28, s26, $0x38;
	[tilespmem:$0xCB80] =	vst v63  }
0x1f0: {  	s8 =	rddreg [dreg:$0xa];
	s4 =	sadd.s32 s0, s31  }
0x1f1: {  	[hbm4b:s4+s26] =	stream.strided.scatter [tilespmem:s14], [sflag:$0x3], $0xC80, s28, s26, $0x38;
	[tilespmem:$0xCB80] =	vst v63  }
0x1f2: {  	s9 =	sadd.s32 s0, s8  }
0x1f3: {  	[hbm4b:s9+s26] =	stream.strided.scatter [tilespmem:s15], [sflag:$0x3], $0xC80, s28, s26, $0x38;
	[tilespmem:$0xCB80] =	vst v63  }
0x1f4: {  	_ =	swait.ge [sflag:s29], $0xC80  }
0x1f5: {  	[sflag:s29] =	ssyncset.done $0x0  }
0x1f6: {  	[sflag:s29] =	ssyncadd.s32 $0xFFFFF380  }
0x1f7: {  	_ =	swait.ge [sflag:s29], $0xC80  }
0x1f8: {  	[sflag:s29] =	ssyncset.done $0x0  }
0x1f9: {  	[sflag:s29] =	ssyncadd.s32 $0xFFFFF380  }
0x1fa: {  	_ =	swait.ge [sflag:s29], $0xC80  }
0x1fb: {  	[sflag:s29] =	ssyncset.done $0x0  }
0x1fc: {  	[sflag:s29] =	ssyncadd.s32 $0xFFFFF380  }
0x1fd: {  	_ =	swait.ge [sflag:s29], $0xC80  }
0x1fe: {  	[sflag:s29] =	ssyncset.done $0x0  }
0x1ff: {  	[sflag:s29] =	ssyncadd.s32 $0xFFFFF380  }
0x200: {  	_ =	swait.ge [sflag:s29], $0xC80  }
0x201: {  	[sflag:s29] =	ssyncset.done $0x0  }
0x202: {  	[sflag:s29] =	ssyncadd.s32 $0xFFFFF380  }
0x203: {  	_ =	swait.ge [sflag:s29], $0xC80  }
0x204: {  	[sflag:s29] =	ssyncset.done $0x0  }
0x205: {  	[sflag:s29] =	ssyncadd.s32 $0xFFFFF380  }
0x206: {  	_ =	swait.ge [sflag:s29], $0xC80  }
0x207: {  	[sflag:s29] =	ssyncset.done $0x0  }
0x208: {  	[sflag:s29] =	ssyncadd.s32 $0xFFFFF380  }
0x209: {  	_ =	swait.ge [sflag:s29], $0xC80  }
0x20a: {  	[sflag:s29] =	ssyncset.done $0x0  }
0x20b: {  	s30 =	sadd.s32 $0x1C00, s1;
	[sflag:s29] =	ssyncadd.s32 $0xFFFFF380  }
0x20c: {  	[hbm4b:s30+s26] =	stream.strided.scatter [tilespmem:s17], [sflag:$0x4], $0xC80, s28, s26, $0x38;
	[tilespmem:$0xCB80] =	vst v63  }
0x20d: {  	s1 =	sadd.s32 $0x1F80, s1;
	s31 =	rddreg [dreg:$0x8]  }
0x20e: {  	[hbm4b:s1+s26] =	stream.strided.scatter [tilespmem:s18], [sflag:$0x4], $0xC80, s28, s26, $0x38;
	[tilespmem:$0xCB80] =	vst v63  }
0x20f: {  	s5 =	rddreg [dreg:$0x7];
	s4 =	sadd.s32 s0, s31  }
0x210: {  	[hbm4b:s4+s26] =	stream.strided.scatter [tilespmem:s19], [sflag:$0x4], $0xC80, s28, s26, $0x38;
	[tilespmem:$0xCB80] =	vst v63  }
0x211: {  	s8 =	rddreg [dreg:$0x6];
	s1 =	sadd.s32 s0, s5  }
0x212: {  	[hbm4b:s1+s26] =	stream.strided.scatter [tilespmem:s20], [sflag:$0x4], $0xC80, s28, s26, $0x38;
	[tilespmem:$0xCB80] =	vst v63  }
0x213: {  	s9 =	rddreg [dreg:$0x5];
	s4 =	sadd.s32 s0, s8  }
0x214: {  	[hbm4b:s4+s26] =	stream.strided.scatter [tilespmem:s21], [sflag:$0x4], $0xC80, s28, s26, $0x38;
	[tilespmem:$0xCB80] =	vst v63  }
0x215: {  	s30 =	rddreg [dreg:$0x4];
	s1 =	sadd.s32 s0, s9  }
0x216: {  	[hbm4b:s1+s26] =	stream.strided.scatter [tilespmem:s22], [sflag:$0x4], $0xC80, s28, s26, $0x38;
	[tilespmem:$0xCB80] =	vst v63  }
0x217: {  	s31 =	rddreg [dreg:$0x3];
	s4 =	sadd.s32 s0, s30  }
0x218: {  	[hbm4b:s4+s26] =	stream.strided.scatter [tilespmem:s23], [sflag:$0x4], $0xC80, s28, s26, $0x38;
	[tilespmem:$0xCB80] =	vst v63  }
0x219: {  	s5 =	sadd.s32 s0, s31;
	s8 =	simm.s32 $0x3  }
0x21a: {  	[hbm4b:s5+s26] =	stream.strided.scatter [tilespmem:s24], [sflag:$0x4], $0xC80, s28, s26, $0x38;
	[tilespmem:$0xCB80] =	vst v63  }
0x21b: {  	_ =	swait.ge [sflag:s8], $0xC80  }
0x21c: {  	[sflag:s8] =	ssyncset.done $0x0  }
0x21d: {  	[sflag:s8] =	ssyncadd.s32 $0xFFFFF380  }
0x21e: {  	_ =	swait.ge [sflag:s8], $0xC80  }
0x21f: {  	[sflag:s8] =	ssyncset.done $0x0  }
0x220: {  	[sflag:s8] =	ssyncadd.s32 $0xFFFFF380  }
0x221: {  	_ =	swait.ge [sflag:s8], $0xC80  }
0x222: {  	[sflag:s8] =	ssyncset.done $0x0  }
0x223: {  	[sflag:s8] =	ssyncadd.s32 $0xFFFFF380  }
0x224: {  	_ =	swait.ge [sflag:s8], $0xC80  }
0x225: {  	[sflag:s8] =	ssyncset.done $0x0  }
0x226: {  	[sflag:s8] =	ssyncadd.s32 $0xFFFFF380  }
0x227: {  	_ =	swait.ge [sflag:s8], $0xC80  }
0x228: {  	[sflag:s8] =	ssyncset.done $0x0  }
0x229: {  	[sflag:s8] =	ssyncadd.s32 $0xFFFFF380  }
0x22a: {  	_ =	swait.ge [sflag:s8], $0xC80  }
0x22b: {  	[sflag:s8] =	ssyncset.done $0x0  }
0x22c: {  	[sflag:s8] =	ssyncadd.s32 $0xFFFFF380  }
0x22d: {  	_ =	swait.ge [sflag:s8], $0xC80  }
0x22e: {  	[sflag:s8] =	ssyncset.done $0x0  }
0x22f: {  	[sflag:s8] =	ssyncadd.s32 $0xFFFFF380  }
0x230: {  	_ =	swait.ge [sflag:s8], $0xC80  }
0x231: {  	[sflag:s8] =	ssyncset.done $0x0  }
0x232: {  	s9 =	simm.s32 $0x4;
	[sflag:s8] =	ssyncadd.s32 $0xFFFFF380  }
0x233: {  	_ =	swait.ge [sflag:s9], $0xC80  }
0x234: {  	[sflag:s9] =	ssyncset.done $0x0  }
0x235: {  	[sflag:s9] =	ssyncadd.s32 $0xFFFFF380  }
0x236: {  	_ =	swait.ge [sflag:s9], $0xC80  }
0x237: {  	[sflag:s9] =	ssyncset.done $0x0  }
0x238: {  	[sflag:s9] =	ssyncadd.s32 $0xFFFFF380  }
0x239: {  	_ =	swait.ge [sflag:s9], $0xC80  }
0x23a: {  	[sflag:s9] =	ssyncset.done $0x0  }
0x23b: {  	[sflag:s9] =	ssyncadd.s32 $0xFFFFF380  }
0x23c: {  	_ =	swait.ge [sflag:s9], $0xC80  }
0x23d: {  	[sflag:s9] =	ssyncset.done $0x0  }
0x23e: {  	[sflag:s9] =	ssyncadd.s32 $0xFFFFF380  }
0x23f: {  	_ =	swait.ge [sflag:s9], $0xC80  }
0x240: {  	[sflag:s9] =	ssyncset.done $0x0  }
0x241: {  	[sflag:s9] =	ssyncadd.s32 $0xFFFFF380  }
0x242: {  	_ =	swait.ge [sflag:s9], $0xC80  }
0x243: {  	[sflag:s9] =	ssyncset.done $0x0  }
0x244: {  	[sflag:s9] =	ssyncadd.s32 $0xFFFFF380  }
0x245: {  	_ =	swait.ge [sflag:s9], $0xC80  }
0x246: {  	[sflag:s9] =	ssyncset.done $0x0  }
0x247: {  	[sflag:s9] =	ssyncadd.s32 $0xFFFFF380  }
0x248: {  	_ =	swait.ge [sflag:s9], $0xC80  }
0x249: {  	s30 =	rddreg [dreg:$0x1f]  }
0x24a: {  	s31 =	rddreg [dreg:$0x1d];
	s4 =	sadd.s32 $0x1, s30  }
0x24b: {  	p0 =	sne.s32 s4, s31  }
.Ltmp1:
0x24c: {  	_ = 	snop;
	(pc) =	sbr.rel @p0 .LBB2_1-.Ltmp1, $3  }
0x24d: {  	_ =	sdelay $0x1  }
0x24e: {  	[sflag:s9] =	ssyncset.done $0x0  }
0x24f: {  	[sflag:s9] =	ssyncadd.s32 $0xFFFFF380  }
0x250: {  	_ =	sfence.sel $0x180000  }
0x251: {  	[bflag:$0x0] =	sbarrier.arrive $0xFFFF  }
0x252: {  	_ =	strace $0x90000047  }
0x253: {  	s0 =	stileid.u32;
	[bflag:$0x2] =	sbarrier.arrive $0xFFFF  }
0x254: {  	p0 =	sne.s32 s0, $0x0;
	s0 =	rddreg [dreg:$0x2]  }
0x255: {  	s0 =	sadd.s32 @!p0 $0x100000, s0  }
0x256: {  	[sflag:s0] =	ssyncadd.tile.s32 @!p0 $0x1;
	_ =	shalt  }
.Lfunc_end2:
_tile_overlayer_lowered:
.L_overlay_start_2:
0x257: {  	(tag) =	ssettag $0x2  }
0x258: {  	s0 =	rddreg [dreg:$0x0];
	s2 =	stileid.u32  }
0x259: {  	s1 =	rddreg [dreg:$0x1];
	p0 =	sne.s32 s2, $0x0  }
0x25a: {  	s3 =	rddreg [dreg:$0x2];
	[bflag:$0x3] =	sbarrier.arrive $0xFFFF;
	s2 =	simm.s32 @!p0 $0x1C05  }
0x25b: {  	[timem:s3], [sflag:s2] =	dma.local @!p0 [hbm:s0], s1  }
0x25c: {  	s0 =	simm.s32 @!p0 $0x5  }
0x25d: {  	_ =	swait.ge @!p0 [sflag:s0], s1  }
0x25e: {  	s1 =	ssub.s32 @!p0 $0x0, s1;
	[sflag:s0] =	ssyncset.done @!p0 $0x0  }
0x25f: {  	[sflag:s0] =	ssyncadd.s32 @!p0 s1  }
0x260: {  	[bflag:$0x3] =	sbarrier.arrive $0xFFFF  }
0x261: {  	_ =	shalt  }

// kernel: sparse-core-data-format-call.cloned.1.call-start
scs
called_computation_lowered:
.L_overlay_start_0:
0x0: {  	s2 =	sld [smem:$0x3FD9]  }
0x1: {  	s3 =	sld [smem:$0x3FFE];
	_ =	sdelay $0x1  }
0x2: {  	s1 =	srdreg.scid  }
0x3: {  	s0 =	sand.u32 $0x1, s1  }
0x4: {  	s18 =	sshll.u32 s0, $0xA;
	s2 =	sadd.s32 s3, s2  }
0x5: {  	s2 =	sadd.s32 s2, s18  }
0x6: {  	[smem:$0x3FC6] =	sst s2  }
0x7: {  	_ = 	snop  }
0x8: {  	s2 =	sld [smem:$0x3FD0];
	(tm) =	ssettm $0x1  }
0x9: {  	s19 =	sld [smem:$0x3FFB];
	_ =	sdelay $0x3  }
0xa: {  	_ =	strace s19  }
0xb: {  	s3 =	sld [smem:$0x3FFC];
	_ =	sdelay $0x3  }
0xc: {  	_ =	strace s3  }
0xd: {  	s3 =	sld [smem:$0x3FFD];
	_ =	sdelay $0x3  }
0xe: {  	_ =	strace s3  }
0xf: {  	_ =	strace $0x8FFFFFFF  }
0x10: {  	s20 =	sld [smem:$0x3FDB];
	_ =	sdelay $0x1  }
0x11: {  	s4 =	simm.s32 $_scs_section_size  }
0x12: {  	s5 =	simm.s32 $_size__tile_overlayer_lowered;
	s6 =	simm.s32 $_tile_overlayer_lowered  }
0x13: {  	s23 =	simm.s32 $0x1BFF;
	s22 =	sshll.u32 s6, $0x1;
	s3 =	sadd.s32 s4, s20  }
0x14: {  	s7 =	simm.s32 $0x0;
	s21 =	sshll.u32 s5, $0x1;
	s5 =	sadd.s32 s22, s3  }
0x15: {  	[timem:s7], [sflag:s23] =	dma.local [hbm:s5], s21  }
0x16: {  	_ =	swait.ge [sflag:s23], s21  }
0x17: {  	s4 =	ssub.s32 $0x0, s21;
	[sflag:s23] =	ssyncset.done $0x0  }
0x18: {  	[sflag:s23] =	ssyncadd.s32 s4;
	_ =	sdelay $0x1  }
0x19: {  	s24 =	simm.s32 $0x1B8B  }
0x1a: {  	_ =	swait.ge [sflag:s24], $0x1  }
0x1b: {  	[sflag:s24] =	ssyncset.done $0x0  }
0x1c: {  	s26 =	simm.s32 $0x1B8E;
	s25 =	sld [smem:$0x3FFE];
	[sflag:s24] =	ssyncadd.s32 $0xFFFFFFFF  }
0x1d: {  	s27 =	simm.s32 $execute0_lowered;
	[smem:$0x3FD2] =	sst s26  }
0x1e: {  	s5 =	sshll.u32 s27, $0x1;
	_ =	strace $0x80000049;
	[dreg:$0x1] =	wrdreg $0xFFFFFFFF  }
0x1f: {  	s28 =	simm.s32 $_size_execute0_lowered;
	s3 =	sadd.s32 s3, s5;
	[dreg:$0x0] =	wrdreg $0x0  }
0x20: {  	s5 =	sshll.u32 s28, $0x1;
	[dreg:$0x2] =	wrdreg s3  }
0x21: {  	[dreg:$0x3] =	wrdreg s5  }
0x22: {  	[dreg:$0x4] =	wrdreg $0xC0  }
0x23: {  	_ =	task [dreg:s7], $0x5FFFF  }
0x24: {  	[dreg:$0x1] =	wrdreg $0xFFFFFFFF  }
0x25: {  	[dreg:$0x0] =	wrdreg $0x60  }
0x26: {  	[dreg:$0x2] =	wrdreg s25  }
0x27: {  	[dreg:$0x3] =	wrdreg s2  }
0x28: {  	[dreg:$0x4] =	wrdreg $0x9  }
0x29: {  	_ =	task.clear_ibuf [dreg:s7], $0x5FFFF;
	_ =	strace $0x90000049  }
0x2a: {  	s29 =	simm.s32 $0x9;
	_ =	strace $0x8000004B  }
0x2b: {  	_ =	swait.ge [sflag:s29], $0x1  }
0x2c: {  	[sflag:s29] =	ssyncadd.s32 $0xFFFFFFFF  }
0x2d: {  	_ =	strace $0x9000004B  }
0x2e: {  	_ =	sfence  }
0x2f: {  	s30 =	sld [smem:$0x0];
	_ =	sdelay $0x2  }
0x30: {  	s31 =	sshll.u32 s1, $0xD;
	s1 =	sshrl.u32 s1, $0x2  }
0x31: {  	s3 =	sand.u32 $0x4000, s31;
	s1 =	sadd.s32 s1, s30  }
0x32: {  	s0 =	sor.u32 s3, s0;
	s1 =	sshll.u32 s1, $0x11  }
0x33: {  	s0 =	sor.u32 s1, s0  }
0x34: {  	s0 =	sadd.s32 $0x8F2B, s0  }
0x35: {  	[sflag:s0] =	ssyncadd.remote.s32 $0x1  }
0x36: {  	_ =	sfence.sel $0xFFFF  }
0x37: {  	[dreg:$0x0] =	wrdreg $0xFFFFFFFF;
	(pc) =	sbr.abs _section_cstart, $3  }
0x38: {  	[dreg:$0x1] =	wrdreg $0xFFFFFFFF  }
0x39: {  	_ =	task.clear_ibuf [dreg:s7], $0x2FFFF;
	_ =	strace $0x9FFFFFFF  }
0x3a: {  	(tm) =	ssettm $0x7FFFFFFF  }
0x3b: {  	_ =	shalt  }
tec
execute0_lowered:
.L_overlay_start_1:
0x0: {  	(tag) =	ssettag $0x1  }
0x1: {  	s0 =	srdreg.scid  }
0x2: {  	s1 =	sshll.u32 s0, $0x4  }
0x3: {  	s0 =	stileid.u32;
	s1 =	sand.u32 $0x10, s1  }
0x4: {  	s1 =	sor.u32 s0, s1  }
0x5: {  	s6 =	rddreg [dreg:$0x0];
	s4 =	simm.s32 $0x1;
	s2 =	sshll.u32 s1, $0x7  }
0x6: {  	s7 =	simm.s32 $0x2;
	s12 =	simm.s32 $0x0;
	s1 =	ssub.s32 $0x4000, s2  }
0x7: {  	s8 =	simm.s32 $0x20000;
	s13 =	simm.s32 $0x0;
	s3 =	sand.u32 $0xF80, s1  }
0x8: {  	s9 =	simm.s32 $0x0;
	s5 =	sshrl.u32 s1, $0xC;
	p0 =	sne.s32 s3, $0x0  }
.Ltmp0:
0x9: {  	s1 =	rddreg [dreg:$0x2];
	s4 =	simm.s32 @!p0 $0x0;
	(pc) =	sbr.rel .LBB1_1-.Ltmp0, $4  }
0xa: {  	s11 =	simm.s32 $0x0;
	s3 =	rddreg [dreg:$0x1];
	s5 =	sadd.s32 s4, s5  }
0xb: {  	_ =	strace $0x8000004A;
	s4 =	simm.s32 $0x1;
	s5 =	smul.u32 $0x32, s5  }
0xc: {  	s6 =	sadd.s32 $0xA00, s6;
	s10 =	smov.u32 s2;
	[sflag:s4] =	ssyncpa.u1 $0x0  }
0xd: {  	p0 =	por $0x0, $0x0;
	[sflag:s7] =	ssyncpa.u1 $0x0;
	s7 =	sor.u32 $0x1, s5  }
.LBB1_4:
0xe: {  	s16 =	sshll.u32 s13, $0x3;
	s17 =	sand.u32 $0x78, s13  }
0xf: {  	s30 =	sand.u32 $0x1F800, s13;
	s12 =	sshll.u32 s12, $0x11;
	s16 =	sand.u32 $0x3C00, s16  }
0x10: {  	[tilespmem:s15+$0x810 ss:$0x81] =	vst.msk $0xffff, v2;
	s31 =	sand.u32 $0x7, s13;
	s16 =	sor.u32 s17, s16;
	s17 =	sadd.s32 s3, s30  }
0x11: {  	[tilespmem:s15+$0x1020 ss:$0x81] =	vst.msk $0xffff, v0;
	s13 =	sshll.u32 s31, $0x12;
	s12 =	sadd.s32 s12, s17;
	s16 =	sshrl.u32 s16, $0x3  }
0x12: {  	[tilespmem:s15+$0x0 ss:$0x81] =	vst.msk $0xffff, v1;
	s13 =	sor.u32 $0x400, s13;
	s12 =	sadd.s32 s16, s12  }
0x13: {  	[hbm4b:s12+s13] =	stream.strided.scatter [tilespmem:s14], [sflag:$0x2], $0x2000, s8, s13, $0x20;
	[tilespmem:$0x8080] =	vst v63  }
.LBB1_5:
0x14: {  	s14 =	sadd.s32 $0x1, s9  }
0x15: {  	s12 =	sadd.s32 $0x1000, s10;
	s16 =	smov.u32 s10;
	p2 =	sgt.s32 s14, $0x31  }
0x16: {  	s16 =	smov.u32 @p2 s12  }
0x17: {  	s14 =	simm.s32 @p2 $0x0;
	p2 =	sgt.s32 s16, $0x3FFF  }
0x18: {  	s16 =	smov.u32 @p2 s2;
	p2 =	sne.s32 s11, s7  }
.Ltmp1:
0x19: {  	p1 =	slt.u32 s11, $0x2;
	(pc) =	sbr.rel @!p2 .LBB1_6-.Ltmp1, $4  }
0x1a: {  	s15 =	simm.s32 @!p1 $0x2  }
0x1b: {  	s13 =	smov.u32 s10;
	p0 =	por !p0, !p0;
	_ =	swait.ge @!p1 [sflag:s15], $0x2000  }
0x1c: {  	s12 =	smov.u32 s9;
	[sflag:s15] =	ssyncset.done @!p1 $0x0;
	s9 =	smov.u32 s14  }
0x1d: {  	s11 =	sadd.s32 $0x1, s11;
	[sflag:s15] =	ssyncadd.s32 @!p1 $0xFFFFE000;
	s10 =	smov.u32 s16  }
.LBB1_1:
0x1e: {  	p1 =	sge.u32 s11, s5  }
0x1f: {  	s14 =	sand.u32 @!p1 $0x1FFFFFF, s9  }
0x20: {  	s15 =	smulhi.u32 @!p1 $0x4924925, s14;
	_ =	sdelay $0x1  }
0x21: {  	s15 =	smul.u32 @!p1 $0x38, s15  }
0x22: {  	s16 =	sxor.u32 @!p1 $0xFFFFFFFF, s11;
	s17 =	smul.u32 @!p1 $0x380, s10  }
0x23: {  	s31 =	sadd.s32 $0xFFFFFFFF, s11;
	s16 =	sshll.u32 @!p1 s16, $0xD;
	s14 =	ssub.s32 @!p1 s14, s15  }
0x24: {  	s15 =	sand.u32 @!p1 $0x2000, s16;
	s16 =	sadd.s32 @!p1 s6, s17;
	s14 =	sshll.u32 @!p1 s14, $0x4  }
0x25: {  	s17 =	simm.s32 @!p1 $0x1C00;
	s14 =	sadd.s32 @!p1 s14, s16;
	s16 =	simm.s32 @!p1 $0x40  }
0x26: {  	[tilespmem:s15], [sflag:$0x1] =	stream.strided.gather @!p1 [hbm4b:s14+s16], $0x2000, s17, s16, $0x38;
	[tilespmem:$0x8080] =	vst v63  }
0x27: {  	p1 =	sge.u32 s31, s5  }
.Ltmp2:
0x28: {  	_ = 	snop;
	(pc) =	sbr.rel @p1 .LBB1_5-.Ltmp2, $1  }
0x29: {  	_ =	sdelay $0x3  }
0x2a: {  	s14 =	simm.s32 $0x1  }
0x2b: {  	_ =	swait.ge [sflag:s4], $0x2000;
	s14 =	simm.s32 @!p0 $0x0  }
0x2c: {  	[sflag:s4] =	ssyncset.done $0x0;
	s15 =	sshll.u32 s14, $0xD  }
0x2d: {  	[sflag:s4] =	ssyncadd.s32 $0xFFFFE000;
	s18 =	sor.u32 $0x20, s15  }
0x2e: {  	s14 =	smul.u32 $0x8100, s14;
	v3 =	vld [tilespmem:s18+$0x10]  }
0x2f: {  	s30 =	sand.u32 $0x1, s11;
	v2 =	vld [tilespmem:s18+$0xFFFFFFF0]  }
0x30: {  	s15 =	smul.u32 $0x8100, s30;
	s14 =	sshrl.u32 s14, $0x2;
	v0 =	vld [tilespmem:s18+$0x0]  }
0x31: {  	v1 =	vld [tilespmem:s18+$0xFFFFFFE0];
	s16 =	sor.u32 $0x4000, s14  }
0x32: {  	s31 =	sshrl.u32 s15, $0x2;
	s15 =	sadd.s32 $0x0, s16  }
0x33: {  	s17 =	simm.s32 $0x4;
	s18 =	sadd.s32 $0x40, s18;
	s14 =	sor.u32 $0x4000, s31;
	[tilespmem:s15+$0x1830 ss:$0x81] =	vst.msk $0xffff, v3  }
.LBB1_3:
0x34: {  	v3 =	vld [tilespmem:s18+$0x10];
	p1 =	sne.s32 s17, $0x1FC;
	[tilespmem:s15+$0x810 ss:$0x81] =	vst.msk $0xffff, v2;
	s19 =	smov.u32 s17;
	s17 =	sadd.s32 $0x4, s17  }
.Ltmp3:
0x35: {  	v2 =	vld [tilespmem:s18+$0xFFFFFFF0];
	[tilespmem:s15+$0x1020 ss:$0x81] =	vst.msk $0xffff, v0;
	(pc) =	sbr.rel @p1 .LBB1_3-.Ltmp3, $4  }
0x36: {  	v0 =	vld [tilespmem:s18+$0x0];
	[tilespmem:s15+$0x0 ss:$0x81] =	vst.msk $0xffff, v1  }
0x37: {  	s15 =	sshra.s32 s19, $0x2;
	v1 =	vld [tilespmem:s18+$0xFFFFFFE0]  }
0x38: {  	s15 =	sadd.s32 s15, s16  }
0x39: {  	s18 =	sadd.s32 $0x40, s18;
	[tilespmem:s15+$0x1830 ss:$0x81] =	vst.msk $0xffff, v3  }
.Ltmp4:
0x3a: {  	_ = 	snop;
	(pc) =	sbr.rel .LBB1_4-.Ltmp4, $1  }
0x3b: {  	_ =	sdelay $0x3  }
.LBB1_6:
0x3c: {  	_ =	sfence.sel $0x180000  }
0x3d: {  	s2 =	simm.s32 $0x1;
	[bflag:$0x0] =	sbarrier.arrive $0xFFFF  }
0x3e: {  	s31 =	simm.s32 $0x2;
	[sflag:s2] =	ssyncpa.u1 $0x1  }
0x3f: {  	[sflag:s31] =	ssyncpa.u1 $0x1  }
0x40: {  	p0 =	sne.s32 s0, $0x0;
	_ =	strace $0x9000004A  }
0x41: {  	s0 =	sadd.s32 @!p0 $0x100000, s1;
	[bflag:$0x2] =	sbarrier.arrive $0xFFFF  }
0x42: {  	[sflag:s0] =	ssyncadd.tile.s32 @!p0 $0x1;
	_ =	shalt  }
.Lfunc_end1:
_tile_overlayer_lowered:
.L_overlay_start_2:
0x43: {  	(tag) =	ssettag $0x2  }
0x44: {  	s0 =	rddreg [dreg:$0x0];
	s2 =	stileid.u32  }
0x45: {  	s1 =	rddreg [dreg:$0x1];
	p0 =	sne.s32 s2, $0x0  }
0x46: {  	s3 =	rddreg [dreg:$0x2];
	[bflag:$0x3] =	sbarrier.arrive $0xFFFF;
	s2 =	simm.s32 @!p0 $0x1C01  }
0x47: {  	[timem:s3], [sflag:s2] =	dma.local @!p0 [hbm:s0], s1  }
0x48: {  	s0 =	simm.s32 @!p0 $0x1  }
0x49: {  	_ =	swait.ge @!p0 [sflag:s0], s1  }
0x4a: {  	s1 =	ssub.s32 @!p0 $0x0, s1;
	[sflag:s0] =	ssyncset.done @!p0 $0x0  }
0x4b: {  	[sflag:s0] =	ssyncadd.s32 @!p0 s1  }
0x4c: {  	[bflag:$0x3] =	sbarrier.arrive $0xFFFF  }
0x4d: {  	_ =	shalt  }

</sc_bundles>
